<compile_context>
chip_gen: v7x
topology: tpu7x:2x2x1
jax: 0.10.2.dev20260603
libtpu: 0.0.44.dev20260713+nightly
codegen_flags: <defaults>
</compile_context>

<pallas_src>
import functools

import jax
import jax.numpy as jnp
from jax import lax
from jax.experimental import pallas as pl
from jax.experimental.pallas import tpu as pltpu
from jax.experimental.pallas import tpu_sc as plsc

VOCAB = 30522
D = 768
B = 16
L = 512

NC = 2
NS = 16
NW = NC * NS
TOK = B * L
CH = TOK // NW
PW = L // CH
P = 64
NP = CH // P
G = 16
DV = D // 16


def _body(ids_hbm, len_hbm, table_hbm, out_hbm,
          idx_refs, slv, bufA, bufB, zbuf, isem, zsem, gsems, ssems):
    wid = lax.axis_index("c") * NS + lax.axis_index("s")
    b = wid // PW
    l_start = (wid % PW) * CH

    bufs = (bufA, bufB)

    def stage_idx(i):
        return pltpu.make_async_copy(
            ids_hbm.at[b, pl.ds(l_start + i * P, P)], idx_refs[i], isem)

    def gather(i, s):
        return pltpu.make_async_copy(
            table_hbm.at[idx_refs[i]], bufs[s], gsems[s])

    stage_idx(0).start()
    stage_idx(1).start()
    stage_idx(0).wait()
    gather(0, 0).start()
    stage_idx(1).wait()
    gather(1, 1).start()
    for i in range(2, NP):
        stage_idx(i).start()

    pltpu.sync_copy(len_hbm, slv)
    for i in range(2, NP):
        stage_idx(i).wait()

    lane = lax.broadcasted_iota(jnp.int32, (16,), 0)
    sl = jnp.max(jnp.where(lane == b, slv[...], 0))
    nv = lax.max(lax.min(sl - l_start, CH), 0)

    zeros16 = jnp.zeros((16,), jnp.float32)

    def zrow(r, _):
        for c in range(DV):
            zbuf[r, pl.ds(c * 16, 16)] = zeros16
        return 0

    lax.fori_loop(0, G, zrow, 0)

    ztot = jnp.int32(0)

    for j in range(NP):
        s = j & 1
        buf = bufs[s]
        row0 = l_start + j * P
        lo = lax.max(lax.min(nv - j * P, P), 0)
        a16 = (lo + (G - 1)) & ~(G - 1)
        nu = a16 // G
        nz = (P - a16) // G

        def zfill(i, t):
            pltpu.make_async_copy(
                zbuf,
                out_hbm.at[b, pl.ds(pl.multiple_of(row0 + a16 + i * G, G), G)],
                zsem
            ).start()
            return t + 1

        ztot = lax.fori_loop(0, nz, zfill, ztot)

        if j < 2:
            gather(j, s).wait()
        else:
            def gwait(i, _):
                gather(j, s).wait()
                return 0

            lax.fori_loop(0, lax.min(nu, 1), gwait, 0)

        def zo(k, _):
            buf[lo + k // DV, pl.ds((k % DV) * 16, 16)] = zeros16
            return 0

        lax.fori_loop(0, (a16 - lo) * DV, zo, 0)

        def wb(i, _):
            pltpu.make_async_copy(
                buf.at[pl.ds(pl.multiple_of(i * G, G), G)],
                out_hbm.at[b, pl.ds(pl.multiple_of(row0 + i * G, G), G)], ssems[s]
            ).start()
            return 0

        lax.fori_loop(0, nu, wb, 0)

        if j + 2 < NP:
            def swait(i, _):
                pltpu.make_async_copy(
                    buf.at[pl.ds(pl.multiple_of(i * G, G), G)],
                    out_hbm.at[b, pl.ds(pl.multiple_of(row0 + i * G, G), G)], ssems[s]
                ).wait()
                return 0

            lax.fori_loop(0, nu, swait, 0)

            lo2 = lax.max(lax.min(nv - (j + 2) * P, P), 0)
            nu2 = lax.min((lo2 + (G - 1)) // G, 1)

            def gfire(i, _):
                gather(j + 2, s).start()
                return 0

            lax.fori_loop(0, nu2, gfire, 0)

    for j in (NP - 2, NP - 1):
        s = j & 1
        row0 = l_start + j * P
        lo = lax.max(lax.min(nv - j * P, P), 0)
        nu = ((lo + (G - 1)) & ~(G - 1)) // G

        def swait2(i, _):
            pltpu.make_async_copy(
                bufs[s].at[pl.ds(pl.multiple_of(i * G, G), G)],
                out_hbm.at[b, pl.ds(pl.multiple_of(row0 + i * G, G), G)], ssems[s]
            ).wait()
            return 0

        lax.fori_loop(0, nu, swait2, 0)

    def zdrain(i, _):
        pltpu.make_async_copy(
            zbuf, out_hbm.at[b, pl.ds(l_start, G)], zsem).wait()
        return 0

    lax.fori_loop(0, ztot, zdrain, 0)


@functools.partial(jax.jit, static_argnames=())
def kernel(seq_ids, seq_len, table):
    def body(ids_hbm, len_hbm, table_hbm, out_hbm, *rest):
        idx_refs = rest[:NP]
        slv = rest[NP]
        bufA, bufB, zbuf = rest[NP + 1:NP + 4]
        isem, zsem = rest[NP + 4:NP + 6]
        gsems = rest[NP + 6:NP + 8]
        ssems = rest[NP + 8:NP + 10]
        _body(ids_hbm, len_hbm, table_hbm, out_hbm,
              idx_refs, slv, bufA, bufB, zbuf, isem, zsem, gsems, ssems)

    run = pl.kernel(
        body,
        out_type=jax.ShapeDtypeStruct((B, L, D), jnp.float32),
        mesh=plsc.VectorSubcoreMesh(core_axis_name="c", subcore_axis_name="s"),
        compiler_params=pltpu.CompilerParams(needs_layout_passes=False),
        scratch_types=(
            [pltpu.VMEM((P,), jnp.int32) for _ in range(NP)]
            + [pltpu.VMEM((16,), jnp.int32)]
            + [pltpu.VMEM((P, D), jnp.float32) for _ in range(2)]
            + [pltpu.VMEM((G, D), jnp.float32)]
            + [pltpu.SemaphoreType.DMA for _ in range(6)]
        ),
    )
    return run(seq_ids, seq_len, table)

# --- scband reference (transcript-rebuilt; emitter-appended) ---
"""Pipeline reference for scband-transfer-embedding-57002805953017 (READ-ONLY COPY).

The authoritative reference and input builder live on the scoring server;
editing this copy changes nothing except your own understanding.
"""

import jax, jax.numpy as jnp
import numpy as np

VOCAB = 30522
D = 768
B = 16
L = 512

def setup_inputs(seed: int = 0) -> dict:
    key = jax.random.key(seed)
    k1, k2, k3 = jax.random.split(key, 3)
    seq_ids = jax.random.randint(k1, (B, L), 0, VOCAB)
    # lengths in [L//2, L]; force at least one full-length sequence so that
    # max(seq_len) == L and the pack/pad round-trip keeps the padded length L
    seq_len = jax.random.randint(k2, (B,), L // 2, L + 1)
    seq_len = seq_len.at[0].set(L)
    table = jax.random.normal(k3, (VOCAB, D), dtype=jnp.float32) * 0.02
    return {"seq_ids": seq_ids, "seq_len": seq_len, "table": table}

def reference(seq_ids, seq_len, table):
    # TransferEmbedding.forward: embedding lookup
    embed = jnp.take(table, seq_ids, axis=0)  # [B, L, D]
    # Squeezer: sort by -len, pack_padded_sequence -> pad_packed_sequence, unsort.
    # The sort/unsort is an exact inverse permutation on the batch dim, so the net
    # effect is: truncate to max(seq_len) (== L by construction) and zero out
    # positions t >= seq_len[b].
    pos = jnp.arange(L)[None, :]
    mask = (pos < seq_len[:, None]).astype(embed.dtype)  # [B, L]
    out = embed * mask[:, :, None]
    return out

if __name__ == "__main__":
    import jax
    _d = setup_inputs()
    print(jax.jit(kernel)(*tuple(_d.values())))

</pallas_src>

<mosaic_0001>
#map = affine_map<(d0, d1) -> (0, 0)>
#map1 = affine_map<(d0, d1) -> (0)>
#map2 = affine_map<(d0, d1) -> (0, 0, 0)>
module attributes {stable_mosaic.version = 14 : i64} {
  func.func @body(%arg0: i32, %arg1: i32, %arg2: memref<16x512xi32, #tpu.memory_space<hbm>>, %arg3: memref<16xi32, #tpu.memory_space<hbm>>, %arg4: memref<30522x768xf32, #tpu.memory_space<hbm>>, %arg5: memref<16x512x768xf32, #tpu.memory_space<hbm>>, %arg6: memref<64xi32, #tpu.memory_space<vmem>>, %arg7: memref<64xi32, #tpu.memory_space<vmem>>, %arg8: memref<64xi32, #tpu.memory_space<vmem>>, %arg9: memref<64xi32, #tpu.memory_space<vmem>>, %arg10: memref<16xi32, #tpu.memory_space<vmem>>, %arg11: memref<64x768xf32, #tpu.memory_space<vmem>>, %arg12: memref<64x768xf32, #tpu.memory_space<vmem>>, %arg13: memref<16x768xf32, #tpu.memory_space<vmem>>, %arg14: memref<!tpu.dma_semaphore, #tpu.memory_space<semaphore_mem>>, %arg15: memref<!tpu.dma_semaphore, #tpu.memory_space<semaphore_mem>>, %arg16: memref<!tpu.dma_semaphore, #tpu.memory_space<semaphore_mem>>, %arg17: memref<!tpu.dma_semaphore, #tpu.memory_space<semaphore_mem>>, %arg18: memref<!tpu.dma_semaphore, #tpu.memory_space<semaphore_mem>>, %arg19: memref<!tpu.dma_semaphore, #tpu.memory_space<semaphore_mem>>) attributes {dimension_semantics = [#tpu.dimension_semantics<core_parallel>, #tpu.dimension_semantics<subcore_parallel>], iteration_bounds = array<i64: 2, 16>, scalar_prefetch = 0 : i64, scratch_operands = 14 : i64, tpu.core_type = #tpu.core_type<sc_vector_subcore>, window_params = [{transform_indices = #map}, {transform_indices = #map1}, {transform_indices = #map}, {transform_indices = #map2}]} {
    %mul3A = arith.constant 16 : i32
    %mul3A_0 = arith.muli %arg0, %mul3A : i32
    %add3A = arith.addi %mul3A_0, %arg1 : i32
    %jit3A = arith.constant 2 : i32
    %div3A = arith.divsi %add3A, %jit3A : i32
    %sign3A = arith.constant 0 : i32
    %sign3A_1 = arith.cmpi sgt, %add3A, %sign3A : i32
    %sign3A_2 = arith.extui %sign3A_1 : i1 to i32
    %sign3A_3 = arith.constant 0 : i32
    %sign3A_4 = arith.cmpi slt, %add3A, %sign3A_3 : i32
    %sign3A_5 = arith.extui %sign3A_4 : i1 to i32
    %sign3A_6 = arith.subi %sign3A_2, %sign3A_5 : i32
    %sign3A_7 = arith.constant 0 : i32
    %sign3A_8 = arith.cmpi sgt, %jit3A, %sign3A_7 : i32
    %sign3A_9 = arith.extui %sign3A_8 : i1 to i32
    %sign3A_10 = arith.constant 0 : i32
    %sign3A_11 = arith.cmpi slt, %jit3A, %sign3A_10 : i32
    %sign3A_12 = arith.extui %sign3A_11 : i1 to i32
    %sign3A_13 = arith.subi %sign3A_9, %sign3A_12 : i32
    %ne3A = arith.cmpi ne, %sign3A_6, %sign3A_13 : i32
    %rem3A = arith.remsi %add3A, %jit3A : i32
    %ne3A_14 = arith.constant 0 : i32
    %ne3A_15 = arith.cmpi ne, %rem3A, %ne3A_14 : i32
    %and3A = arith.andi %ne3A, %ne3A_15 : i1
    %sub3A = arith.constant 1 : i32
    %sub3A_16 = arith.subi %div3A, %sub3A : i32
    %select_n3A = arith.select %and3A, %sub3A_16, %div3A : i32
    %jit3A_17 = arith.constant 2 : i32
    %eq3A = arith.constant 0 : i32
    %eq3A_18 = arith.cmpi eq, %jit3A_17, %eq3A : i32
    %jit3A_19 = arith.constant 1 : i32
    %select_n3A_20 = arith.select %eq3A_18, %jit3A_19, %jit3A_17 : i32
    %rem3A_21 = arith.remsi %add3A, %select_n3A_20 : i32
    %ne3A_22 = arith.constant 0 : i32
    %ne3A_23 = arith.cmpi ne, %rem3A_21, %ne3A_22 : i32
    %lt3A = arith.constant 0 : i32
    %lt3A_24 = arith.cmpi slt, %rem3A_21, %lt3A : i32
    %lt3A_25 = arith.constant 0 : i32
    %lt3A_26 = arith.cmpi slt, %select_n3A_20, %lt3A_25 : i32
    %ne3A_27 = arith.xori %lt3A_24, %lt3A_26 : i1
    %and3A_28 = arith.andi %ne3A_27, %ne3A_23 : i1
    %add3A_29 = arith.addi %rem3A_21, %select_n3A_20 : i32
    %select_n3A_30 = arith.select %and3A_28, %add3A_29, %rem3A_21 : i32
    %mul3A_31 = arith.constant 256 : i32
    %mul3A_32 = arith.muli %select_n3A_30, %mul3A_31 : i32
    %add3A_33 = arith.constant 0 : i32
    %add3A_34 = arith.addi %mul3A_32, %add3A_33 : i32
    %dma_start3A = tpu.memref_slice %arg2[%select_n3A, %add3A_34] : memref<16x512xi32, #tpu.memory_space<hbm>> -> memref<1x64xi32, #tpu.memory_space<hbm>>
    %dma_start3A_35 = tpu.memref_squeeze %dma_start3A : memref<1x64xi32, #tpu.memory_space<hbm>> -> memref<64xi32, #tpu.memory_space<hbm>>
    %dma_start3A_36 = tpu.memref_slice %arg2[%select_n3A, %add3A_34] : memref<16x512xi32, #tpu.memory_space<hbm>> -> memref<1x64xi32, #tpu.memory_space<hbm>>
    %dma_start3A_37 = tpu.memref_squeeze %dma_start3A_36 : memref<1x64xi32, #tpu.memory_space<hbm>> -> memref<64xi32, #tpu.memory_space<hbm>>
    tpu.enqueue_dma source(%dma_start3A_37 : memref<64xi32, #tpu.memory_space<hbm>>) target(%arg6 : memref<64xi32, #tpu.memory_space<vmem>>) target_semaphore(%arg14 : memref<!tpu.dma_semaphore, #tpu.memory_space<semaphore_mem>>)
    %add3A_38 = arith.constant 64 : i32
    %add3A_39 = arith.addi %mul3A_32, %add3A_38 : i32
    %dma_start3A_40 = tpu.memref_slice %arg2[%select_n3A, %add3A_39] : memref<16x512xi32, #tpu.memory_space<hbm>> -> memref<1x64xi32, #tpu.memory_space<hbm>>
    %dma_start3A_41 = tpu.memref_squeeze %dma_start3A_40 : memref<1x64xi32, #tpu.memory_space<hbm>> -> memref<64xi32, #tpu.memory_space<hbm>>
    %dma_start3A_42 = tpu.memref_slice %arg2[%select_n3A, %add3A_39] : memref<16x512xi32, #tpu.memory_space<hbm>> -> memref<1x64xi32, #tpu.memory_space<hbm>>
    %dma_start3A_43 = tpu.memref_squeeze %dma_start3A_42 : memref<1x64xi32, #tpu.memory_space<hbm>> -> memref<64xi32, #tpu.memory_space<hbm>>
    tpu.enqueue_dma source(%dma_start3A_43 : memref<64xi32, #tpu.memory_space<hbm>>) target(%arg7 : memref<64xi32, #tpu.memory_space<vmem>>) target_semaphore(%arg14 : memref<!tpu.dma_semaphore, #tpu.memory_space<semaphore_mem>>)
    %add3A_44 = arith.constant 0 : i32
    %add3A_45 = arith.addi %mul3A_32, %add3A_44 : i32
    %dma_wait3A = tpu.memref_slice %arg2[%select_n3A, %add3A_45] : memref<16x512xi32, #tpu.memory_space<hbm>> -> memref<1x64xi32, #tpu.memory_space<hbm>>
    %dma_wait3A_46 = tpu.memref_squeeze %dma_wait3A : memref<1x64xi32, #tpu.memory_space<hbm>> -> memref<64xi32, #tpu.memory_space<hbm>>
    %dma_wait3A_47 = tpu.memref_slice %arg2[%select_n3A, %add3A_45] : memref<16x512xi32, #tpu.memory_space<hbm>> -> memref<1x64xi32, #tpu.memory_space<hbm>>
    %dma_wait3A_48 = tpu.memref_squeeze %dma_wait3A_47 : memref<1x64xi32, #tpu.memory_space<hbm>> -> memref<64xi32, #tpu.memory_space<hbm>>
    tpu.wait_dma2 semaphore(%arg14 : memref<!tpu.dma_semaphore, #tpu.memory_space<semaphore_mem>>) src(%dma_wait3A_48 : memref<64xi32, #tpu.memory_space<hbm>>) dst(%arg6 : memref<64xi32, #tpu.memory_space<vmem>>)
    %dma_start3A_49 = arith.constant 0 : i32
    %dma_start3A_50 = arith.constant 0 : i32
    %dma_start3A_51 = tpu.memref_slice %arg4[%dma_start3A_49, %dma_start3A_50] : memref<30522x768xf32, #tpu.memory_space<hbm>> -> memref<30522x768xf32, #tpu.memory_space<hbm>>
    tpu.enqueue_indirect_dma source(%dma_start3A_51 : memref<30522x768xf32, #tpu.memory_space<hbm>>) target(%arg11 : memref<64x768xf32, #tpu.memory_space<vmem>>) offsets(%arg6 : memref<64xi32, #tpu.memory_space<vmem>>) semaphore(%arg16 : memref<!tpu.dma_semaphore, #tpu.memory_space<semaphore_mem>>)
    %add3A_52 = arith.constant 64 : i32
    %add3A_53 = arith.addi %mul3A_32, %add3A_52 : i32
    %dma_wait3A_54 = tpu.memref_slice %arg2[%select_n3A, %add3A_53] : memref<16x512xi32, #tpu.memory_space<hbm>> -> memref<1x64xi32, #tpu.memory_space<hbm>>
    %dma_wait3A_55 = tpu.memref_squeeze %dma_wait3A_54 : memref<1x64xi32, #tpu.memory_space<hbm>> -> memref<64xi32, #tpu.memory_space<hbm>>
    %dma_wait3A_56 = tpu.memref_slice %arg2[%select_n3A, %add3A_53] : memref<16x512xi32, #tpu.memory_space<hbm>> -> memref<1x64xi32, #tpu.memory_space<hbm>>
    %dma_wait3A_57 = tpu.memref_squeeze %dma_wait3A_56 : memref<1x64xi32, #tpu.memory_space<hbm>> -> memref<64xi32, #tpu.memory_space<hbm>>
    tpu.wait_dma2 semaphore(%arg14 : memref<!tpu.dma_semaphore, #tpu.memory_space<semaphore_mem>>) src(%dma_wait3A_57 : memref<64xi32, #tpu.memory_space<hbm>>) dst(%arg7 : memref<64xi32, #tpu.memory_space<vmem>>)
    %dma_start3A_58 = arith.constant 0 : i32
    %dma_start3A_59 = arith.constant 0 : i32
    %dma_start3A_60 = tpu.memref_slice %arg4[%dma_start3A_58, %dma_start3A_59] : memref<30522x768xf32, #tpu.memory_space<hbm>> -> memref<30522x768xf32, #tpu.memory_space<hbm>>
    tpu.enqueue_indirect_dma source(%dma_start3A_60 : memref<30522x768xf32, #tpu.memory_space<hbm>>) target(%arg12 : memref<64x768xf32, #tpu.memory_space<vmem>>) offsets(%arg7 : memref<64xi32, #tpu.memory_space<vmem>>) semaphore(%arg17 : memref<!tpu.dma_semaphore, #tpu.memory_space<semaphore_mem>>)
    %add3A_61 = arith.constant 128 : i32
    %add3A_62 = arith.addi %mul3A_32, %add3A_61 : i32
    %dma_start3A_63 = tpu.memref_slice %arg2[%select_n3A, %add3A_62] : memref<16x512xi32, #tpu.memory_space<hbm>> -> memref<1x64xi32, #tpu.memory_space<hbm>>
    %dma_start3A_64 = tpu.memref_squeeze %dma_start3A_63 : memref<1x64xi32, #tpu.memory_space<hbm>> -> memref<64xi32, #tpu.memory_space<hbm>>
    %dma_start3A_65 = tpu.memref_slice %arg2[%select_n3A, %add3A_62] : memref<16x512xi32, #tpu.memory_space<hbm>> -> memref<1x64xi32, #tpu.memory_space<hbm>>
    %dma_start3A_66 = tpu.memref_squeeze %dma_start3A_65 : memref<1x64xi32, #tpu.memory_space<hbm>> -> memref<64xi32, #tpu.memory_space<hbm>>
    tpu.enqueue_dma source(%dma_start3A_66 : memref<64xi32, #tpu.memory_space<hbm>>) target(%arg8 : memref<64xi32, #tpu.memory_space<vmem>>) target_semaphore(%arg14 : memref<!tpu.dma_semaphore, #tpu.memory_space<semaphore_mem>>)
    %add3A_67 = arith.constant 192 : i32
    %add3A_68 = arith.addi %mul3A_32, %add3A_67 : i32
    %dma_start3A_69 = tpu.memref_slice %arg2[%select_n3A, %add3A_68] : memref<16x512xi32, #tpu.memory_space<hbm>> -> memref<1x64xi32, #tpu.memory_space<hbm>>
    %dma_start3A_70 = tpu.memref_squeeze %dma_start3A_69 : memref<1x64xi32, #tpu.memory_space<hbm>> -> memref<64xi32, #tpu.memory_space<hbm>>
    %dma_start3A_71 = tpu.memref_slice %arg2[%select_n3A, %add3A_68] : memref<16x512xi32, #tpu.memory_space<hbm>> -> memref<1x64xi32, #tpu.memory_space<hbm>>
    %dma_start3A_72 = tpu.memref_squeeze %dma_start3A_71 : memref<1x64xi32, #tpu.memory_space<hbm>> -> memref<64xi32, #tpu.memory_space<hbm>>
    tpu.enqueue_dma source(%dma_start3A_72 : memref<64xi32, #tpu.memory_space<hbm>>) target(%arg9 : memref<64xi32, #tpu.memory_space<vmem>>) target_semaphore(%arg14 : memref<!tpu.dma_semaphore, #tpu.memory_space<semaphore_mem>>)
    "tpu.region"() ({
      %run_scoped3A = tpu.sem_alloc : memref<!tpu.dma_semaphore, #tpu.memory_space<semaphore_mem>>
      tpu.enqueue_dma source(%arg3 : memref<16xi32, #tpu.memory_space<hbm>>) target(%arg10 : memref<16xi32, #tpu.memory_space<vmem>>) target_semaphore(%run_scoped3A : memref<!tpu.dma_semaphore, #tpu.memory_space<semaphore_mem>>)
      tpu.wait_dma2 semaphore(%run_scoped3A : memref<!tpu.dma_semaphore, #tpu.memory_space<semaphore_mem>>) src(%arg3 : memref<16xi32, #tpu.memory_space<hbm>>) dst(%arg10 : memref<16xi32, #tpu.memory_space<vmem>>)
      tpu.yield
    }) : () -> ()
    %add3A_73 = arith.constant 128 : i32
    %add3A_74 = arith.addi %mul3A_32, %add3A_73 : i32
    %dma_wait3A_75 = tpu.memref_slice %arg2[%select_n3A, %add3A_74] : memref<16x512xi32, #tpu.memory_space<hbm>> -> memref<1x64xi32, #tpu.memory_space<hbm>>
    %dma_wait3A_76 = tpu.memref_squeeze %dma_wait3A_75 : memref<1x64xi32, #tpu.memory_space<hbm>> -> memref<64xi32, #tpu.memory_space<hbm>>
    %dma_wait3A_77 = tpu.memref_slice %arg2[%select_n3A, %add3A_74] : memref<16x512xi32, #tpu.memory_space<hbm>> -> memref<1x64xi32, #tpu.memory_space<hbm>>
    %dma_wait3A_78 = tpu.memref_squeeze %dma_wait3A_77 : memref<1x64xi32, #tpu.memory_space<hbm>> -> memref<64xi32, #tpu.memory_space<hbm>>
    tpu.wait_dma2 semaphore(%arg14 : memref<!tpu.dma_semaphore, #tpu.memory_space<semaphore_mem>>) src(%dma_wait3A_78 : memref<64xi32, #tpu.memory_space<hbm>>) dst(%arg8 : memref<64xi32, #tpu.memory_space<vmem>>)
    %add3A_79 = arith.constant 192 : i32
    %add3A_80 = arith.addi %mul3A_32, %add3A_79 : i32
    %dma_wait3A_81 = tpu.memref_slice %arg2[%select_n3A, %add3A_80] : memref<16x512xi32, #tpu.memory_space<hbm>> -> memref<1x64xi32, #tpu.memory_space<hbm>>
    %dma_wait3A_82 = tpu.memref_squeeze %dma_wait3A_81 : memref<1x64xi32, #tpu.memory_space<hbm>> -> memref<64xi32, #tpu.memory_space<hbm>>
    %dma_wait3A_83 = tpu.memref_slice %arg2[%select_n3A, %add3A_80] : memref<16x512xi32, #tpu.memory_space<hbm>> -> memref<1x64xi32, #tpu.memory_space<hbm>>
    %dma_wait3A_84 = tpu.memref_squeeze %dma_wait3A_83 : memref<1x64xi32, #tpu.memory_space<hbm>> -> memref<64xi32, #tpu.memory_space<hbm>>
    tpu.wait_dma2 semaphore(%arg14 : memref<!tpu.dma_semaphore, #tpu.memory_space<semaphore_mem>>) src(%dma_wait3A_84 : memref<64xi32, #tpu.memory_space<hbm>>) dst(%arg9 : memref<64xi32, #tpu.memory_space<vmem>>)
    %iota3A = tpu.iota {dimensions = array<i32: 0>} : vector<16xi32>
    %eq3A_85 = vector.broadcast %select_n3A : i32 to vector<16xi32>
    %eq3A_86 = arith.cmpi eq, %iota3A, %eq3A_85 : vector<16xi32>
    %get3A = arith.constant 0 : index
    %get3A_87 = tpu.vector_load %arg10[%get3A] {strides = array<i32>} : memref<16xi32, #tpu.memory_space<vmem>>, vector<16xi32>,
    %jit3A_88 = arith.constant 0 : i32
    %broadcast_in_dim3A = vector.broadcast %jit3A_88 : i32 to vector<16xi32>
    %select_n3A_89 = arith.select %eq3A_86, %get3A_87, %broadcast_in_dim3A : vector<16xi1>, vector<16xi32>
    %reduce_max3A = arith.constant true
    %reduce_max3A_90 = vector.broadcast %reduce_max3A : i1 to vector<16xi1>
    %reduce_max3A_91 = arith.constant -2147483648 : i32
    %reduce_max3A_92 = vector.broadcast %reduce_max3A_91 : i32 to vector<16xi32>
    %reduce_max3A_93 = arith.xori %select_n3A_89, %reduce_max3A_92 : vector<16xi32>
    %reduce_max3A_94 = tpu.scan <max>, %reduce_max3A_93 masked %reduce_max3A_90 : vector<16xi32>, vector<16xi1> -> vector<16xi32>
    %reduce_max3A_95 = arith.xori %reduce_max3A_94, %reduce_max3A_92 : vector<16xi32>
    %reduce_max3A_96 = vector.extract %reduce_max3A_95[15] : i32 from vector<16xi32>
    %sub3A_97 = arith.subi %reduce_max3A_96, %mul3A_32 : i32
    %min3A = arith.constant 256 : i32
    %min3A_98 = arith.minsi %sub3A_97, %min3A : i32
    %max3A = arith.constant 0 : i32
    %max3A_99 = arith.maxsi %min3A_98, %max3A : i32
    %broadcast_in_dim3A_100 = arith.constant 0.000000e+00 : f32
    %broadcast_in_dim3A_101 = vector.broadcast %broadcast_in_dim3A_100 : f32 to vector<16xf32>
    %scan3A = arith.constant 0 : i32
    %scan3A_102 = arith.constant 0 : i32
    %scan3A_103 = arith.constant 16 : i32
    %scan3A_104 = arith.addi %scan3A_102, %scan3A_103 : i32
    %scan3A_105 = arith.constant 1 : i32
    %scan3A_106 = scf.for %scan3A_766 = %scan3A_102 to %scan3A_104 step %scan3A_105 iter_args(%scan3A_767 = %scan3A) -> (i32)  : i32 {
      %swap3A = arith.index_cast %scan3A_766 : i32 to index
      %swap3A_768 = arith.constant 0 : index
      %swap3A_769 = tpu.vector_load %arg13[%swap3A, %swap3A_768] {strides = array<i32>} : memref<16x768xf32, #tpu.memory_space<vmem>>, vector<16xf32>,
      tpu.vector_store %arg13[%swap3A, %swap3A_768], %broadcast_in_dim3A_101 {strides = array<i32>} : memref<16x768xf32, #tpu.memory_space<vmem>>, vector<16xf32>,
      %swap3A_770 = arith.index_cast %scan3A_766 : i32 to index
      %swap3A_771 = arith.constant 16 : index
      %swap3A_772 = tpu.vector_load %arg13[%swap3A_770, %swap3A_771] {strides = array<i32>} : memref<16x768xf32, #tpu.memory_space<vmem>>, vector<16xf32>,
      tpu.vector_store %arg13[%swap3A_770, %swap3A_771], %broadcast_in_dim3A_101 {strides = array<i32>} : memref<16x768xf32, #tpu.memory_space<vmem>>, vector<16xf32>,
      %swap3A_773 = arith.index_cast %scan3A_766 : i32 to index
      %swap3A_774 = arith.constant 32 : index
      %swap3A_775 = tpu.vector_load %arg13[%swap3A_773, %swap3A_774] {strides = array<i32>} : memref<16x768xf32, #tpu.memory_space<vmem>>, vector<16xf32>,
      tpu.vector_store %arg13[%swap3A_773, %swap3A_774], %broadcast_in_dim3A_101 {strides = array<i32>} : memref<16x768xf32, #tpu.memory_space<vmem>>, vector<16xf32>,
      %swap3A_776 = arith.index_cast %scan3A_766 : i32 to index
      %swap3A_777 = arith.constant 48 : index
      %swap3A_778 = tpu.vector_load %arg13[%swap3A_776, %swap3A_777] {strides = array<i32>} : memref<16x768xf32, #tpu.memory_space<vmem>>, vector<16xf32>,
      tpu.vector_store %arg13[%swap3A_776, %swap3A_777], %broadcast_in_dim3A_101 {strides = array<i32>} : memref<16x768xf32, #tpu.memory_space<vmem>>, vector<16xf32>,
      %swap3A_779 = arith.index_cast %scan3A_766 : i32 to index
      %swap3A_780 = arith.constant 64 : index
      %swap3A_781 = tpu.vector_load %arg13[%swap3A_779, %swap3A_780] {strides = array<i32>} : memref<16x768xf32, #tpu.memory_space<vmem>>, vector<16xf32>,
      tpu.vector_store %arg13[%swap3A_779, %swap3A_780], %broadcast_in_dim3A_101 {strides = array<i32>} : memref<16x768xf32, #tpu.memory_space<vmem>>, vector<16xf32>,
      %swap3A_782 = arith.index_cast %scan3A_766 : i32 to index
      %swap3A_783 = arith.constant 80 : index
      %swap3A_784 = tpu.vector_load %arg13[%swap3A_782, %swap3A_783] {strides = array<i32>} : memref<16x768xf32, #tpu.memory_space<vmem>>, vector<16xf32>,
      tpu.vector_store %arg13[%swap3A_782, %swap3A_783], %broadcast_in_dim3A_101 {strides = array<i32>} : memref<16x768xf32, #tpu.memory_space<vmem>>, vector<16xf32>,
      %swap3A_785 = arith.index_cast %scan3A_766 : i32 to index
      %swap3A_786 = arith.constant 96 : index
      %swap3A_787 = tpu.vector_load %arg13[%swap3A_785, %swap3A_786] {strides = array<i32>} : memref<16x768xf32, #tpu.memory_space<vmem>>, vector<16xf32>,
      tpu.vector_store %arg13[%swap3A_785, %swap3A_786], %broadcast_in_dim3A_101 {strides = array<i32>} : memref<16x768xf32, #tpu.memory_space<vmem>>, vector<16xf32>,
      %swap3A_788 = arith.index_cast %scan3A_766 : i32 to index
      %swap3A_789 = arith.constant 112 : index
      %swap3A_790 = tpu.vector_load %arg13[%swap3A_788, %swap3A_789] {strides = array<i32>} : memref<16x768xf32, #tpu.memory_space<vmem>>, vector<16xf32>,
      tpu.vector_store %arg13[%swap3A_788, %swap3A_789], %broadcast_in_dim3A_101 {strides = array<i32>} : memref<16x768xf32, #tpu.memory_space<vmem>>, vector<16xf32>,
      %swap3A_791 = arith.index_cast %scan3A_766 : i32 to index
      %swap3A_792 = arith.constant 128 : index
      %swap3A_793 = tpu.vector_load %arg13[%swap3A_791, %swap3A_792] {strides = array<i32>} : memref<16x768xf32, #tpu.memory_space<vmem>>, vector<16xf32>,
      tpu.vector_store %arg13[%swap3A_791, %swap3A_792], %broadcast_in_dim3A_101 {strides = array<i32>} : memref<16x768xf32, #tpu.memory_space<vmem>>, vector<16xf32>,
      %swap3A_794 = arith.index_cast %scan3A_766 : i32 to index
      %swap3A_795 = arith.constant 144 : index
      %swap3A_796 = tpu.vector_load %arg13[%swap3A_794, %swap3A_795] {strides = array<i32>} : memref<16x768xf32, #tpu.memory_space<vmem>>, vector<16xf32>,
      tpu.vector_store %arg13[%swap3A_794, %swap3A_795], %broadcast_in_dim3A_101 {strides = array<i32>} : memref<16x768xf32, #tpu.memory_space<vmem>>, vector<16xf32>,
      %swap3A_797 = arith.index_cast %scan3A_766 : i32 to index
      %swap3A_798 = arith.constant 160 : index
      %swap3A_799 = tpu.vector_load %arg13[%swap3A_797, %swap3A_798] {strides = array<i32>} : memref<16x768xf32, #tpu.memory_space<vmem>>, vector<16xf32>,
      tpu.vector_store %arg13[%swap3A_797, %swap3A_798], %broadcast_in_dim3A_101 {strides = array<i32>} : memref<16x768xf32, #tpu.memory_space<vmem>>, vector<16xf32>,
      %swap3A_800 = arith.index_cast %scan3A_766 : i32 to index
      %swap3A_801 = arith.constant 176 : index
      %swap3A_802 = tpu.vector_load %arg13[%swap3A_800, %swap3A_801] {strides = array<i32>} : memref<16x768xf32, #tpu.memory_space<vmem>>, vector<16xf32>,
      tpu.vector_store %arg13[%swap3A_800, %swap3A_801], %broadcast_in_dim3A_101 {strides = array<i32>} : memref<16x768xf32, #tpu.memory_space<vmem>>, vector<16xf32>,
      %swap3A_803 = arith.index_cast %scan3A_766 : i32 to index
      %swap3A_804 = arith.constant 192 : index
      %swap3A_805 = tpu.vector_load %arg13[%swap3A_803, %swap3A_804] {strides = array<i32>} : memref<16x768xf32, #tpu.memory_space<vmem>>, vector<16xf32>,
      tpu.vector_store %arg13[%swap3A_803, %swap3A_804], %broadcast_in_dim3A_101 {strides = array<i32>} : memref<16x768xf32, #tpu.memory_space<vmem>>, vector<16xf32>,
      %swap3A_806 = arith.index_cast %scan3A_766 : i32 to index
      %swap3A_807 = arith.constant 208 : index
      %swap3A_808 = tpu.vector_load %arg13[%swap3A_806, %swap3A_807] {strides = array<i32>} : memref<16x768xf32, #tpu.memory_space<vmem>>, vector<16xf32>,
      tpu.vector_store %arg13[%swap3A_806, %swap3A_807], %broadcast_in_dim3A_101 {strides = array<i32>} : memref<16x768xf32, #tpu.memory_space<vmem>>, vector<16xf32>,
      %swap3A_809 = arith.index_cast %scan3A_766 : i32 to index
      %swap3A_810 = arith.constant 224 : index
      %swap3A_811 = tpu.vector_load %arg13[%swap3A_809, %swap3A_810] {strides = array<i32>} : memref<16x768xf32, #tpu.memory_space<vmem>>, vector<16xf32>,
      tpu.vector_store %arg13[%swap3A_809, %swap3A_810], %broadcast_in_dim3A_101 {strides = array<i32>} : memref<16x768xf32, #tpu.memory_space<vmem>>, vector<16xf32>,
      %swap3A_812 = arith.index_cast %scan3A_766 : i32 to index
      %swap3A_813 = arith.constant 240 : index
      %swap3A_814 = tpu.vector_load %arg13[%swap3A_812, %swap3A_813] {strides = array<i32>} : memref<16x768xf32, #tpu.memory_space<vmem>>, vector<16xf32>,
      tpu.vector_store %arg13[%swap3A_812, %swap3A_813], %broadcast_in_dim3A_101 {strides = array<i32>} : memref<16x768xf32, #tpu.memory_space<vmem>>, vector<16xf32>,
      %swap3A_815 = arith.index_cast %scan3A_766 : i32 to index
      %swap3A_816 = arith.constant 256 : index
      %swap3A_817 = tpu.vector_load %arg13[%swap3A_815, %swap3A_816] {strides = array<i32>} : memref<16x768xf32, #tpu.memory_space<vmem>>, vector<16xf32>,
      tpu.vector_store %arg13[%swap3A_815, %swap3A_816], %broadcast_in_dim3A_101 {strides = array<i32>} : memref<16x768xf32, #tpu.memory_space<vmem>>, vector<16xf32>,
      %swap3A_818 = arith.index_cast %scan3A_766 : i32 to index
      %swap3A_819 = arith.constant 272 : index
      %swap3A_820 = tpu.vector_load %arg13[%swap3A_818, %swap3A_819] {strides = array<i32>} : memref<16x768xf32, #tpu.memory_space<vmem>>, vector<16xf32>,
      tpu.vector_store %arg13[%swap3A_818, %swap3A_819], %broadcast_in_dim3A_101 {strides = array<i32>} : memref<16x768xf32, #tpu.memory_space<vmem>>, vector<16xf32>,
      %swap3A_821 = arith.index_cast %scan3A_766 : i32 to index
      %swap3A_822 = arith.constant 288 : index
      %swap3A_823 = tpu.vector_load %arg13[%swap3A_821, %swap3A_822] {strides = array<i32>} : memref<16x768xf32, #tpu.memory_space<vmem>>, vector<16xf32>,
      tpu.vector_store %arg13[%swap3A_821, %swap3A_822], %broadcast_in_dim3A_101 {strides = array<i32>} : memref<16x768xf32, #tpu.memory_space<vmem>>, vector<16xf32>,
      %swap3A_824 = arith.index_cast %scan3A_766 : i32 to index
      %swap3A_825 = arith.constant 304 : index
      %swap3A_826 = tpu.vector_load %arg13[%swap3A_824, %swap3A_825] {strides = array<i32>} : memref<16x768xf32, #tpu.memory_space<vmem>>, vector<16xf32>,
      tpu.vector_store %arg13[%swap3A_824, %swap3A_825], %broadcast_in_dim3A_101 {strides = array<i32>} : memref<16x768xf32, #tpu.memory_space<vmem>>, vector<16xf32>,
      %swap3A_827 = arith.index_cast %scan3A_766 : i32 to index
      %swap3A_828 = arith.constant 320 : index
      %swap3A_829 = tpu.vector_load %arg13[%swap3A_827, %swap3A_828] {strides = array<i32>} : memref<16x768xf32, #tpu.memory_space<vmem>>, vector<16xf32>,
      tpu.vector_store %arg13[%swap3A_827, %swap3A_828], %broadcast_in_dim3A_101 {strides = array<i32>} : memref<16x768xf32, #tpu.memory_space<vmem>>, vector<16xf32>,
      %swap3A_830 = arith.index_cast %scan3A_766 : i32 to index
      %swap3A_831 = arith.constant 336 : index
      %swap3A_832 = tpu.vector_load %arg13[%swap3A_830, %swap3A_831] {strides = array<i32>} : memref<16x768xf32, #tpu.memory_space<vmem>>, vector<16xf32>,
      tpu.vector_store %arg13[%swap3A_830, %swap3A_831], %broadcast_in_dim3A_101 {strides = array<i32>} : memref<16x768xf32, #tpu.memory_space<vmem>>, vector<16xf32>,
      %swap3A_833 = arith.index_cast %scan3A_766 : i32 to index
      %swap3A_834 = arith.constant 352 : index
      %swap3A_835 = tpu.vector_load %arg13[%swap3A_833, %swap3A_834] {strides = array<i32>} : memref<16x768xf32, #tpu.memory_space<vmem>>, vector<16xf32>,
      tpu.vector_store %arg13[%swap3A_833, %swap3A_834], %broadcast_in_dim3A_101 {strides = array<i32>} : memref<16x768xf32, #tpu.memory_space<vmem>>, vector<16xf32>,
      %swap3A_836 = arith.index_cast %scan3A_766 : i32 to index
      %swap3A_837 = arith.constant 368 : index
      %swap3A_838 = tpu.vector_load %arg13[%swap3A_836, %swap3A_837] {strides = array<i32>} : memref<16x768xf32, #tpu.memory_space<vmem>>, vector<16xf32>,
      tpu.vector_store %arg13[%swap3A_836, %swap3A_837], %broadcast_in_dim3A_101 {strides = array<i32>} : memref<16x768xf32, #tpu.memory_space<vmem>>, vector<16xf32>,
      %swap3A_839 = arith.index_cast %scan3A_766 : i32 to index
      %swap3A_840 = arith.constant 384 : index
      %swap3A_841 = tpu.vector_load %arg13[%swap3A_839, %swap3A_840] {strides = array<i32>} : memref<16x768xf32, #tpu.memory_space<vmem>>, vector<16xf32>,
      tpu.vector_store %arg13[%swap3A_839, %swap3A_840], %broadcast_in_dim3A_101 {strides = array<i32>} : memref<16x768xf32, #tpu.memory_space<vmem>>, vector<16xf32>,
      %swap3A_842 = arith.index_cast %scan3A_766 : i32 to index
      %swap3A_843 = arith.constant 400 : index
      %swap3A_844 = tpu.vector_load %arg13[%swap3A_842, %swap3A_843] {strides = array<i32>} : memref<16x768xf32, #tpu.memory_space<vmem>>, vector<16xf32>,
      tpu.vector_store %arg13[%swap3A_842, %swap3A_843], %broadcast_in_dim3A_101 {strides = array<i32>} : memref<16x768xf32, #tpu.memory_space<vmem>>, vector<16xf32>,
      %swap3A_845 = arith.index_cast %scan3A_766 : i32 to index
      %swap3A_846 = arith.constant 416 : index
      %swap3A_847 = tpu.vector_load %arg13[%swap3A_845, %swap3A_846] {strides = array<i32>} : memref<16x768xf32, #tpu.memory_space<vmem>>, vector<16xf32>,
      tpu.vector_store %arg13[%swap3A_845, %swap3A_846], %broadcast_in_dim3A_101 {strides = array<i32>} : memref<16x768xf32, #tpu.memory_space<vmem>>, vector<16xf32>,
      %swap3A_848 = arith.index_cast %scan3A_766 : i32 to index
      %swap3A_849 = arith.constant 432 : index
      %swap3A_850 = tpu.vector_load %arg13[%swap3A_848, %swap3A_849] {strides = array<i32>} : memref<16x768xf32, #tpu.memory_space<vmem>>, vector<16xf32>,
      tpu.vector_store %arg13[%swap3A_848, %swap3A_849], %broadcast_in_dim3A_101 {strides = array<i32>} : memref<16x768xf32, #tpu.memory_space<vmem>>, vector<16xf32>,
      %swap3A_851 = arith.index_cast %scan3A_766 : i32 to index
      %swap3A_852 = arith.constant 448 : index
      %swap3A_853 = tpu.vector_load %arg13[%swap3A_851, %swap3A_852] {strides = array<i32>} : memref<16x768xf32, #tpu.memory_space<vmem>>, vector<16xf32>,
      tpu.vector_store %arg13[%swap3A_851, %swap3A_852], %broadcast_in_dim3A_101 {strides = array<i32>} : memref<16x768xf32, #tpu.memory_space<vmem>>, vector<16xf32>,
      %swap3A_854 = arith.index_cast %scan3A_766 : i32 to index
      %swap3A_855 = arith.constant 464 : index
      %swap3A_856 = tpu.vector_load %arg13[%swap3A_854, %swap3A_855] {strides = array<i32>} : memref<16x768xf32, #tpu.memory_space<vmem>>, vector<16xf32>,
      tpu.vector_store %arg13[%swap3A_854, %swap3A_855], %broadcast_in_dim3A_101 {strides = array<i32>} : memref<16x768xf32, #tpu.memory_space<vmem>>, vector<16xf32>,
      %swap3A_857 = arith.index_cast %scan3A_766 : i32 to index
      %swap3A_858 = arith.constant 480 : index
      %swap3A_859 = tpu.vector_load %arg13[%swap3A_857, %swap3A_858] {strides = array<i32>} : memref<16x768xf32, #tpu.memory_space<vmem>>, vector<16xf32>,
      tpu.vector_store %arg13[%swap3A_857, %swap3A_858], %broadcast_in_dim3A_101 {strides = array<i32>} : memref<16x768xf32, #tpu.memory_space<vmem>>, vector<16xf32>,
      %swap3A_860 = arith.index_cast %scan3A_766 : i32 to index
      %swap3A_861 = arith.constant 496 : index
      %swap3A_862 = tpu.vector_load %arg13[%swap3A_860, %swap3A_861] {strides = array<i32>} : memref<16x768xf32, #tpu.memory_space<vmem>>, vector<16xf32>,
      tpu.vector_store %arg13[%swap3A_860, %swap3A_861], %broadcast_in_dim3A_101 {strides = array<i32>} : memref<16x768xf32, #tpu.memory_space<vmem>>, vector<16xf32>,
      %swap3A_863 = arith.index_cast %scan3A_766 : i32 to index
      %swap3A_864 = arith.constant 512 : index
      %swap3A_865 = tpu.vector_load %arg13[%swap3A_863, %swap3A_864] {strides = array<i32>} : memref<16x768xf32, #tpu.memory_space<vmem>>, vector<16xf32>,
      tpu.vector_store %arg13[%swap3A_863, %swap3A_864], %broadcast_in_dim3A_101 {strides = array<i32>} : memref<16x768xf32, #tpu.memory_space<vmem>>, vector<16xf32>,
      %swap3A_866 = arith.index_cast %scan3A_766 : i32 to index
      %swap3A_867 = arith.constant 528 : index
      %swap3A_868 = tpu.vector_load %arg13[%swap3A_866, %swap3A_867] {strides = array<i32>} : memref<16x768xf32, #tpu.memory_space<vmem>>, vector<16xf32>,
      tpu.vector_store %arg13[%swap3A_866, %swap3A_867], %broadcast_in_dim3A_101 {strides = array<i32>} : memref<16x768xf32, #tpu.memory_space<vmem>>, vector<16xf32>,
      %swap3A_869 = arith.index_cast %scan3A_766 : i32 to index
      %swap3A_870 = arith.constant 544 : index
      %swap3A_871 = tpu.vector_load %arg13[%swap3A_869, %swap3A_870] {strides = array<i32>} : memref<16x768xf32, #tpu.memory_space<vmem>>, vector<16xf32>,
      tpu.vector_store %arg13[%swap3A_869, %swap3A_870], %broadcast_in_dim3A_101 {strides = array<i32>} : memref<16x768xf32, #tpu.memory_space<vmem>>, vector<16xf32>,
      %swap3A_872 = arith.index_cast %scan3A_766 : i32 to index
      %swap3A_873 = arith.constant 560 : index
      %swap3A_874 = tpu.vector_load %arg13[%swap3A_872, %swap3A_873] {strides = array<i32>} : memref<16x768xf32, #tpu.memory_space<vmem>>, vector<16xf32>,
      tpu.vector_store %arg13[%swap3A_872, %swap3A_873], %broadcast_in_dim3A_101 {strides = array<i32>} : memref<16x768xf32, #tpu.memory_space<vmem>>, vector<16xf32>,
      %swap3A_875 = arith.index_cast %scan3A_766 : i32 to index
      %swap3A_876 = arith.constant 576 : index
      %swap3A_877 = tpu.vector_load %arg13[%swap3A_875, %swap3A_876] {strides = array<i32>} : memref<16x768xf32, #tpu.memory_space<vmem>>, vector<16xf32>,
      tpu.vector_store %arg13[%swap3A_875, %swap3A_876], %broadcast_in_dim3A_101 {strides = array<i32>} : memref<16x768xf32, #tpu.memory_space<vmem>>, vector<16xf32>,
      %swap3A_878 = arith.index_cast %scan3A_766 : i32 to index
      %swap3A_879 = arith.constant 592 : index
      %swap3A_880 = tpu.vector_load %arg13[%swap3A_878, %swap3A_879] {strides = array<i32>} : memref<16x768xf32, #tpu.memory_space<vmem>>, vector<16xf32>,
      tpu.vector_store %arg13[%swap3A_878, %swap3A_879], %broadcast_in_dim3A_101 {strides = array<i32>} : memref<16x768xf32, #tpu.memory_space<vmem>>, vector<16xf32>,
      %swap3A_881 = arith.index_cast %scan3A_766 : i32 to index
      %swap3A_882 = arith.constant 608 : index
      %swap3A_883 = tpu.vector_load %arg13[%swap3A_881, %swap3A_882] {strides = array<i32>} : memref<16x768xf32, #tpu.memory_space<vmem>>, vector<16xf32>,
      tpu.vector_store %arg13[%swap3A_881, %swap3A_882], %broadcast_in_dim3A_101 {strides = array<i32>} : memref<16x768xf32, #tpu.memory_space<vmem>>, vector<16xf32>,
      %swap3A_884 = arith.index_cast %scan3A_766 : i32 to index
      %swap3A_885 = arith.constant 624 : index
      %swap3A_886 = tpu.vector_load %arg13[%swap3A_884, %swap3A_885] {strides = array<i32>} : memref<16x768xf32, #tpu.memory_space<vmem>>, vector<16xf32>,
      tpu.vector_store %arg13[%swap3A_884, %swap3A_885], %broadcast_in_dim3A_101 {strides = array<i32>} : memref<16x768xf32, #tpu.memory_space<vmem>>, vector<16xf32>,
      %swap3A_887 = arith.index_cast %scan3A_766 : i32 to index
      %swap3A_888 = arith.constant 640 : index
      %swap3A_889 = tpu.vector_load %arg13[%swap3A_887, %swap3A_888] {strides = array<i32>} : memref<16x768xf32, #tpu.memory_space<vmem>>, vector<16xf32>,
      tpu.vector_store %arg13[%swap3A_887, %swap3A_888], %broadcast_in_dim3A_101 {strides = array<i32>} : memref<16x768xf32, #tpu.memory_space<vmem>>, vector<16xf32>,
      %swap3A_890 = arith.index_cast %scan3A_766 : i32 to index
      %swap3A_891 = arith.constant 656 : index
      %swap3A_892 = tpu.vector_load %arg13[%swap3A_890, %swap3A_891] {strides = array<i32>} : memref<16x768xf32, #tpu.memory_space<vmem>>, vector<16xf32>,
      tpu.vector_store %arg13[%swap3A_890, %swap3A_891], %broadcast_in_dim3A_101 {strides = array<i32>} : memref<16x768xf32, #tpu.memory_space<vmem>>, vector<16xf32>,
      %swap3A_893 = arith.index_cast %scan3A_766 : i32 to index
      %swap3A_894 = arith.constant 672 : index
      %swap3A_895 = tpu.vector_load %arg13[%swap3A_893, %swap3A_894] {strides = array<i32>} : memref<16x768xf32, #tpu.memory_space<vmem>>, vector<16xf32>,
      tpu.vector_store %arg13[%swap3A_893, %swap3A_894], %broadcast_in_dim3A_101 {strides = array<i32>} : memref<16x768xf32, #tpu.memory_space<vmem>>, vector<16xf32>,
      %swap3A_896 = arith.index_cast %scan3A_766 : i32 to index
      %swap3A_897 = arith.constant 688 : index
      %swap3A_898 = tpu.vector_load %arg13[%swap3A_896, %swap3A_897] {strides = array<i32>} : memref<16x768xf32, #tpu.memory_space<vmem>>, vector<16xf32>,
      tpu.vector_store %arg13[%swap3A_896, %swap3A_897], %broadcast_in_dim3A_101 {strides = array<i32>} : memref<16x768xf32, #tpu.memory_space<vmem>>, vector<16xf32>,
      %swap3A_899 = arith.index_cast %scan3A_766 : i32 to index
      %swap3A_900 = arith.constant 704 : index
      %swap3A_901 = tpu.vector_load %arg13[%swap3A_899, %swap3A_900] {strides = array<i32>} : memref<16x768xf32, #tpu.memory_space<vmem>>, vector<16xf32>,
      tpu.vector_store %arg13[%swap3A_899, %swap3A_900], %broadcast_in_dim3A_101 {strides = array<i32>} : memref<16x768xf32, #tpu.memory_space<vmem>>, vector<16xf32>,
      %swap3A_902 = arith.index_cast %scan3A_766 : i32 to index
      %swap3A_903 = arith.constant 720 : index
      %swap3A_904 = tpu.vector_load %arg13[%swap3A_902, %swap3A_903] {strides = array<i32>} : memref<16x768xf32, #tpu.memory_space<vmem>>, vector<16xf32>,
      tpu.vector_store %arg13[%swap3A_902, %swap3A_903], %broadcast_in_dim3A_101 {strides = array<i32>} : memref<16x768xf32, #tpu.memory_space<vmem>>, vector<16xf32>,
      %swap3A_905 = arith.index_cast %scan3A_766 : i32 to index
      %swap3A_906 = arith.constant 736 : index
      %swap3A_907 = tpu.vector_load %arg13[%swap3A_905, %swap3A_906] {strides = array<i32>} : memref<16x768xf32, #tpu.memory_space<vmem>>, vector<16xf32>,
      tpu.vector_store %arg13[%swap3A_905, %swap3A_906], %broadcast_in_dim3A_101 {strides = array<i32>} : memref<16x768xf32, #tpu.memory_space<vmem>>, vector<16xf32>,
      %swap3A_908 = arith.index_cast %scan3A_766 : i32 to index
      %swap3A_909 = arith.constant 752 : index
      %swap3A_910 = tpu.vector_load %arg13[%swap3A_908, %swap3A_909] {strides = array<i32>} : memref<16x768xf32, #tpu.memory_space<vmem>>, vector<16xf32>,
      tpu.vector_store %arg13[%swap3A_908, %swap3A_909], %broadcast_in_dim3A_101 {strides = array<i32>} : memref<16x768xf32, #tpu.memory_space<vmem>>, vector<16xf32>,
      %scan3A_911 = arith.constant 0 : i32
      scf.yield %scan3A_911 : i32
    }
    %scan3A_107 = arith.constant 16 : i32
    %add3A_108 = arith.constant 0 : i32
    %add3A_109 = arith.addi %mul3A_32, %add3A_108 : i32
    %sub3A_110 = arith.constant 0 : i32
    %sub3A_111 = arith.subi %max3A_99, %sub3A_110 : i32
    %min3A_112 = arith.constant 64 : i32
    %min3A_113 = arith.minsi %sub3A_111, %min3A_112 : i32
    %max3A_114 = arith.constant 0 : i32
    %max3A_115 = arith.maxsi %min3A_113, %max3A_114 : i32
    %add3A_116 = arith.constant 15 : i32
    %add3A_117 = arith.addi %max3A_115, %add3A_116 : i32
    %and3A_118 = arith.constant -16 : i32
    %and3A_119 = arith.andi %add3A_117, %and3A_118 : i32
    %jit3A_120 = arith.constant 16 : i32
    %div3A_121 = arith.divsi %and3A_119, %jit3A_120 : i32
    %sign3A_122 = arith.constant 0 : i32
    %sign3A_123 = arith.cmpi sgt, %and3A_119, %sign3A_122 : i32
    %sign3A_124 = arith.extui %sign3A_123 : i1 to i32
    %sign3A_125 = arith.constant 0 : i32
    %sign3A_126 = arith.cmpi slt, %and3A_119, %sign3A_125 : i32
    %sign3A_127 = arith.extui %sign3A_126 : i1 to i32
    %sign3A_128 = arith.subi %sign3A_124, %sign3A_127 : i32
    %sign3A_129 = arith.constant 0 : i32
    %sign3A_130 = arith.cmpi sgt, %jit3A_120, %sign3A_129 : i32
    %sign3A_131 = arith.extui %sign3A_130 : i1 to i32
    %sign3A_132 = arith.constant 0 : i32
    %sign3A_133 = arith.cmpi slt, %jit3A_120, %sign3A_132 : i32
    %sign3A_134 = arith.extui %sign3A_133 : i1 to i32
    %sign3A_135 = arith.subi %sign3A_131, %sign3A_134 : i32
    %ne3A_136 = arith.cmpi ne, %sign3A_128, %sign3A_135 : i32
    %rem3A_137 = arith.remsi %and3A_119, %jit3A_120 : i32
    %ne3A_138 = arith.constant 0 : i32
    %ne3A_139 = arith.cmpi ne, %rem3A_137, %ne3A_138 : i32
    %and3A_140 = arith.andi %ne3A_136, %ne3A_139 : i1
    %sub3A_141 = arith.constant 1 : i32
    %sub3A_142 = arith.subi %div3A_121, %sub3A_141 : i32
    %select_n3A_143 = arith.select %and3A_140, %sub3A_142, %div3A_121 : i32
    %sub3A_144 = arith.constant 64 : i32
    %sub3A_145 = arith.subi %sub3A_144, %and3A_119 : i32
    %jit3A_146 = arith.constant 16 : i32
    %div3A_147 = arith.divsi %sub3A_145, %jit3A_146 : i32
    %sign3A_148 = arith.constant 0 : i32
    %sign3A_149 = arith.cmpi sgt, %sub3A_145, %sign3A_148 : i32
    %sign3A_150 = arith.extui %sign3A_149 : i1 to i32
    %sign3A_151 = arith.constant 0 : i32
    %sign3A_152 = arith.cmpi slt, %sub3A_145, %sign3A_151 : i32
    %sign3A_153 = arith.extui %sign3A_152 : i1 to i32
    %sign3A_154 = arith.subi %sign3A_150, %sign3A_153 : i32
    %sign3A_155 = arith.constant 0 : i32
    %sign3A_156 = arith.cmpi sgt, %jit3A_146, %sign3A_155 : i32
    %sign3A_157 = arith.extui %sign3A_156 : i1 to i32
    %sign3A_158 = arith.constant 0 : i32
    %sign3A_159 = arith.cmpi slt, %jit3A_146, %sign3A_158 : i32
    %sign3A_160 = arith.extui %sign3A_159 : i1 to i32
    %sign3A_161 = arith.subi %sign3A_157, %sign3A_160 : i32
    %ne3A_162 = arith.cmpi ne, %sign3A_154, %sign3A_161 : i32
    %rem3A_163 = arith.remsi %sub3A_145, %jit3A_146 : i32
    %ne3A_164 = arith.constant 0 : i32
    %ne3A_165 = arith.cmpi ne, %rem3A_163, %ne3A_164 : i32
    %and3A_166 = arith.andi %ne3A_162, %ne3A_165 : i1
    %sub3A_167 = arith.constant 1 : i32
    %sub3A_168 = arith.subi %div3A_147, %sub3A_167 : i32
    %select_n3A_169 = arith.select %and3A_166, %sub3A_168, %div3A_147 : i32
    %while3A = arith.constant 0 : i32
    %while3A_170 = arith.constant 0 : i32
    %while3A_171 = arith.subi %select_n3A_169, %while3A : i32
    %while3A_172 = arith.addi %while3A, %while3A_171 : i32
    %while3A_173 = arith.constant 1 : i32
    %while3A_174 = arith.divsi %while3A_171, %while3A_173 : i32
    %while3A_175 = arith.muli %while3A_174, %while3A_173 : i32
    %while3A_176 = arith.addi %while3A, %while3A_175 : i32
    %while3A_177 = arith.constant 1 : i32
    %while3A_178 = scf.for %while3A_766 = %while3A to %while3A_176 step %while3A_177 iter_args(%while3A_767 = %while3A_170) -> (i32)  : i32 {
      %add3A_768 = arith.addi %add3A_109, %and3A_119 : i32
      %mul3A_769 = arith.constant 16 : i32
      %mul3A_770 = arith.muli %while3A_766, %mul3A_769 : i32
      %add3A_771 = arith.addi %add3A_768, %mul3A_770 : i32
      %multiple_of3A = tpu.assume_multiple %add3A_771, 16 : i32
      %dma_start3A_772 = arith.constant 0 : i32
      %dma_start3A_773 = tpu.memref_slice %arg5[%select_n3A, %multiple_of3A, %dma_start3A_772] : memref<16x512x768xf32, #tpu.memory_space<hbm>> -> memref<1x16x768xf32, #tpu.memory_space<hbm>>
      %dma_start3A_774 = tpu.memref_squeeze %dma_start3A_773 : memref<1x16x768xf32, #tpu.memory_space<hbm>> -> memref<16x768xf32, #tpu.memory_space<hbm>>
      %dma_start3A_775 = arith.constant 0 : i32
      %dma_start3A_776 = tpu.memref_slice %arg5[%select_n3A, %multiple_of3A, %dma_start3A_775] : memref<16x512x768xf32, #tpu.memory_space<hbm>> -> memref<1x16x768xf32, #tpu.memory_space<hbm>>
      %dma_start3A_777 = tpu.memref_squeeze %dma_start3A_776 : memref<1x16x768xf32, #tpu.memory_space<hbm>> -> memref<16x768xf32, #tpu.memory_space<hbm>>
      tpu.enqueue_dma source(%arg13 : memref<16x768xf32, #tpu.memory_space<vmem>>) target(%dma_start3A_777 : memref<16x768xf32, #tpu.memory_space<hbm>>) target_semaphore(%arg15 : memref<!tpu.dma_semaphore, #tpu.memory_space<semaphore_mem>>)
      %add3A_778 = arith.constant 1 : i32
      %add3A_779 = arith.addi %while3A_767, %add3A_778 : i32
      scf.yield %add3A_779 : i32
    }
    %while3A_179 = arith.constant 1 : i32
    %while3A_180 = scf.for %while3A_766 = %while3A_176 to %while3A_172 step %while3A_179 iter_args(%while3A_767 = %while3A_178) -> (i32)  : i32 {
      %add3A_768 = arith.addi %add3A_109, %and3A_119 : i32
      %mul3A_769 = arith.constant 16 : i32
      %mul3A_770 = arith.muli %while3A_766, %mul3A_769 : i32
      %add3A_771 = arith.addi %add3A_768, %mul3A_770 : i32
      %multiple_of3A = tpu.assume_multiple %add3A_771, 16 : i32
      %dma_start3A_772 = arith.constant 0 : i32
      %dma_start3A_773 = tpu.memref_slice %arg5[%select_n3A, %multiple_of3A, %dma_start3A_772] : memref<16x512x768xf32, #tpu.memory_space<hbm>> -> memref<1x16x768xf32, #tpu.memory_space<hbm>>
      %dma_start3A_774 = tpu.memref_squeeze %dma_start3A_773 : memref<1x16x768xf32, #tpu.memory_space<hbm>> -> memref<16x768xf32, #tpu.memory_space<hbm>>
      %dma_start3A_775 = arith.constant 0 : i32
      %dma_start3A_776 = tpu.memref_slice %arg5[%select_n3A, %multiple_of3A, %dma_start3A_775] : memref<16x512x768xf32, #tpu.memory_space<hbm>> -> memref<1x16x768xf32, #tpu.memory_space<hbm>>
      %dma_start3A_777 = tpu.memref_squeeze %dma_start3A_776 : memref<1x16x768xf32, #tpu.memory_space<hbm>> -> memref<16x768xf32, #tpu.memory_space<hbm>>
      tpu.enqueue_dma source(%arg13 : memref<16x768xf32, #tpu.memory_space<vmem>>) target(%dma_start3A_777 : memref<16x768xf32, #tpu.memory_space<hbm>>) target_semaphore(%arg15 : memref<!tpu.dma_semaphore, #tpu.memory_space<semaphore_mem>>)
      %add3A_778 = arith.constant 1 : i32
      %add3A_779 = arith.addi %while3A_767, %add3A_778 : i32
      scf.yield %add3A_779 : i32
    }
    %dma_wait3A_181 = arith.constant 0 : i32
    %dma_wait3A_182 = arith.constant 0 : i32
    %dma_wait3A_183 = tpu.memref_slice %arg4[%dma_wait3A_181, %dma_wait3A_182] : memref<30522x768xf32, #tpu.memory_space<hbm>> -> memref<30522x768xf32, #tpu.memory_space<hbm>>
    tpu.wait_indirect_dma semaphore(%arg16 : memref<!tpu.dma_semaphore, #tpu.memory_space<semaphore_mem>>) src(%dma_wait3A_183 : memref<30522x768xf32, #tpu.memory_space<hbm>>) dst(%arg11 : memref<64x768xf32, #tpu.memory_space<vmem>>)
    %sub3A_184 = arith.subi %and3A_119, %max3A_115 : i32
    %mul3A_185 = arith.constant 48 : i32
    %mul3A_186 = arith.muli %sub3A_184, %mul3A_185 : i32
    %while3A_187 = arith.constant 0 : i32
    %while3A_188 = arith.constant 0 : i32
    %while3A_189 = arith.subi %mul3A_186, %while3A_187 : i32
    %while3A_190 = arith.addi %while3A_187, %while3A_189 : i32
    %while3A_191 = arith.constant 1 : i32
    %while3A_192 = arith.divsi %while3A_189, %while3A_191 : i32
    %while3A_193 = arith.muli %while3A_192, %while3A_191 : i32
    %while3A_194 = arith.addi %while3A_187, %while3A_193 : i32
    %while3A_195 = arith.constant 1 : i32
    %while3A_196 = scf.for %while3A_766 = %while3A_187 to %while3A_194 step %while3A_195 iter_args(%while3A_767 = %while3A_188) -> (i32)  : i32 {
      %jit3A_768 = arith.constant 48 : i32
      %div3A_769 = arith.divsi %while3A_766, %jit3A_768 : i32
      %sign3A_770 = arith.constant 0 : i32
      %sign3A_771 = arith.cmpi sgt, %while3A_766, %sign3A_770 : i32
      %sign3A_772 = arith.extui %sign3A_771 : i1 to i32
      %sign3A_773 = arith.constant 0 : i32
      %sign3A_774 = arith.cmpi slt, %while3A_766, %sign3A_773 : i32
      %sign3A_775 = arith.extui %sign3A_774 : i1 to i32
      %sign3A_776 = arith.subi %sign3A_772, %sign3A_775 : i32
      %sign3A_777 = arith.constant 0 : i32
      %sign3A_778 = arith.cmpi sgt, %jit3A_768, %sign3A_777 : i32
      %sign3A_779 = arith.extui %sign3A_778 : i1 to i32
      %sign3A_780 = arith.constant 0 : i32
      %sign3A_781 = arith.cmpi slt, %jit3A_768, %sign3A_780 : i32
      %sign3A_782 = arith.extui %sign3A_781 : i1 to i32
      %sign3A_783 = arith.subi %sign3A_779, %sign3A_782 : i32
      %ne3A_784 = arith.cmpi ne, %sign3A_776, %sign3A_783 : i32
      %rem3A_785 = arith.remsi %while3A_766, %jit3A_768 : i32
      %ne3A_786 = arith.constant 0 : i32
      %ne3A_787 = arith.cmpi ne, %rem3A_785, %ne3A_786 : i32
      %and3A_788 = arith.andi %ne3A_784, %ne3A_787 : i1
      %sub3A_789 = arith.constant 1 : i32
      %sub3A_790 = arith.subi %div3A_769, %sub3A_789 : i32
      %select_n3A_791 = arith.select %and3A_788, %sub3A_790, %div3A_769 : i32
      %add3A_792 = arith.addi %max3A_115, %select_n3A_791 : i32
      %jit3A_793 = arith.constant 48 : i32
      %eq3A_794 = arith.constant 0 : i32
      %eq3A_795 = arith.cmpi eq, %jit3A_793, %eq3A_794 : i32
      %jit3A_796 = arith.constant 1 : i32
      %select_n3A_797 = arith.select %eq3A_795, %jit3A_796, %jit3A_793 : i32
      %rem3A_798 = arith.remsi %while3A_766, %select_n3A_797 : i32
      %ne3A_799 = arith.constant 0 : i32
      %ne3A_800 = arith.cmpi ne, %rem3A_798, %ne3A_799 : i32
      %lt3A_801 = arith.constant 0 : i32
      %lt3A_802 = arith.cmpi slt, %rem3A_798, %lt3A_801 : i32
      %lt3A_803 = arith.constant 0 : i32
      %lt3A_804 = arith.cmpi slt, %select_n3A_797, %lt3A_803 : i32
      %ne3A_805 = arith.xori %lt3A_802, %lt3A_804 : i1
      %and3A_806 = arith.andi %ne3A_805, %ne3A_800 : i1
      %add3A_807 = arith.addi %rem3A_798, %select_n3A_797 : i32
      %select_n3A_808 = arith.select %and3A_806, %add3A_807, %rem3A_798 : i32
      %mul3A_809 = arith.constant 16 : i32
      %mul3A_810 = arith.muli %select_n3A_808, %mul3A_809 : i32
      %swap3A = arith.index_cast %add3A_792 : i32 to index
      %swap3A_811 = arith.index_cast %mul3A_810 : i32 to index
      %swap3A_812 = tpu.vector_load %arg11[%swap3A, %swap3A_811] {strides = array<i32>} : memref<64x768xf32, #tpu.memory_space<vmem>>, vector<16xf32>,
      tpu.vector_store %arg11[%swap3A, %swap3A_811], %broadcast_in_dim3A_101 {strides = array<i32>} : memref<64x768xf32, #tpu.memory_space<vmem>>, vector<16xf32>,
      %while3A_813 = arith.constant 0 : i32
      scf.yield %while3A_813 : i32
    }
    %while3A_197 = arith.constant 1 : i32
    %while3A_198 = scf.for %while3A_766 = %while3A_194 to %while3A_190 step %while3A_197 iter_args(%while3A_767 = %while3A_196) -> (i32)  : i32 {
      %jit3A_768 = arith.constant 48 : i32
      %div3A_769 = arith.divsi %while3A_766, %jit3A_768 : i32
      %sign3A_770 = arith.constant 0 : i32
      %sign3A_771 = arith.cmpi sgt, %while3A_766, %sign3A_770 : i32
      %sign3A_772 = arith.extui %sign3A_771 : i1 to i32
      %sign3A_773 = arith.constant 0 : i32
      %sign3A_774 = arith.cmpi slt, %while3A_766, %sign3A_773 : i32
      %sign3A_775 = arith.extui %sign3A_774 : i1 to i32
      %sign3A_776 = arith.subi %sign3A_772, %sign3A_775 : i32
      %sign3A_777 = arith.constant 0 : i32
      %sign3A_778 = arith.cmpi sgt, %jit3A_768, %sign3A_777 : i32
      %sign3A_779 = arith.extui %sign3A_778 : i1 to i32
      %sign3A_780 = arith.constant 0 : i32
      %sign3A_781 = arith.cmpi slt, %jit3A_768, %sign3A_780 : i32
      %sign3A_782 = arith.extui %sign3A_781 : i1 to i32
      %sign3A_783 = arith.subi %sign3A_779, %sign3A_782 : i32
      %ne3A_784 = arith.cmpi ne, %sign3A_776, %sign3A_783 : i32
      %rem3A_785 = arith.remsi %while3A_766, %jit3A_768 : i32
      %ne3A_786 = arith.constant 0 : i32
      %ne3A_787 = arith.cmpi ne, %rem3A_785, %ne3A_786 : i32
      %and3A_788 = arith.andi %ne3A_784, %ne3A_787 : i1
      %sub3A_789 = arith.constant 1 : i32
      %sub3A_790 = arith.subi %div3A_769, %sub3A_789 : i32
      %select_n3A_791 = arith.select %and3A_788, %sub3A_790, %div3A_769 : i32
      %add3A_792 = arith.addi %max3A_115, %select_n3A_791 : i32
      %jit3A_793 = arith.constant 48 : i32
      %eq3A_794 = arith.constant 0 : i32
      %eq3A_795 = arith.cmpi eq, %jit3A_793, %eq3A_794 : i32
      %jit3A_796 = arith.constant 1 : i32
      %select_n3A_797 = arith.select %eq3A_795, %jit3A_796, %jit3A_793 : i32
      %rem3A_798 = arith.remsi %while3A_766, %select_n3A_797 : i32
      %ne3A_799 = arith.constant 0 : i32
      %ne3A_800 = arith.cmpi ne, %rem3A_798, %ne3A_799 : i32
      %lt3A_801 = arith.constant 0 : i32
      %lt3A_802 = arith.cmpi slt, %rem3A_798, %lt3A_801 : i32
      %lt3A_803 = arith.constant 0 : i32
      %lt3A_804 = arith.cmpi slt, %select_n3A_797, %lt3A_803 : i32
      %ne3A_805 = arith.xori %lt3A_802, %lt3A_804 : i1
      %and3A_806 = arith.andi %ne3A_805, %ne3A_800 : i1
      %add3A_807 = arith.addi %rem3A_798, %select_n3A_797 : i32
      %select_n3A_808 = arith.select %and3A_806, %add3A_807, %rem3A_798 : i32
      %mul3A_809 = arith.constant 16 : i32
      %mul3A_810 = arith.muli %select_n3A_808, %mul3A_809 : i32
      %swap3A = arith.index_cast %add3A_792 : i32 to index
      %swap3A_811 = arith.index_cast %mul3A_810 : i32 to index
      %swap3A_812 = tpu.vector_load %arg11[%swap3A, %swap3A_811] {strides = array<i32>} : memref<64x768xf32, #tpu.memory_space<vmem>>, vector<16xf32>,
      tpu.vector_store %arg11[%swap3A, %swap3A_811], %broadcast_in_dim3A_101 {strides = array<i32>} : memref<64x768xf32, #tpu.memory_space<vmem>>, vector<16xf32>,
      %while3A_813 = arith.constant 0 : i32
      scf.yield %while3A_813 : i32
    }
    %while3A_199 = arith.constant 0 : i32
    %while3A_200 = arith.constant 0 : i32
    %while3A_201 = arith.subi %select_n3A_143, %while3A_199 : i32
    %while3A_202 = arith.addi %while3A_199, %while3A_201 : i32
    %while3A_203 = arith.constant 1 : i32
    %while3A_204 = arith.divsi %while3A_201, %while3A_203 : i32
    %while3A_205 = arith.muli %while3A_204, %while3A_203 : i32
    %while3A_206 = arith.addi %while3A_199, %while3A_205 : i32
    %while3A_207 = arith.constant 1 : i32
    %while3A_208 = scf.for %while3A_766 = %while3A_199 to %while3A_206 step %while3A_207 iter_args(%while3A_767 = %while3A_200) -> (i32)  : i32 {
      %mul3A_768 = arith.constant 16 : i32
      %mul3A_769 = arith.muli %while3A_766, %mul3A_768 : i32
      %multiple_of3A = tpu.assume_multiple %mul3A_769, 16 : i32
      %mul3A_770 = arith.constant 16 : i32
      %mul3A_771 = arith.muli %while3A_766, %mul3A_770 : i32
      %add3A_772 = arith.addi %add3A_109, %mul3A_771 : i32
      %multiple_of3A_773 = tpu.assume_multiple %add3A_772, 16 : i32
      %dma_start3A_774 = arith.constant 0 : i32
      %dma_start3A_775 = tpu.memref_slice %arg11[%multiple_of3A, %dma_start3A_774] : memref<64x768xf32, #tpu.memory_space<vmem>> -> memref<16x768xf32, #tpu.memory_space<vmem>>
      %dma_start3A_776 = arith.constant 0 : i32
      %dma_start3A_777 = tpu.memref_slice %arg5[%select_n3A, %multiple_of3A_773, %dma_start3A_776] : memref<16x512x768xf32, #tpu.memory_space<hbm>> -> memref<1x16x768xf32, #tpu.memory_space<hbm>>
      %dma_start3A_778 = tpu.memref_squeeze %dma_start3A_777 : memref<1x16x768xf32, #tpu.memory_space<hbm>> -> memref<16x768xf32, #tpu.memory_space<hbm>>
      %dma_start3A_779 = arith.constant 0 : i32
      %dma_start3A_780 = tpu.memref_slice %arg5[%select_n3A, %multiple_of3A_773, %dma_start3A_779] : memref<16x512x768xf32, #tpu.memory_space<hbm>> -> memref<1x16x768xf32, #tpu.memory_space<hbm>>
      %dma_start3A_781 = tpu.memref_squeeze %dma_start3A_780 : memref<1x16x768xf32, #tpu.memory_space<hbm>> -> memref<16x768xf32, #tpu.memory_space<hbm>>
      %dma_start3A_782 = arith.constant 0 : i32
      %dma_start3A_783 = tpu.memref_slice %arg11[%multiple_of3A, %dma_start3A_782] : memref<64x768xf32, #tpu.memory_space<vmem>> -> memref<16x768xf32, #tpu.memory_space<vmem>>
      tpu.enqueue_dma source(%dma_start3A_783 : memref<16x768xf32, #tpu.memory_space<vmem>>) target(%dma_start3A_781 : memref<16x768xf32, #tpu.memory_space<hbm>>) target_semaphore(%arg18 : memref<!tpu.dma_semaphore, #tpu.memory_space<semaphore_mem>>)
      %while3A_784 = arith.constant 0 : i32
      scf.yield %while3A_784 : i32
    }
    %while3A_209 = arith.constant 1 : i32
    %while3A_210 = scf.for %while3A_766 = %while3A_206 to %while3A_202 step %while3A_209 iter_args(%while3A_767 = %while3A_208) -> (i32)  : i32 {
      %mul3A_768 = arith.constant 16 : i32
      %mul3A_769 = arith.muli %while3A_766, %mul3A_768 : i32
      %multiple_of3A = tpu.assume_multiple %mul3A_769, 16 : i32
      %mul3A_770 = arith.constant 16 : i32
      %mul3A_771 = arith.muli %while3A_766, %mul3A_770 : i32
      %add3A_772 = arith.addi %add3A_109, %mul3A_771 : i32
      %multiple_of3A_773 = tpu.assume_multiple %add3A_772, 16 : i32
      %dma_start3A_774 = arith.constant 0 : i32
      %dma_start3A_775 = tpu.memref_slice %arg11[%multiple_of3A, %dma_start3A_774] : memref<64x768xf32, #tpu.memory_space<vmem>> -> memref<16x768xf32, #tpu.memory_space<vmem>>
      %dma_start3A_776 = arith.constant 0 : i32
      %dma_start3A_777 = tpu.memref_slice %arg5[%select_n3A, %multiple_of3A_773, %dma_start3A_776] : memref<16x512x768xf32, #tpu.memory_space<hbm>> -> memref<1x16x768xf32, #tpu.memory_space<hbm>>
      %dma_start3A_778 = tpu.memref_squeeze %dma_start3A_777 : memref<1x16x768xf32, #tpu.memory_space<hbm>> -> memref<16x768xf32, #tpu.memory_space<hbm>>
      %dma_start3A_779 = arith.constant 0 : i32
      %dma_start3A_780 = tpu.memref_slice %arg5[%select_n3A, %multiple_of3A_773, %dma_start3A_779] : memref<16x512x768xf32, #tpu.memory_space<hbm>> -> memref<1x16x768xf32, #tpu.memory_space<hbm>>
      %dma_start3A_781 = tpu.memref_squeeze %dma_start3A_780 : memref<1x16x768xf32, #tpu.memory_space<hbm>> -> memref<16x768xf32, #tpu.memory_space<hbm>>
      %dma_start3A_782 = arith.constant 0 : i32
      %dma_start3A_783 = tpu.memref_slice %arg11[%multiple_of3A, %dma_start3A_782] : memref<64x768xf32, #tpu.memory_space<vmem>> -> memref<16x768xf32, #tpu.memory_space<vmem>>
      tpu.enqueue_dma source(%dma_start3A_783 : memref<16x768xf32, #tpu.memory_space<vmem>>) target(%dma_start3A_781 : memref<16x768xf32, #tpu.memory_space<hbm>>) target_semaphore(%arg18 : memref<!tpu.dma_semaphore, #tpu.memory_space<semaphore_mem>>)
      %while3A_784 = arith.constant 0 : i32
      scf.yield %while3A_784 : i32
    }
    %while3A_211 = arith.constant 0 : i32
    %while3A_212 = arith.constant 0 : i32
    %while3A_213 = arith.subi %select_n3A_143, %while3A_211 : i32
    %while3A_214 = arith.addi %while3A_211, %while3A_213 : i32
    %while3A_215 = arith.constant 1 : i32
    %while3A_216 = arith.divsi %while3A_213, %while3A_215 : i32
    %while3A_217 = arith.muli %while3A_216, %while3A_215 : i32
    %while3A_218 = arith.addi %while3A_211, %while3A_217 : i32
    %while3A_219 = arith.constant 1 : i32
    %while3A_220 = scf.for %while3A_766 = %while3A_211 to %while3A_218 step %while3A_219 iter_args(%while3A_767 = %while3A_212) -> (i32)  : i32 {
      %mul3A_768 = arith.constant 16 : i32
      %mul3A_769 = arith.muli %while3A_766, %mul3A_768 : i32
      %multiple_of3A = tpu.assume_multiple %mul3A_769, 16 : i32
      %mul3A_770 = arith.constant 16 : i32
      %mul3A_771 = arith.muli %while3A_766, %mul3A_770 : i32
      %add3A_772 = arith.addi %add3A_109, %mul3A_771 : i32
      %multiple_of3A_773 = tpu.assume_multiple %add3A_772, 16 : i32
      %dma_wait3A_774 = arith.constant 0 : i32
      %dma_wait3A_775 = tpu.memref_slice %arg11[%multiple_of3A, %dma_wait3A_774] : memref<64x768xf32, #tpu.memory_space<vmem>> -> memref<16x768xf32, #tpu.memory_space<vmem>>
      %dma_wait3A_776 = arith.constant 0 : i32
      %dma_wait3A_777 = tpu.memref_slice %arg5[%select_n3A, %multiple_of3A_773, %dma_wait3A_776] : memref<16x512x768xf32, #tpu.memory_space<hbm>> -> memref<1x16x768xf32, #tpu.memory_space<hbm>>
      %dma_wait3A_778 = tpu.memref_squeeze %dma_wait3A_777 : memref<1x16x768xf32, #tpu.memory_space<hbm>> -> memref<16x768xf32, #tpu.memory_space<hbm>>
      %dma_wait3A_779 = arith.constant 0 : i32
      %dma_wait3A_780 = tpu.memref_slice %arg5[%select_n3A, %multiple_of3A_773, %dma_wait3A_779] : memref<16x512x768xf32, #tpu.memory_space<hbm>> -> memref<1x16x768xf32, #tpu.memory_space<hbm>>
      %dma_wait3A_781 = tpu.memref_squeeze %dma_wait3A_780 : memref<1x16x768xf32, #tpu.memory_space<hbm>> -> memref<16x768xf32, #tpu.memory_space<hbm>>
      %dma_wait3A_782 = arith.constant 0 : i32
      %dma_wait3A_783 = tpu.memref_slice %arg11[%multiple_of3A, %dma_wait3A_782] : memref<64x768xf32, #tpu.memory_space<vmem>> -> memref<16x768xf32, #tpu.memory_space<vmem>>
      tpu.wait_dma2 semaphore(%arg18 : memref<!tpu.dma_semaphore, #tpu.memory_space<semaphore_mem>>) src(%dma_wait3A_783 : memref<16x768xf32, #tpu.memory_space<vmem>>) dst(%dma_wait3A_781 : memref<16x768xf32, #tpu.memory_space<hbm>>)
      %while3A_784 = arith.constant 0 : i32
      scf.yield %while3A_784 : i32
    }
    %while3A_221 = arith.constant 1 : i32
    %while3A_222 = scf.for %while3A_766 = %while3A_218 to %while3A_214 step %while3A_221 iter_args(%while3A_767 = %while3A_220) -> (i32)  : i32 {
      %mul3A_768 = arith.constant 16 : i32
      %mul3A_769 = arith.muli %while3A_766, %mul3A_768 : i32
      %multiple_of3A = tpu.assume_multiple %mul3A_769, 16 : i32
      %mul3A_770 = arith.constant 16 : i32
      %mul3A_771 = arith.muli %while3A_766, %mul3A_770 : i32
      %add3A_772 = arith.addi %add3A_109, %mul3A_771 : i32
      %multiple_of3A_773 = tpu.assume_multiple %add3A_772, 16 : i32
      %dma_wait3A_774 = arith.constant 0 : i32
      %dma_wait3A_775 = tpu.memref_slice %arg11[%multiple_of3A, %dma_wait3A_774] : memref<64x768xf32, #tpu.memory_space<vmem>> -> memref<16x768xf32, #tpu.memory_space<vmem>>
      %dma_wait3A_776 = arith.constant 0 : i32
      %dma_wait3A_777 = tpu.memref_slice %arg5[%select_n3A, %multiple_of3A_773, %dma_wait3A_776] : memref<16x512x768xf32, #tpu.memory_space<hbm>> -> memref<1x16x768xf32, #tpu.memory_space<hbm>>
      %dma_wait3A_778 = tpu.memref_squeeze %dma_wait3A_777 : memref<1x16x768xf32, #tpu.memory_space<hbm>> -> memref<16x768xf32, #tpu.memory_space<hbm>>
      %dma_wait3A_779 = arith.constant 0 : i32
      %dma_wait3A_780 = tpu.memref_slice %arg5[%select_n3A, %multiple_of3A_773, %dma_wait3A_779] : memref<16x512x768xf32, #tpu.memory_space<hbm>> -> memref<1x16x768xf32, #tpu.memory_space<hbm>>
      %dma_wait3A_781 = tpu.memref_squeeze %dma_wait3A_780 : memref<1x16x768xf32, #tpu.memory_space<hbm>> -> memref<16x768xf32, #tpu.memory_space<hbm>>
      %dma_wait3A_782 = arith.constant 0 : i32
      %dma_wait3A_783 = tpu.memref_slice %arg11[%multiple_of3A, %dma_wait3A_782] : memref<64x768xf32, #tpu.memory_space<vmem>> -> memref<16x768xf32, #tpu.memory_space<vmem>>
      tpu.wait_dma2 semaphore(%arg18 : memref<!tpu.dma_semaphore, #tpu.memory_space<semaphore_mem>>) src(%dma_wait3A_783 : memref<16x768xf32, #tpu.memory_space<vmem>>) dst(%dma_wait3A_781 : memref<16x768xf32, #tpu.memory_space<hbm>>)
      %while3A_784 = arith.constant 0 : i32
      scf.yield %while3A_784 : i32
    }
    %sub3A_223 = arith.constant 128 : i32
    %sub3A_224 = arith.subi %max3A_99, %sub3A_223 : i32
    %min3A_225 = arith.constant 64 : i32
    %min3A_226 = arith.minsi %sub3A_224, %min3A_225 : i32
    %max3A_227 = arith.constant 0 : i32
    %max3A_228 = arith.maxsi %min3A_226, %max3A_227 : i32
    %add3A_229 = arith.constant 15 : i32
    %add3A_230 = arith.addi %max3A_228, %add3A_229 : i32
    %jit3A_231 = arith.constant 16 : i32
    %div3A_232 = arith.divsi %add3A_230, %jit3A_231 : i32
    %sign3A_233 = arith.constant 0 : i32
    %sign3A_234 = arith.cmpi sgt, %add3A_230, %sign3A_233 : i32
    %sign3A_235 = arith.extui %sign3A_234 : i1 to i32
    %sign3A_236 = arith.constant 0 : i32
    %sign3A_237 = arith.cmpi slt, %add3A_230, %sign3A_236 : i32
    %sign3A_238 = arith.extui %sign3A_237 : i1 to i32
    %sign3A_239 = arith.subi %sign3A_235, %sign3A_238 : i32
    %sign3A_240 = arith.constant 0 : i32
    %sign3A_241 = arith.cmpi sgt, %jit3A_231, %sign3A_240 : i32
    %sign3A_242 = arith.extui %sign3A_241 : i1 to i32
    %sign3A_243 = arith.constant 0 : i32
    %sign3A_244 = arith.cmpi slt, %jit3A_231, %sign3A_243 : i32
    %sign3A_245 = arith.extui %sign3A_244 : i1 to i32
    %sign3A_246 = arith.subi %sign3A_242, %sign3A_245 : i32
    %ne3A_247 = arith.cmpi ne, %sign3A_239, %sign3A_246 : i32
    %rem3A_248 = arith.remsi %add3A_230, %jit3A_231 : i32
    %ne3A_249 = arith.constant 0 : i32
    %ne3A_250 = arith.cmpi ne, %rem3A_248, %ne3A_249 : i32
    %and3A_251 = arith.andi %ne3A_247, %ne3A_250 : i1
    %sub3A_252 = arith.constant 1 : i32
    %sub3A_253 = arith.subi %div3A_232, %sub3A_252 : i32
    %select_n3A_254 = arith.select %and3A_251, %sub3A_253, %div3A_232 : i32
    %min3A_255 = arith.constant 1 : i32
    %min3A_256 = arith.minsi %select_n3A_254, %min3A_255 : i32
    %while3A_257 = arith.constant 0 : i32
    %while3A_258 = arith.constant 0 : i32
    %while3A_259 = arith.subi %min3A_256, %while3A_257 : i32
    %while3A_260 = arith.addi %while3A_257, %while3A_259 : i32
    %while3A_261 = arith.constant 1 : i32
    %while3A_262 = arith.divsi %while3A_259, %while3A_261 : i32
    %while3A_263 = arith.muli %while3A_262, %while3A_261 : i32
    %while3A_264 = arith.addi %while3A_257, %while3A_263 : i32
    %while3A_265 = arith.constant 1 : i32
    %while3A_266 = scf.for %while3A_766 = %while3A_257 to %while3A_264 step %while3A_265 iter_args(%while3A_767 = %while3A_258) -> (i32)  : i32 {
      %dma_start3A_768 = arith.constant 0 : i32
      %dma_start3A_769 = arith.constant 0 : i32
      %dma_start3A_770 = tpu.memref_slice %arg4[%dma_start3A_768, %dma_start3A_769] : memref<30522x768xf32, #tpu.memory_space<hbm>> -> memref<30522x768xf32, #tpu.memory_space<hbm>>
      tpu.enqueue_indirect_dma source(%dma_start3A_770 : memref<30522x768xf32, #tpu.memory_space<hbm>>) target(%arg11 : memref<64x768xf32, #tpu.memory_space<vmem>>) offsets(%arg8 : memref<64xi32, #tpu.memory_space<vmem>>) semaphore(%arg16 : memref<!tpu.dma_semaphore, #tpu.memory_space<semaphore_mem>>)
      %while3A_771 = arith.constant 0 : i32
      scf.yield %while3A_771 : i32
    }
    %while3A_267 = arith.constant 1 : i32
    %while3A_268 = scf.for %while3A_766 = %while3A_264 to %while3A_260 step %while3A_267 iter_args(%while3A_767 = %while3A_266) -> (i32)  : i32 {
      %dma_start3A_768 = arith.constant 0 : i32
      %dma_start3A_769 = arith.constant 0 : i32
      %dma_start3A_770 = tpu.memref_slice %arg4[%dma_start3A_768, %dma_start3A_769] : memref<30522x768xf32, #tpu.memory_space<hbm>> -> memref<30522x768xf32, #tpu.memory_space<hbm>>
      tpu.enqueue_indirect_dma source(%dma_start3A_770 : memref<30522x768xf32, #tpu.memory_space<hbm>>) target(%arg11 : memref<64x768xf32, #tpu.memory_space<vmem>>) offsets(%arg8 : memref<64xi32, #tpu.memory_space<vmem>>) semaphore(%arg16 : memref<!tpu.dma_semaphore, #tpu.memory_space<semaphore_mem>>)
      %while3A_771 = arith.constant 0 : i32
      scf.yield %while3A_771 : i32
    }
    %add3A_269 = arith.constant 64 : i32
    %add3A_270 = arith.addi %mul3A_32, %add3A_269 : i32
    %sub3A_271 = arith.constant 64 : i32
    %sub3A_272 = arith.subi %max3A_99, %sub3A_271 : i32
    %min3A_273 = arith.constant 64 : i32
    %min3A_274 = arith.minsi %sub3A_272, %min3A_273 : i32
    %max3A_275 = arith.constant 0 : i32
    %max3A_276 = arith.maxsi %min3A_274, %max3A_275 : i32
    %add3A_277 = arith.constant 15 : i32
    %add3A_278 = arith.addi %max3A_276, %add3A_277 : i32
    %and3A_279 = arith.constant -16 : i32
    %and3A_280 = arith.andi %add3A_278, %and3A_279 : i32
    %jit3A_281 = arith.constant 16 : i32
    %div3A_282 = arith.divsi %and3A_280, %jit3A_281 : i32
    %sign3A_283 = arith.constant 0 : i32
    %sign3A_284 = arith.cmpi sgt, %and3A_280, %sign3A_283 : i32
    %sign3A_285 = arith.extui %sign3A_284 : i1 to i32
    %sign3A_286 = arith.constant 0 : i32
    %sign3A_287 = arith.cmpi slt, %and3A_280, %sign3A_286 : i32
    %sign3A_288 = arith.extui %sign3A_287 : i1 to i32
    %sign3A_289 = arith.subi %sign3A_285, %sign3A_288 : i32
    %sign3A_290 = arith.constant 0 : i32
    %sign3A_291 = arith.cmpi sgt, %jit3A_281, %sign3A_290 : i32
    %sign3A_292 = arith.extui %sign3A_291 : i1 to i32
    %sign3A_293 = arith.constant 0 : i32
    %sign3A_294 = arith.cmpi slt, %jit3A_281, %sign3A_293 : i32
    %sign3A_295 = arith.extui %sign3A_294 : i1 to i32
    %sign3A_296 = arith.subi %sign3A_292, %sign3A_295 : i32
    %ne3A_297 = arith.cmpi ne, %sign3A_289, %sign3A_296 : i32
    %rem3A_298 = arith.remsi %and3A_280, %jit3A_281 : i32
    %ne3A_299 = arith.constant 0 : i32
    %ne3A_300 = arith.cmpi ne, %rem3A_298, %ne3A_299 : i32
    %and3A_301 = arith.andi %ne3A_297, %ne3A_300 : i1
    %sub3A_302 = arith.constant 1 : i32
    %sub3A_303 = arith.subi %div3A_282, %sub3A_302 : i32
    %select_n3A_304 = arith.select %and3A_301, %sub3A_303, %div3A_282 : i32
    %sub3A_305 = arith.constant 64 : i32
    %sub3A_306 = arith.subi %sub3A_305, %and3A_280 : i32
    %jit3A_307 = arith.constant 16 : i32
    %div3A_308 = arith.divsi %sub3A_306, %jit3A_307 : i32
    %sign3A_309 = arith.constant 0 : i32
    %sign3A_310 = arith.cmpi sgt, %sub3A_306, %sign3A_309 : i32
    %sign3A_311 = arith.extui %sign3A_310 : i1 to i32
    %sign3A_312 = arith.constant 0 : i32
    %sign3A_313 = arith.cmpi slt, %sub3A_306, %sign3A_312 : i32
    %sign3A_314 = arith.extui %sign3A_313 : i1 to i32
    %sign3A_315 = arith.subi %sign3A_311, %sign3A_314 : i32
    %sign3A_316 = arith.constant 0 : i32
    %sign3A_317 = arith.cmpi sgt, %jit3A_307, %sign3A_316 : i32
    %sign3A_318 = arith.extui %sign3A_317 : i1 to i32
    %sign3A_319 = arith.constant 0 : i32
    %sign3A_320 = arith.cmpi slt, %jit3A_307, %sign3A_319 : i32
    %sign3A_321 = arith.extui %sign3A_320 : i1 to i32
    %sign3A_322 = arith.subi %sign3A_318, %sign3A_321 : i32
    %ne3A_323 = arith.cmpi ne, %sign3A_315, %sign3A_322 : i32
    %rem3A_324 = arith.remsi %sub3A_306, %jit3A_307 : i32
    %ne3A_325 = arith.constant 0 : i32
    %ne3A_326 = arith.cmpi ne, %rem3A_324, %ne3A_325 : i32
    %and3A_327 = arith.andi %ne3A_323, %ne3A_326 : i1
    %sub3A_328 = arith.constant 1 : i32
    %sub3A_329 = arith.subi %div3A_308, %sub3A_328 : i32
    %select_n3A_330 = arith.select %and3A_327, %sub3A_329, %div3A_308 : i32
    %while3A_331 = arith.constant 0 : i32
    %while3A_332 = arith.subi %select_n3A_330, %while3A_331 : i32
    %while3A_333 = arith.addi %while3A_331, %while3A_332 : i32
    %while3A_334 = arith.constant 1 : i32
    %while3A_335 = arith.divsi %while3A_332, %while3A_334 : i32
    %while3A_336 = arith.muli %while3A_335, %while3A_334 : i32
    %while3A_337 = arith.addi %while3A_331, %while3A_336 : i32
    %while3A_338 = arith.constant 1 : i32
    %while3A_339 = scf.for %while3A_766 = %while3A_331 to %while3A_337 step %while3A_338 iter_args(%while3A_767 = %while3A_180) -> (i32)  : i32 {
      %add3A_768 = arith.addi %add3A_270, %and3A_280 : i32
      %mul3A_769 = arith.constant 16 : i32
      %mul3A_770 = arith.muli %while3A_766, %mul3A_769 : i32
      %add3A_771 = arith.addi %add3A_768, %mul3A_770 : i32
      %multiple_of3A = tpu.assume_multiple %add3A_771, 16 : i32
      %dma_start3A_772 = arith.constant 0 : i32
      %dma_start3A_773 = tpu.memref_slice %arg5[%select_n3A, %multiple_of3A, %dma_start3A_772] : memref<16x512x768xf32, #tpu.memory_space<hbm>> -> memref<1x16x768xf32, #tpu.memory_space<hbm>>
      %dma_start3A_774 = tpu.memref_squeeze %dma_start3A_773 : memref<1x16x768xf32, #tpu.memory_space<hbm>> -> memref<16x768xf32, #tpu.memory_space<hbm>>
      %dma_start3A_775 = arith.constant 0 : i32
      %dma_start3A_776 = tpu.memref_slice %arg5[%select_n3A, %multiple_of3A, %dma_start3A_775] : memref<16x512x768xf32, #tpu.memory_space<hbm>> -> memref<1x16x768xf32, #tpu.memory_space<hbm>>
      %dma_start3A_777 = tpu.memref_squeeze %dma_start3A_776 : memref<1x16x768xf32, #tpu.memory_space<hbm>> -> memref<16x768xf32, #tpu.memory_space<hbm>>
      tpu.enqueue_dma source(%arg13 : memref<16x768xf32, #tpu.memory_space<vmem>>) target(%dma_start3A_777 : memref<16x768xf32, #tpu.memory_space<hbm>>) target_semaphore(%arg15 : memref<!tpu.dma_semaphore, #tpu.memory_space<semaphore_mem>>)
      %add3A_778 = arith.constant 1 : i32
      %add3A_779 = arith.addi %while3A_767, %add3A_778 : i32
      scf.yield %add3A_779 : i32
    }
    %while3A_340 = arith.constant 1 : i32
    %while3A_341 = scf.for %while3A_766 = %while3A_337 to %while3A_333 step %while3A_340 iter_args(%while3A_767 = %while3A_339) -> (i32)  : i32 {
      %add3A_768 = arith.addi %add3A_270, %and3A_280 : i32
      %mul3A_769 = arith.constant 16 : i32
      %mul3A_770 = arith.muli %while3A_766, %mul3A_769 : i32
      %add3A_771 = arith.addi %add3A_768, %mul3A_770 : i32
      %multiple_of3A = tpu.assume_multiple %add3A_771, 16 : i32
      %dma_start3A_772 = arith.constant 0 : i32
      %dma_start3A_773 = tpu.memref_slice %arg5[%select_n3A, %multiple_of3A, %dma_start3A_772] : memref<16x512x768xf32, #tpu.memory_space<hbm>> -> memref<1x16x768xf32, #tpu.memory_space<hbm>>
      %dma_start3A_774 = tpu.memref_squeeze %dma_start3A_773 : memref<1x16x768xf32, #tpu.memory_space<hbm>> -> memref<16x768xf32, #tpu.memory_space<hbm>>
      %dma_start3A_775 = arith.constant 0 : i32
      %dma_start3A_776 = tpu.memref_slice %arg5[%select_n3A, %multiple_of3A, %dma_start3A_775] : memref<16x512x768xf32, #tpu.memory_space<hbm>> -> memref<1x16x768xf32, #tpu.memory_space<hbm>>
      %dma_start3A_777 = tpu.memref_squeeze %dma_start3A_776 : memref<1x16x768xf32, #tpu.memory_space<hbm>> -> memref<16x768xf32, #tpu.memory_space<hbm>>
      tpu.enqueue_dma source(%arg13 : memref<16x768xf32, #tpu.memory_space<vmem>>) target(%dma_start3A_777 : memref<16x768xf32, #tpu.memory_space<hbm>>) target_semaphore(%arg15 : memref<!tpu.dma_semaphore, #tpu.memory_space<semaphore_mem>>)
      %add3A_778 = arith.constant 1 : i32
      %add3A_779 = arith.addi %while3A_767, %add3A_778 : i32
      scf.yield %add3A_779 : i32
    }
    %dma_wait3A_342 = arith.constant 0 : i32
    %dma_wait3A_343 = arith.constant 0 : i32
    %dma_wait3A_344 = tpu.memref_slice %arg4[%dma_wait3A_342, %dma_wait3A_343] : memref<30522x768xf32, #tpu.memory_space<hbm>> -> memref<30522x768xf32, #tpu.memory_space<hbm>>
    tpu.wait_indirect_dma semaphore(%arg17 : memref<!tpu.dma_semaphore, #tpu.memory_space<semaphore_mem>>) src(%dma_wait3A_344 : memref<30522x768xf32, #tpu.memory_space<hbm>>) dst(%arg12 : memref<64x768xf32, #tpu.memory_space<vmem>>)
    %sub3A_345 = arith.subi %and3A_280, %max3A_276 : i32
    %mul3A_346 = arith.constant 48 : i32
    %mul3A_347 = arith.muli %sub3A_345, %mul3A_346 : i32
    %while3A_348 = arith.constant 0 : i32
    %while3A_349 = arith.constant 0 : i32
    %while3A_350 = arith.subi %mul3A_347, %while3A_348 : i32
    %while3A_351 = arith.addi %while3A_348, %while3A_350 : i32
    %while3A_352 = arith.constant 1 : i32
    %while3A_353 = arith.divsi %while3A_350, %while3A_352 : i32
    %while3A_354 = arith.muli %while3A_353, %while3A_352 : i32
    %while3A_355 = arith.addi %while3A_348, %while3A_354 : i32
    %while3A_356 = arith.constant 1 : i32
    %while3A_357 = scf.for %while3A_766 = %while3A_348 to %while3A_355 step %while3A_356 iter_args(%while3A_767 = %while3A_349) -> (i32)  : i32 {
      %jit3A_768 = arith.constant 48 : i32
      %div3A_769 = arith.divsi %while3A_766, %jit3A_768 : i32
      %sign3A_770 = arith.constant 0 : i32
      %sign3A_771 = arith.cmpi sgt, %while3A_766, %sign3A_770 : i32
      %sign3A_772 = arith.extui %sign3A_771 : i1 to i32
      %sign3A_773 = arith.constant 0 : i32
      %sign3A_774 = arith.cmpi slt, %while3A_766, %sign3A_773 : i32
      %sign3A_775 = arith.extui %sign3A_774 : i1 to i32
      %sign3A_776 = arith.subi %sign3A_772, %sign3A_775 : i32
      %sign3A_777 = arith.constant 0 : i32
      %sign3A_778 = arith.cmpi sgt, %jit3A_768, %sign3A_777 : i32
      %sign3A_779 = arith.extui %sign3A_778 : i1 to i32
      %sign3A_780 = arith.constant 0 : i32
      %sign3A_781 = arith.cmpi slt, %jit3A_768, %sign3A_780 : i32
      %sign3A_782 = arith.extui %sign3A_781 : i1 to i32
      %sign3A_783 = arith.subi %sign3A_779, %sign3A_782 : i32
      %ne3A_784 = arith.cmpi ne, %sign3A_776, %sign3A_783 : i32
      %rem3A_785 = arith.remsi %while3A_766, %jit3A_768 : i32
      %ne3A_786 = arith.constant 0 : i32
      %ne3A_787 = arith.cmpi ne, %rem3A_785, %ne3A_786 : i32
      %and3A_788 = arith.andi %ne3A_784, %ne3A_787 : i1
      %sub3A_789 = arith.constant 1 : i32
      %sub3A_790 = arith.subi %div3A_769, %sub3A_789 : i32
      %select_n3A_791 = arith.select %and3A_788, %sub3A_790, %div3A_769 : i32
      %add3A_792 = arith.addi %max3A_276, %select_n3A_791 : i32
      %jit3A_793 = arith.constant 48 : i32
      %eq3A_794 = arith.constant 0 : i32
      %eq3A_795 = arith.cmpi eq, %jit3A_793, %eq3A_794 : i32
      %jit3A_796 = arith.constant 1 : i32
      %select_n3A_797 = arith.select %eq3A_795, %jit3A_796, %jit3A_793 : i32
      %rem3A_798 = arith.remsi %while3A_766, %select_n3A_797 : i32
      %ne3A_799 = arith.constant 0 : i32
      %ne3A_800 = arith.cmpi ne, %rem3A_798, %ne3A_799 : i32
      %lt3A_801 = arith.constant 0 : i32
      %lt3A_802 = arith.cmpi slt, %rem3A_798, %lt3A_801 : i32
      %lt3A_803 = arith.constant 0 : i32
      %lt3A_804 = arith.cmpi slt, %select_n3A_797, %lt3A_803 : i32
      %ne3A_805 = arith.xori %lt3A_802, %lt3A_804 : i1
      %and3A_806 = arith.andi %ne3A_805, %ne3A_800 : i1
      %add3A_807 = arith.addi %rem3A_798, %select_n3A_797 : i32
      %select_n3A_808 = arith.select %and3A_806, %add3A_807, %rem3A_798 : i32
      %mul3A_809 = arith.constant 16 : i32
      %mul3A_810 = arith.muli %select_n3A_808, %mul3A_809 : i32
      %swap3A = arith.index_cast %add3A_792 : i32 to index
      %swap3A_811 = arith.index_cast %mul3A_810 : i32 to index
      %swap3A_812 = tpu.vector_load %arg12[%swap3A, %swap3A_811] {strides = array<i32>} : memref<64x768xf32, #tpu.memory_space<vmem>>, vector<16xf32>,
      tpu.vector_store %arg12[%swap3A, %swap3A_811], %broadcast_in_dim3A_101 {strides = array<i32>} : memref<64x768xf32, #tpu.memory_space<vmem>>, vector<16xf32>,
      %while3A_813 = arith.constant 0 : i32
      scf.yield %while3A_813 : i32
    }
    %while3A_358 = arith.constant 1 : i32
    %while3A_359 = scf.for %while3A_766 = %while3A_355 to %while3A_351 step %while3A_358 iter_args(%while3A_767 = %while3A_357) -> (i32)  : i32 {
      %jit3A_768 = arith.constant 48 : i32
      %div3A_769 = arith.divsi %while3A_766, %jit3A_768 : i32
      %sign3A_770 = arith.constant 0 : i32
      %sign3A_771 = arith.cmpi sgt, %while3A_766, %sign3A_770 : i32
      %sign3A_772 = arith.extui %sign3A_771 : i1 to i32
      %sign3A_773 = arith.constant 0 : i32
      %sign3A_774 = arith.cmpi slt, %while3A_766, %sign3A_773 : i32
      %sign3A_775 = arith.extui %sign3A_774 : i1 to i32
      %sign3A_776 = arith.subi %sign3A_772, %sign3A_775 : i32
      %sign3A_777 = arith.constant 0 : i32
      %sign3A_778 = arith.cmpi sgt, %jit3A_768, %sign3A_777 : i32
      %sign3A_779 = arith.extui %sign3A_778 : i1 to i32
      %sign3A_780 = arith.constant 0 : i32
      %sign3A_781 = arith.cmpi slt, %jit3A_768, %sign3A_780 : i32
      %sign3A_782 = arith.extui %sign3A_781 : i1 to i32
      %sign3A_783 = arith.subi %sign3A_779, %sign3A_782 : i32
      %ne3A_784 = arith.cmpi ne, %sign3A_776, %sign3A_783 : i32
      %rem3A_785 = arith.remsi %while3A_766, %jit3A_768 : i32
      %ne3A_786 = arith.constant 0 : i32
      %ne3A_787 = arith.cmpi ne, %rem3A_785, %ne3A_786 : i32
      %and3A_788 = arith.andi %ne3A_784, %ne3A_787 : i1
      %sub3A_789 = arith.constant 1 : i32
      %sub3A_790 = arith.subi %div3A_769, %sub3A_789 : i32
      %select_n3A_791 = arith.select %and3A_788, %sub3A_790, %div3A_769 : i32
      %add3A_792 = arith.addi %max3A_276, %select_n3A_791 : i32
      %jit3A_793 = arith.constant 48 : i32
      %eq3A_794 = arith.constant 0 : i32
      %eq3A_795 = arith.cmpi eq, %jit3A_793, %eq3A_794 : i32
      %jit3A_796 = arith.constant 1 : i32
      %select_n3A_797 = arith.select %eq3A_795, %jit3A_796, %jit3A_793 : i32
      %rem3A_798 = arith.remsi %while3A_766, %select_n3A_797 : i32
      %ne3A_799 = arith.constant 0 : i32
      %ne3A_800 = arith.cmpi ne, %rem3A_798, %ne3A_799 : i32
      %lt3A_801 = arith.constant 0 : i32
      %lt3A_802 = arith.cmpi slt, %rem3A_798, %lt3A_801 : i32
      %lt3A_803 = arith.constant 0 : i32
      %lt3A_804 = arith.cmpi slt, %select_n3A_797, %lt3A_803 : i32
      %ne3A_805 = arith.xori %lt3A_802, %lt3A_804 : i1
      %and3A_806 = arith.andi %ne3A_805, %ne3A_800 : i1
      %add3A_807 = arith.addi %rem3A_798, %select_n3A_797 : i32
      %select_n3A_808 = arith.select %and3A_806, %add3A_807, %rem3A_798 : i32
      %mul3A_809 = arith.constant 16 : i32
      %mul3A_810 = arith.muli %select_n3A_808, %mul3A_809 : i32
      %swap3A = arith.index_cast %add3A_792 : i32 to index
      %swap3A_811 = arith.index_cast %mul3A_810 : i32 to index
      %swap3A_812 = tpu.vector_load %arg12[%swap3A, %swap3A_811] {strides = array<i32>} : memref<64x768xf32, #tpu.memory_space<vmem>>, vector<16xf32>,
      tpu.vector_store %arg12[%swap3A, %swap3A_811], %broadcast_in_dim3A_101 {strides = array<i32>} : memref<64x768xf32, #tpu.memory_space<vmem>>, vector<16xf32>,
      %while3A_813 = arith.constant 0 : i32
      scf.yield %while3A_813 : i32
    }
    %while3A_360 = arith.constant 0 : i32
    %while3A_361 = arith.constant 0 : i32
    %while3A_362 = arith.subi %select_n3A_304, %while3A_360 : i32
    %while3A_363 = arith.addi %while3A_360, %while3A_362 : i32
    %while3A_364 = arith.constant 1 : i32
    %while3A_365 = arith.divsi %while3A_362, %while3A_364 : i32
    %while3A_366 = arith.muli %while3A_365, %while3A_364 : i32
    %while3A_367 = arith.addi %while3A_360, %while3A_366 : i32
    %while3A_368 = arith.constant 1 : i32
    %while3A_369 = scf.for %while3A_766 = %while3A_360 to %while3A_367 step %while3A_368 iter_args(%while3A_767 = %while3A_361) -> (i32)  : i32 {
      %mul3A_768 = arith.constant 16 : i32
      %mul3A_769 = arith.muli %while3A_766, %mul3A_768 : i32
      %multiple_of3A = tpu.assume_multiple %mul3A_769, 16 : i32
      %mul3A_770 = arith.constant 16 : i32
      %mul3A_771 = arith.muli %while3A_766, %mul3A_770 : i32
      %add3A_772 = arith.addi %add3A_270, %mul3A_771 : i32
      %multiple_of3A_773 = tpu.assume_multiple %add3A_772, 16 : i32
      %dma_start3A_774 = arith.constant 0 : i32
      %dma_start3A_775 = tpu.memref_slice %arg12[%multiple_of3A, %dma_start3A_774] : memref<64x768xf32, #tpu.memory_space<vmem>> -> memref<16x768xf32, #tpu.memory_space<vmem>>
      %dma_start3A_776 = arith.constant 0 : i32
      %dma_start3A_777 = tpu.memref_slice %arg5[%select_n3A, %multiple_of3A_773, %dma_start3A_776] : memref<16x512x768xf32, #tpu.memory_space<hbm>> -> memref<1x16x768xf32, #tpu.memory_space<hbm>>
      %dma_start3A_778 = tpu.memref_squeeze %dma_start3A_777 : memref<1x16x768xf32, #tpu.memory_space<hbm>> -> memref<16x768xf32, #tpu.memory_space<hbm>>
      %dma_start3A_779 = arith.constant 0 : i32
      %dma_start3A_780 = tpu.memref_slice %arg5[%select_n3A, %multiple_of3A_773, %dma_start3A_779] : memref<16x512x768xf32, #tpu.memory_space<hbm>> -> memref<1x16x768xf32, #tpu.memory_space<hbm>>
      %dma_start3A_781 = tpu.memref_squeeze %dma_start3A_780 : memref<1x16x768xf32, #tpu.memory_space<hbm>> -> memref<16x768xf32, #tpu.memory_space<hbm>>
      %dma_start3A_782 = arith.constant 0 : i32
      %dma_start3A_783 = tpu.memref_slice %arg12[%multiple_of3A, %dma_start3A_782] : memref<64x768xf32, #tpu.memory_space<vmem>> -> memref<16x768xf32, #tpu.memory_space<vmem>>
      tpu.enqueue_dma source(%dma_start3A_783 : memref<16x768xf32, #tpu.memory_space<vmem>>) target(%dma_start3A_781 : memref<16x768xf32, #tpu.memory_space<hbm>>) target_semaphore(%arg19 : memref<!tpu.dma_semaphore, #tpu.memory_space<semaphore_mem>>)
      %while3A_784 = arith.constant 0 : i32
      scf.yield %while3A_784 : i32
    }
    %while3A_370 = arith.constant 1 : i32
    %while3A_371 = scf.for %while3A_766 = %while3A_367 to %while3A_363 step %while3A_370 iter_args(%while3A_767 = %while3A_369) -> (i32)  : i32 {
      %mul3A_768 = arith.constant 16 : i32
      %mul3A_769 = arith.muli %while3A_766, %mul3A_768 : i32
      %multiple_of3A = tpu.assume_multiple %mul3A_769, 16 : i32
      %mul3A_770 = arith.constant 16 : i32
      %mul3A_771 = arith.muli %while3A_766, %mul3A_770 : i32
      %add3A_772 = arith.addi %add3A_270, %mul3A_771 : i32
      %multiple_of3A_773 = tpu.assume_multiple %add3A_772, 16 : i32
      %dma_start3A_774 = arith.constant 0 : i32
      %dma_start3A_775 = tpu.memref_slice %arg12[%multiple_of3A, %dma_start3A_774] : memref<64x768xf32, #tpu.memory_space<vmem>> -> memref<16x768xf32, #tpu.memory_space<vmem>>
      %dma_start3A_776 = arith.constant 0 : i32
      %dma_start3A_777 = tpu.memref_slice %arg5[%select_n3A, %multiple_of3A_773, %dma_start3A_776] : memref<16x512x768xf32, #tpu.memory_space<hbm>> -> memref<1x16x768xf32, #tpu.memory_space<hbm>>
      %dma_start3A_778 = tpu.memref_squeeze %dma_start3A_777 : memref<1x16x768xf32, #tpu.memory_space<hbm>> -> memref<16x768xf32, #tpu.memory_space<hbm>>
      %dma_start3A_779 = arith.constant 0 : i32
      %dma_start3A_780 = tpu.memref_slice %arg5[%select_n3A, %multiple_of3A_773, %dma_start3A_779] : memref<16x512x768xf32, #tpu.memory_space<hbm>> -> memref<1x16x768xf32, #tpu.memory_space<hbm>>
      %dma_start3A_781 = tpu.memref_squeeze %dma_start3A_780 : memref<1x16x768xf32, #tpu.memory_space<hbm>> -> memref<16x768xf32, #tpu.memory_space<hbm>>
      %dma_start3A_782 = arith.constant 0 : i32
      %dma_start3A_783 = tpu.memref_slice %arg12[%multiple_of3A, %dma_start3A_782] : memref<64x768xf32, #tpu.memory_space<vmem>> -> memref<16x768xf32, #tpu.memory_space<vmem>>
      tpu.enqueue_dma source(%dma_start3A_783 : memref<16x768xf32, #tpu.memory_space<vmem>>) target(%dma_start3A_781 : memref<16x768xf32, #tpu.memory_space<hbm>>) target_semaphore(%arg19 : memref<!tpu.dma_semaphore, #tpu.memory_space<semaphore_mem>>)
      %while3A_784 = arith.constant 0 : i32
      scf.yield %while3A_784 : i32
    }
    %while3A_372 = arith.constant 0 : i32
    %while3A_373 = arith.constant 0 : i32
    %while3A_374 = arith.subi %select_n3A_304, %while3A_372 : i32
    %while3A_375 = arith.addi %while3A_372, %while3A_374 : i32
    %while3A_376 = arith.constant 1 : i32
    %while3A_377 = arith.divsi %while3A_374, %while3A_376 : i32
    %while3A_378 = arith.muli %while3A_377, %while3A_376 : i32
    %while3A_379 = arith.addi %while3A_372, %while3A_378 : i32
    %while3A_380 = arith.constant 1 : i32
    %while3A_381 = scf.for %while3A_766 = %while3A_372 to %while3A_379 step %while3A_380 iter_args(%while3A_767 = %while3A_373) -> (i32)  : i32 {
      %mul3A_768 = arith.constant 16 : i32
      %mul3A_769 = arith.muli %while3A_766, %mul3A_768 : i32
      %multiple_of3A = tpu.assume_multiple %mul3A_769, 16 : i32
      %mul3A_770 = arith.constant 16 : i32
      %mul3A_771 = arith.muli %while3A_766, %mul3A_770 : i32
      %add3A_772 = arith.addi %add3A_270, %mul3A_771 : i32
      %multiple_of3A_773 = tpu.assume_multiple %add3A_772, 16 : i32
      %dma_wait3A_774 = arith.constant 0 : i32
      %dma_wait3A_775 = tpu.memref_slice %arg12[%multiple_of3A, %dma_wait3A_774] : memref<64x768xf32, #tpu.memory_space<vmem>> -> memref<16x768xf32, #tpu.memory_space<vmem>>
      %dma_wait3A_776 = arith.constant 0 : i32
      %dma_wait3A_777 = tpu.memref_slice %arg5[%select_n3A, %multiple_of3A_773, %dma_wait3A_776] : memref<16x512x768xf32, #tpu.memory_space<hbm>> -> memref<1x16x768xf32, #tpu.memory_space<hbm>>
      %dma_wait3A_778 = tpu.memref_squeeze %dma_wait3A_777 : memref<1x16x768xf32, #tpu.memory_space<hbm>> -> memref<16x768xf32, #tpu.memory_space<hbm>>
      %dma_wait3A_779 = arith.constant 0 : i32
      %dma_wait3A_780 = tpu.memref_slice %arg5[%select_n3A, %multiple_of3A_773, %dma_wait3A_779] : memref<16x512x768xf32, #tpu.memory_space<hbm>> -> memref<1x16x768xf32, #tpu.memory_space<hbm>>
      %dma_wait3A_781 = tpu.memref_squeeze %dma_wait3A_780 : memref<1x16x768xf32, #tpu.memory_space<hbm>> -> memref<16x768xf32, #tpu.memory_space<hbm>>
      %dma_wait3A_782 = arith.constant 0 : i32
      %dma_wait3A_783 = tpu.memref_slice %arg12[%multiple_of3A, %dma_wait3A_782] : memref<64x768xf32, #tpu.memory_space<vmem>> -> memref<16x768xf32, #tpu.memory_space<vmem>>
      tpu.wait_dma2 semaphore(%arg19 : memref<!tpu.dma_semaphore, #tpu.memory_space<semaphore_mem>>) src(%dma_wait3A_783 : memref<16x768xf32, #tpu.memory_space<vmem>>) dst(%dma_wait3A_781 : memref<16x768xf32, #tpu.memory_space<hbm>>)
      %while3A_784 = arith.constant 0 : i32
      scf.yield %while3A_784 : i32
    }
    %while3A_382 = arith.constant 1 : i32
    %while3A_383 = scf.for %while3A_766 = %while3A_379 to %while3A_375 step %while3A_382 iter_args(%while3A_767 = %while3A_381) -> (i32)  : i32 {
      %mul3A_768 = arith.constant 16 : i32
      %mul3A_769 = arith.muli %while3A_766, %mul3A_768 : i32
      %multiple_of3A = tpu.assume_multiple %mul3A_769, 16 : i32
      %mul3A_770 = arith.constant 16 : i32
      %mul3A_771 = arith.muli %while3A_766, %mul3A_770 : i32
      %add3A_772 = arith.addi %add3A_270, %mul3A_771 : i32
      %multiple_of3A_773 = tpu.assume_multiple %add3A_772, 16 : i32
      %dma_wait3A_774 = arith.constant 0 : i32
      %dma_wait3A_775 = tpu.memref_slice %arg12[%multiple_of3A, %dma_wait3A_774] : memref<64x768xf32, #tpu.memory_space<vmem>> -> memref<16x768xf32, #tpu.memory_space<vmem>>
      %dma_wait3A_776 = arith.constant 0 : i32
      %dma_wait3A_777 = tpu.memref_slice %arg5[%select_n3A, %multiple_of3A_773, %dma_wait3A_776] : memref<16x512x768xf32, #tpu.memory_space<hbm>> -> memref<1x16x768xf32, #tpu.memory_space<hbm>>
      %dma_wait3A_778 = tpu.memref_squeeze %dma_wait3A_777 : memref<1x16x768xf32, #tpu.memory_space<hbm>> -> memref<16x768xf32, #tpu.memory_space<hbm>>
      %dma_wait3A_779 = arith.constant 0 : i32
      %dma_wait3A_780 = tpu.memref_slice %arg5[%select_n3A, %multiple_of3A_773, %dma_wait3A_779] : memref<16x512x768xf32, #tpu.memory_space<hbm>> -> memref<1x16x768xf32, #tpu.memory_space<hbm>>
      %dma_wait3A_781 = tpu.memref_squeeze %dma_wait3A_780 : memref<1x16x768xf32, #tpu.memory_space<hbm>> -> memref<16x768xf32, #tpu.memory_space<hbm>>
      %dma_wait3A_782 = arith.constant 0 : i32
      %dma_wait3A_783 = tpu.memref_slice %arg12[%multiple_of3A, %dma_wait3A_782] : memref<64x768xf32, #tpu.memory_space<vmem>> -> memref<16x768xf32, #tpu.memory_space<vmem>>
      tpu.wait_dma2 semaphore(%arg19 : memref<!tpu.dma_semaphore, #tpu.memory_space<semaphore_mem>>) src(%dma_wait3A_783 : memref<16x768xf32, #tpu.memory_space<vmem>>) dst(%dma_wait3A_781 : memref<16x768xf32, #tpu.memory_space<hbm>>)
      %while3A_784 = arith.constant 0 : i32
      scf.yield %while3A_784 : i32
    }
    %sub3A_384 = arith.constant 192 : i32
    %sub3A_385 = arith.subi %max3A_99, %sub3A_384 : i32
    %min3A_386 = arith.constant 64 : i32
    %min3A_387 = arith.minsi %sub3A_385, %min3A_386 : i32
    %max3A_388 = arith.constant 0 : i32
    %max3A_389 = arith.maxsi %min3A_387, %max3A_388 : i32
    %add3A_390 = arith.constant 15 : i32
    %add3A_391 = arith.addi %max3A_389, %add3A_390 : i32
    %jit3A_392 = arith.constant 16 : i32
    %div3A_393 = arith.divsi %add3A_391, %jit3A_392 : i32
    %sign3A_394 = arith.constant 0 : i32
    %sign3A_395 = arith.cmpi sgt, %add3A_391, %sign3A_394 : i32
    %sign3A_396 = arith.extui %sign3A_395 : i1 to i32
    %sign3A_397 = arith.constant 0 : i32
    %sign3A_398 = arith.cmpi slt, %add3A_391, %sign3A_397 : i32
    %sign3A_399 = arith.extui %sign3A_398 : i1 to i32
    %sign3A_400 = arith.subi %sign3A_396, %sign3A_399 : i32
    %sign3A_401 = arith.constant 0 : i32
    %sign3A_402 = arith.cmpi sgt, %jit3A_392, %sign3A_401 : i32
    %sign3A_403 = arith.extui %sign3A_402 : i1 to i32
    %sign3A_404 = arith.constant 0 : i32
    %sign3A_405 = arith.cmpi slt, %jit3A_392, %sign3A_404 : i32
    %sign3A_406 = arith.extui %sign3A_405 : i1 to i32
    %sign3A_407 = arith.subi %sign3A_403, %sign3A_406 : i32
    %ne3A_408 = arith.cmpi ne, %sign3A_400, %sign3A_407 : i32
    %rem3A_409 = arith.remsi %add3A_391, %jit3A_392 : i32
    %ne3A_410 = arith.constant 0 : i32
    %ne3A_411 = arith.cmpi ne, %rem3A_409, %ne3A_410 : i32
    %and3A_412 = arith.andi %ne3A_408, %ne3A_411 : i1
    %sub3A_413 = arith.constant 1 : i32
    %sub3A_414 = arith.subi %div3A_393, %sub3A_413 : i32
    %select_n3A_415 = arith.select %and3A_412, %sub3A_414, %div3A_393 : i32
    %min3A_416 = arith.constant 1 : i32
    %min3A_417 = arith.minsi %select_n3A_415, %min3A_416 : i32
    %while3A_418 = arith.constant 0 : i32
    %while3A_419 = arith.constant 0 : i32
    %while3A_420 = arith.subi %min3A_417, %while3A_418 : i32
    %while3A_421 = arith.addi %while3A_418, %while3A_420 : i32
    %while3A_422 = arith.constant 1 : i32
    %while3A_423 = arith.divsi %while3A_420, %while3A_422 : i32
    %while3A_424 = arith.muli %while3A_423, %while3A_422 : i32
    %while3A_425 = arith.addi %while3A_418, %while3A_424 : i32
    %while3A_426 = arith.constant 1 : i32
    %while3A_427 = scf.for %while3A_766 = %while3A_418 to %while3A_425 step %while3A_426 iter_args(%while3A_767 = %while3A_419) -> (i32)  : i32 {
      %dma_start3A_768 = arith.constant 0 : i32
      %dma_start3A_769 = arith.constant 0 : i32
      %dma_start3A_770 = tpu.memref_slice %arg4[%dma_start3A_768, %dma_start3A_769] : memref<30522x768xf32, #tpu.memory_space<hbm>> -> memref<30522x768xf32, #tpu.memory_space<hbm>>
      tpu.enqueue_indirect_dma source(%dma_start3A_770 : memref<30522x768xf32, #tpu.memory_space<hbm>>) target(%arg12 : memref<64x768xf32, #tpu.memory_space<vmem>>) offsets(%arg9 : memref<64xi32, #tpu.memory_space<vmem>>) semaphore(%arg17 : memref<!tpu.dma_semaphore, #tpu.memory_space<semaphore_mem>>)
      %while3A_771 = arith.constant 0 : i32
      scf.yield %while3A_771 : i32
    }
    %while3A_428 = arith.constant 1 : i32
    %while3A_429 = scf.for %while3A_766 = %while3A_425 to %while3A_421 step %while3A_428 iter_args(%while3A_767 = %while3A_427) -> (i32)  : i32 {
      %dma_start3A_768 = arith.constant 0 : i32
      %dma_start3A_769 = arith.constant 0 : i32
      %dma_start3A_770 = tpu.memref_slice %arg4[%dma_start3A_768, %dma_start3A_769] : memref<30522x768xf32, #tpu.memory_space<hbm>> -> memref<30522x768xf32, #tpu.memory_space<hbm>>
      tpu.enqueue_indirect_dma source(%dma_start3A_770 : memref<30522x768xf32, #tpu.memory_space<hbm>>) target(%arg12 : memref<64x768xf32, #tpu.memory_space<vmem>>) offsets(%arg9 : memref<64xi32, #tpu.memory_space<vmem>>) semaphore(%arg17 : memref<!tpu.dma_semaphore, #tpu.memory_space<semaphore_mem>>)
      %while3A_771 = arith.constant 0 : i32
      scf.yield %while3A_771 : i32
    }
    %add3A_430 = arith.constant 128 : i32
    %add3A_431 = arith.addi %mul3A_32, %add3A_430 : i32
    %sub3A_432 = arith.constant 128 : i32
    %sub3A_433 = arith.subi %max3A_99, %sub3A_432 : i32
    %min3A_434 = arith.constant 64 : i32
    %min3A_435 = arith.minsi %sub3A_433, %min3A_434 : i32
    %max3A_436 = arith.constant 0 : i32
    %max3A_437 = arith.maxsi %min3A_435, %max3A_436 : i32
    %add3A_438 = arith.constant 15 : i32
    %add3A_439 = arith.addi %max3A_437, %add3A_438 : i32
    %and3A_440 = arith.constant -16 : i32
    %and3A_441 = arith.andi %add3A_439, %and3A_440 : i32
    %jit3A_442 = arith.constant 16 : i32
    %div3A_443 = arith.divsi %and3A_441, %jit3A_442 : i32
    %sign3A_444 = arith.constant 0 : i32
    %sign3A_445 = arith.cmpi sgt, %and3A_441, %sign3A_444 : i32
    %sign3A_446 = arith.extui %sign3A_445 : i1 to i32
    %sign3A_447 = arith.constant 0 : i32
    %sign3A_448 = arith.cmpi slt, %and3A_441, %sign3A_447 : i32
    %sign3A_449 = arith.extui %sign3A_448 : i1 to i32
    %sign3A_450 = arith.subi %sign3A_446, %sign3A_449 : i32
    %sign3A_451 = arith.constant 0 : i32
    %sign3A_452 = arith.cmpi sgt, %jit3A_442, %sign3A_451 : i32
    %sign3A_453 = arith.extui %sign3A_452 : i1 to i32
    %sign3A_454 = arith.constant 0 : i32
    %sign3A_455 = arith.cmpi slt, %jit3A_442, %sign3A_454 : i32
    %sign3A_456 = arith.extui %sign3A_455 : i1 to i32
    %sign3A_457 = arith.subi %sign3A_453, %sign3A_456 : i32
    %ne3A_458 = arith.cmpi ne, %sign3A_450, %sign3A_457 : i32
    %rem3A_459 = arith.remsi %and3A_441, %jit3A_442 : i32
    %ne3A_460 = arith.constant 0 : i32
    %ne3A_461 = arith.cmpi ne, %rem3A_459, %ne3A_460 : i32
    %and3A_462 = arith.andi %ne3A_458, %ne3A_461 : i1
    %sub3A_463 = arith.constant 1 : i32
    %sub3A_464 = arith.subi %div3A_443, %sub3A_463 : i32
    %select_n3A_465 = arith.select %and3A_462, %sub3A_464, %div3A_443 : i32
    %sub3A_466 = arith.constant 64 : i32
    %sub3A_467 = arith.subi %sub3A_466, %and3A_441 : i32
    %jit3A_468 = arith.constant 16 : i32
    %div3A_469 = arith.divsi %sub3A_467, %jit3A_468 : i32
    %sign3A_470 = arith.constant 0 : i32
    %sign3A_471 = arith.cmpi sgt, %sub3A_467, %sign3A_470 : i32
    %sign3A_472 = arith.extui %sign3A_471 : i1 to i32
    %sign3A_473 = arith.constant 0 : i32
    %sign3A_474 = arith.cmpi slt, %sub3A_467, %sign3A_473 : i32
    %sign3A_475 = arith.extui %sign3A_474 : i1 to i32
    %sign3A_476 = arith.subi %sign3A_472, %sign3A_475 : i32
    %sign3A_477 = arith.constant 0 : i32
    %sign3A_478 = arith.cmpi sgt, %jit3A_468, %sign3A_477 : i32
    %sign3A_479 = arith.extui %sign3A_478 : i1 to i32
    %sign3A_480 = arith.constant 0 : i32
    %sign3A_481 = arith.cmpi slt, %jit3A_468, %sign3A_480 : i32
    %sign3A_482 = arith.extui %sign3A_481 : i1 to i32
    %sign3A_483 = arith.subi %sign3A_479, %sign3A_482 : i32
    %ne3A_484 = arith.cmpi ne, %sign3A_476, %sign3A_483 : i32
    %rem3A_485 = arith.remsi %sub3A_467, %jit3A_468 : i32
    %ne3A_486 = arith.constant 0 : i32
    %ne3A_487 = arith.cmpi ne, %rem3A_485, %ne3A_486 : i32
    %and3A_488 = arith.andi %ne3A_484, %ne3A_487 : i1
    %sub3A_489 = arith.constant 1 : i32
    %sub3A_490 = arith.subi %div3A_469, %sub3A_489 : i32
    %select_n3A_491 = arith.select %and3A_488, %sub3A_490, %div3A_469 : i32
    %while3A_492 = arith.constant 0 : i32
    %while3A_493 = arith.subi %select_n3A_491, %while3A_492 : i32
    %while3A_494 = arith.addi %while3A_492, %while3A_493 : i32
    %while3A_495 = arith.constant 1 : i32
    %while3A_496 = arith.divsi %while3A_493, %while3A_495 : i32
    %while3A_497 = arith.muli %while3A_496, %while3A_495 : i32
    %while3A_498 = arith.addi %while3A_492, %while3A_497 : i32
    %while3A_499 = arith.constant 1 : i32
    %while3A_500 = scf.for %while3A_766 = %while3A_492 to %while3A_498 step %while3A_499 iter_args(%while3A_767 = %while3A_341) -> (i32)  : i32 {
      %add3A_768 = arith.addi %add3A_431, %and3A_441 : i32
      %mul3A_769 = arith.constant 16 : i32
      %mul3A_770 = arith.muli %while3A_766, %mul3A_769 : i32
      %add3A_771 = arith.addi %add3A_768, %mul3A_770 : i32
      %multiple_of3A = tpu.assume_multiple %add3A_771, 16 : i32
      %dma_start3A_772 = arith.constant 0 : i32
      %dma_start3A_773 = tpu.memref_slice %arg5[%select_n3A, %multiple_of3A, %dma_start3A_772] : memref<16x512x768xf32, #tpu.memory_space<hbm>> -> memref<1x16x768xf32, #tpu.memory_space<hbm>>
      %dma_start3A_774 = tpu.memref_squeeze %dma_start3A_773 : memref<1x16x768xf32, #tpu.memory_space<hbm>> -> memref<16x768xf32, #tpu.memory_space<hbm>>
      %dma_start3A_775 = arith.constant 0 : i32
      %dma_start3A_776 = tpu.memref_slice %arg5[%select_n3A, %multiple_of3A, %dma_start3A_775] : memref<16x512x768xf32, #tpu.memory_space<hbm>> -> memref<1x16x768xf32, #tpu.memory_space<hbm>>
      %dma_start3A_777 = tpu.memref_squeeze %dma_start3A_776 : memref<1x16x768xf32, #tpu.memory_space<hbm>> -> memref<16x768xf32, #tpu.memory_space<hbm>>
      tpu.enqueue_dma source(%arg13 : memref<16x768xf32, #tpu.memory_space<vmem>>) target(%dma_start3A_777 : memref<16x768xf32, #tpu.memory_space<hbm>>) target_semaphore(%arg15 : memref<!tpu.dma_semaphore, #tpu.memory_space<semaphore_mem>>)
      %add3A_778 = arith.constant 1 : i32
      %add3A_779 = arith.addi %while3A_767, %add3A_778 : i32
      scf.yield %add3A_779 : i32
    }
    %while3A_501 = arith.constant 1 : i32
    %while3A_502 = scf.for %while3A_766 = %while3A_498 to %while3A_494 step %while3A_501 iter_args(%while3A_767 = %while3A_500) -> (i32)  : i32 {
      %add3A_768 = arith.addi %add3A_431, %and3A_441 : i32
      %mul3A_769 = arith.constant 16 : i32
      %mul3A_770 = arith.muli %while3A_766, %mul3A_769 : i32
      %add3A_771 = arith.addi %add3A_768, %mul3A_770 : i32
      %multiple_of3A = tpu.assume_multiple %add3A_771, 16 : i32
      %dma_start3A_772 = arith.constant 0 : i32
      %dma_start3A_773 = tpu.memref_slice %arg5[%select_n3A, %multiple_of3A, %dma_start3A_772] : memref<16x512x768xf32, #tpu.memory_space<hbm>> -> memref<1x16x768xf32, #tpu.memory_space<hbm>>
      %dma_start3A_774 = tpu.memref_squeeze %dma_start3A_773 : memref<1x16x768xf32, #tpu.memory_space<hbm>> -> memref<16x768xf32, #tpu.memory_space<hbm>>
      %dma_start3A_775 = arith.constant 0 : i32
      %dma_start3A_776 = tpu.memref_slice %arg5[%select_n3A, %multiple_of3A, %dma_start3A_775] : memref<16x512x768xf32, #tpu.memory_space<hbm>> -> memref<1x16x768xf32, #tpu.memory_space<hbm>>
      %dma_start3A_777 = tpu.memref_squeeze %dma_start3A_776 : memref<1x16x768xf32, #tpu.memory_space<hbm>> -> memref<16x768xf32, #tpu.memory_space<hbm>>
      tpu.enqueue_dma source(%arg13 : memref<16x768xf32, #tpu.memory_space<vmem>>) target(%dma_start3A_777 : memref<16x768xf32, #tpu.memory_space<hbm>>) target_semaphore(%arg15 : memref<!tpu.dma_semaphore, #tpu.memory_space<semaphore_mem>>)
      %add3A_778 = arith.constant 1 : i32
      %add3A_779 = arith.addi %while3A_767, %add3A_778 : i32
      scf.yield %add3A_779 : i32
    }
    %min3A_503 = arith.constant 1 : i32
    %min3A_504 = arith.minsi %select_n3A_465, %min3A_503 : i32
    %while3A_505 = arith.constant 0 : i32
    %while3A_506 = arith.constant 0 : i32
    %while3A_507 = arith.subi %min3A_504, %while3A_505 : i32
    %while3A_508 = arith.addi %while3A_505, %while3A_507 : i32
    %while3A_509 = arith.constant 1 : i32
    %while3A_510 = arith.divsi %while3A_507, %while3A_509 : i32
    %while3A_511 = arith.muli %while3A_510, %while3A_509 : i32
    %while3A_512 = arith.addi %while3A_505, %while3A_511 : i32
    %while3A_513 = arith.constant 1 : i32
    %while3A_514 = scf.for %while3A_766 = %while3A_505 to %while3A_512 step %while3A_513 iter_args(%while3A_767 = %while3A_506) -> (i32)  : i32 {
      %dma_wait3A_768 = arith.constant 0 : i32
      %dma_wait3A_769 = arith.constant 0 : i32
      %dma_wait3A_770 = tpu.memref_slice %arg4[%dma_wait3A_768, %dma_wait3A_769] : memref<30522x768xf32, #tpu.memory_space<hbm>> -> memref<30522x768xf32, #tpu.memory_space<hbm>>
      tpu.wait_indirect_dma semaphore(%arg16 : memref<!tpu.dma_semaphore, #tpu.memory_space<semaphore_mem>>) src(%dma_wait3A_770 : memref<30522x768xf32, #tpu.memory_space<hbm>>) dst(%arg11 : memref<64x768xf32, #tpu.memory_space<vmem>>)
      %while3A_771 = arith.constant 0 : i32
      scf.yield %while3A_771 : i32
    }
    %while3A_515 = arith.constant 1 : i32
    %while3A_516 = scf.for %while3A_766 = %while3A_512 to %while3A_508 step %while3A_515 iter_args(%while3A_767 = %while3A_514) -> (i32)  : i32 {
      %dma_wait3A_768 = arith.constant 0 : i32
      %dma_wait3A_769 = arith.constant 0 : i32
      %dma_wait3A_770 = tpu.memref_slice %arg4[%dma_wait3A_768, %dma_wait3A_769] : memref<30522x768xf32, #tpu.memory_space<hbm>> -> memref<30522x768xf32, #tpu.memory_space<hbm>>
      tpu.wait_indirect_dma semaphore(%arg16 : memref<!tpu.dma_semaphore, #tpu.memory_space<semaphore_mem>>) src(%dma_wait3A_770 : memref<30522x768xf32, #tpu.memory_space<hbm>>) dst(%arg11 : memref<64x768xf32, #tpu.memory_space<vmem>>)
      %while3A_771 = arith.constant 0 : i32
      scf.yield %while3A_771 : i32
    }
    %sub3A_517 = arith.subi %and3A_441, %max3A_437 : i32
    %mul3A_518 = arith.constant 48 : i32
    %mul3A_519 = arith.muli %sub3A_517, %mul3A_518 : i32
    %while3A_520 = arith.constant 0 : i32
    %while3A_521 = arith.constant 0 : i32
    %while3A_522 = arith.subi %mul3A_519, %while3A_520 : i32
    %while3A_523 = arith.addi %while3A_520, %while3A_522 : i32
    %while3A_524 = arith.constant 1 : i32
    %while3A_525 = arith.divsi %while3A_522, %while3A_524 : i32
    %while3A_526 = arith.muli %while3A_525, %while3A_524 : i32
    %while3A_527 = arith.addi %while3A_520, %while3A_526 : i32
    %while3A_528 = arith.constant 1 : i32
    %while3A_529 = scf.for %while3A_766 = %while3A_520 to %while3A_527 step %while3A_528 iter_args(%while3A_767 = %while3A_521) -> (i32)  : i32 {
      %jit3A_768 = arith.constant 48 : i32
      %div3A_769 = arith.divsi %while3A_766, %jit3A_768 : i32
      %sign3A_770 = arith.constant 0 : i32
      %sign3A_771 = arith.cmpi sgt, %while3A_766, %sign3A_770 : i32
      %sign3A_772 = arith.extui %sign3A_771 : i1 to i32
      %sign3A_773 = arith.constant 0 : i32
      %sign3A_774 = arith.cmpi slt, %while3A_766, %sign3A_773 : i32
      %sign3A_775 = arith.extui %sign3A_774 : i1 to i32
      %sign3A_776 = arith.subi %sign3A_772, %sign3A_775 : i32
      %sign3A_777 = arith.constant 0 : i32
      %sign3A_778 = arith.cmpi sgt, %jit3A_768, %sign3A_777 : i32
      %sign3A_779 = arith.extui %sign3A_778 : i1 to i32
      %sign3A_780 = arith.constant 0 : i32
      %sign3A_781 = arith.cmpi slt, %jit3A_768, %sign3A_780 : i32
      %sign3A_782 = arith.extui %sign3A_781 : i1 to i32
      %sign3A_783 = arith.subi %sign3A_779, %sign3A_782 : i32
      %ne3A_784 = arith.cmpi ne, %sign3A_776, %sign3A_783 : i32
      %rem3A_785 = arith.remsi %while3A_766, %jit3A_768 : i32
      %ne3A_786 = arith.constant 0 : i32
      %ne3A_787 = arith.cmpi ne, %rem3A_785, %ne3A_786 : i32
      %and3A_788 = arith.andi %ne3A_784, %ne3A_787 : i1
      %sub3A_789 = arith.constant 1 : i32
      %sub3A_790 = arith.subi %div3A_769, %sub3A_789 : i32
      %select_n3A_791 = arith.select %and3A_788, %sub3A_790, %div3A_769 : i32
      %add3A_792 = arith.addi %max3A_437, %select_n3A_791 : i32
      %jit3A_793 = arith.constant 48 : i32
      %eq3A_794 = arith.constant 0 : i32
      %eq3A_795 = arith.cmpi eq, %jit3A_793, %eq3A_794 : i32
      %jit3A_796 = arith.constant 1 : i32
      %select_n3A_797 = arith.select %eq3A_795, %jit3A_796, %jit3A_793 : i32
      %rem3A_798 = arith.remsi %while3A_766, %select_n3A_797 : i32
      %ne3A_799 = arith.constant 0 : i32
      %ne3A_800 = arith.cmpi ne, %rem3A_798, %ne3A_799 : i32
      %lt3A_801 = arith.constant 0 : i32
      %lt3A_802 = arith.cmpi slt, %rem3A_798, %lt3A_801 : i32
      %lt3A_803 = arith.constant 0 : i32
      %lt3A_804 = arith.cmpi slt, %select_n3A_797, %lt3A_803 : i32
      %ne3A_805 = arith.xori %lt3A_802, %lt3A_804 : i1
      %and3A_806 = arith.andi %ne3A_805, %ne3A_800 : i1
      %add3A_807 = arith.addi %rem3A_798, %select_n3A_797 : i32
      %select_n3A_808 = arith.select %and3A_806, %add3A_807, %rem3A_798 : i32
      %mul3A_809 = arith.constant 16 : i32
      %mul3A_810 = arith.muli %select_n3A_808, %mul3A_809 : i32
      %swap3A = arith.index_cast %add3A_792 : i32 to index
      %swap3A_811 = arith.index_cast %mul3A_810 : i32 to index
      %swap3A_812 = tpu.vector_load %arg11[%swap3A, %swap3A_811] {strides = array<i32>} : memref<64x768xf32, #tpu.memory_space<vmem>>, vector<16xf32>,
      tpu.vector_store %arg11[%swap3A, %swap3A_811], %broadcast_in_dim3A_101 {strides = array<i32>} : memref<64x768xf32, #tpu.memory_space<vmem>>, vector<16xf32>,
      %while3A_813 = arith.constant 0 : i32
      scf.yield %while3A_813 : i32
    }
    %while3A_530 = arith.constant 1 : i32
    %while3A_531 = scf.for %while3A_766 = %while3A_527 to %while3A_523 step %while3A_530 iter_args(%while3A_767 = %while3A_529) -> (i32)  : i32 {
      %jit3A_768 = arith.constant 48 : i32
      %div3A_769 = arith.divsi %while3A_766, %jit3A_768 : i32
      %sign3A_770 = arith.constant 0 : i32
      %sign3A_771 = arith.cmpi sgt, %while3A_766, %sign3A_770 : i32
      %sign3A_772 = arith.extui %sign3A_771 : i1 to i32
      %sign3A_773 = arith.constant 0 : i32
      %sign3A_774 = arith.cmpi slt, %while3A_766, %sign3A_773 : i32
      %sign3A_775 = arith.extui %sign3A_774 : i1 to i32
      %sign3A_776 = arith.subi %sign3A_772, %sign3A_775 : i32
      %sign3A_777 = arith.constant 0 : i32
      %sign3A_778 = arith.cmpi sgt, %jit3A_768, %sign3A_777 : i32
      %sign3A_779 = arith.extui %sign3A_778 : i1 to i32
      %sign3A_780 = arith.constant 0 : i32
      %sign3A_781 = arith.cmpi slt, %jit3A_768, %sign3A_780 : i32
      %sign3A_782 = arith.extui %sign3A_781 : i1 to i32
      %sign3A_783 = arith.subi %sign3A_779, %sign3A_782 : i32
      %ne3A_784 = arith.cmpi ne, %sign3A_776, %sign3A_783 : i32
      %rem3A_785 = arith.remsi %while3A_766, %jit3A_768 : i32
      %ne3A_786 = arith.constant 0 : i32
      %ne3A_787 = arith.cmpi ne, %rem3A_785, %ne3A_786 : i32
      %and3A_788 = arith.andi %ne3A_784, %ne3A_787 : i1
      %sub3A_789 = arith.constant 1 : i32
      %sub3A_790 = arith.subi %div3A_769, %sub3A_789 : i32
      %select_n3A_791 = arith.select %and3A_788, %sub3A_790, %div3A_769 : i32
      %add3A_792 = arith.addi %max3A_437, %select_n3A_791 : i32
      %jit3A_793 = arith.constant 48 : i32
      %eq3A_794 = arith.constant 0 : i32
      %eq3A_795 = arith.cmpi eq, %jit3A_793, %eq3A_794 : i32
      %jit3A_796 = arith.constant 1 : i32
      %select_n3A_797 = arith.select %eq3A_795, %jit3A_796, %jit3A_793 : i32
      %rem3A_798 = arith.remsi %while3A_766, %select_n3A_797 : i32
      %ne3A_799 = arith.constant 0 : i32
      %ne3A_800 = arith.cmpi ne, %rem3A_798, %ne3A_799 : i32
      %lt3A_801 = arith.constant 0 : i32
      %lt3A_802 = arith.cmpi slt, %rem3A_798, %lt3A_801 : i32
      %lt3A_803 = arith.constant 0 : i32
      %lt3A_804 = arith.cmpi slt, %select_n3A_797, %lt3A_803 : i32
      %ne3A_805 = arith.xori %lt3A_802, %lt3A_804 : i1
      %and3A_806 = arith.andi %ne3A_805, %ne3A_800 : i1
      %add3A_807 = arith.addi %rem3A_798, %select_n3A_797 : i32
      %select_n3A_808 = arith.select %and3A_806, %add3A_807, %rem3A_798 : i32
      %mul3A_809 = arith.constant 16 : i32
      %mul3A_810 = arith.muli %select_n3A_808, %mul3A_809 : i32
      %swap3A = arith.index_cast %add3A_792 : i32 to index
      %swap3A_811 = arith.index_cast %mul3A_810 : i32 to index
      %swap3A_812 = tpu.vector_load %arg11[%swap3A, %swap3A_811] {strides = array<i32>} : memref<64x768xf32, #tpu.memory_space<vmem>>, vector<16xf32>,
      tpu.vector_store %arg11[%swap3A, %swap3A_811], %broadcast_in_dim3A_101 {strides = array<i32>} : memref<64x768xf32, #tpu.memory_space<vmem>>, vector<16xf32>,
      %while3A_813 = arith.constant 0 : i32
      scf.yield %while3A_813 : i32
    }
    %while3A_532 = arith.constant 0 : i32
    %while3A_533 = arith.constant 0 : i32
    %while3A_534 = arith.subi %select_n3A_465, %while3A_532 : i32
    %while3A_535 = arith.addi %while3A_532, %while3A_534 : i32
    %while3A_536 = arith.constant 1 : i32
    %while3A_537 = arith.divsi %while3A_534, %while3A_536 : i32
    %while3A_538 = arith.muli %while3A_537, %while3A_536 : i32
    %while3A_539 = arith.addi %while3A_532, %while3A_538 : i32
    %while3A_540 = arith.constant 1 : i32
    %while3A_541 = scf.for %while3A_766 = %while3A_532 to %while3A_539 step %while3A_540 iter_args(%while3A_767 = %while3A_533) -> (i32)  : i32 {
      %mul3A_768 = arith.constant 16 : i32
      %mul3A_769 = arith.muli %while3A_766, %mul3A_768 : i32
      %multiple_of3A = tpu.assume_multiple %mul3A_769, 16 : i32
      %mul3A_770 = arith.constant 16 : i32
      %mul3A_771 = arith.muli %while3A_766, %mul3A_770 : i32
      %add3A_772 = arith.addi %add3A_431, %mul3A_771 : i32
      %multiple_of3A_773 = tpu.assume_multiple %add3A_772, 16 : i32
      %dma_start3A_774 = arith.constant 0 : i32
      %dma_start3A_775 = tpu.memref_slice %arg11[%multiple_of3A, %dma_start3A_774] : memref<64x768xf32, #tpu.memory_space<vmem>> -> memref<16x768xf32, #tpu.memory_space<vmem>>
      %dma_start3A_776 = arith.constant 0 : i32
      %dma_start3A_777 = tpu.memref_slice %arg5[%select_n3A, %multiple_of3A_773, %dma_start3A_776] : memref<16x512x768xf32, #tpu.memory_space<hbm>> -> memref<1x16x768xf32, #tpu.memory_space<hbm>>
      %dma_start3A_778 = tpu.memref_squeeze %dma_start3A_777 : memref<1x16x768xf32, #tpu.memory_space<hbm>> -> memref<16x768xf32, #tpu.memory_space<hbm>>
      %dma_start3A_779 = arith.constant 0 : i32
      %dma_start3A_780 = tpu.memref_slice %arg5[%select_n3A, %multiple_of3A_773, %dma_start3A_779] : memref<16x512x768xf32, #tpu.memory_space<hbm>> -> memref<1x16x768xf32, #tpu.memory_space<hbm>>
      %dma_start3A_781 = tpu.memref_squeeze %dma_start3A_780 : memref<1x16x768xf32, #tpu.memory_space<hbm>> -> memref<16x768xf32, #tpu.memory_space<hbm>>
      %dma_start3A_782 = arith.constant 0 : i32
      %dma_start3A_783 = tpu.memref_slice %arg11[%multiple_of3A, %dma_start3A_782] : memref<64x768xf32, #tpu.memory_space<vmem>> -> memref<16x768xf32, #tpu.memory_space<vmem>>
      tpu.enqueue_dma source(%dma_start3A_783 : memref<16x768xf32, #tpu.memory_space<vmem>>) target(%dma_start3A_781 : memref<16x768xf32, #tpu.memory_space<hbm>>) target_semaphore(%arg18 : memref<!tpu.dma_semaphore, #tpu.memory_space<semaphore_mem>>)
      %while3A_784 = arith.constant 0 : i32
      scf.yield %while3A_784 : i32
    }
    %while3A_542 = arith.constant 1 : i32
    %while3A_543 = scf.for %while3A_766 = %while3A_539 to %while3A_535 step %while3A_542 iter_args(%while3A_767 = %while3A_541) -> (i32)  : i32 {
      %mul3A_768 = arith.constant 16 : i32
      %mul3A_769 = arith.muli %while3A_766, %mul3A_768 : i32
      %multiple_of3A = tpu.assume_multiple %mul3A_769, 16 : i32
      %mul3A_770 = arith.constant 16 : i32
      %mul3A_771 = arith.muli %while3A_766, %mul3A_770 : i32
      %add3A_772 = arith.addi %add3A_431, %mul3A_771 : i32
      %multiple_of3A_773 = tpu.assume_multiple %add3A_772, 16 : i32
      %dma_start3A_774 = arith.constant 0 : i32
      %dma_start3A_775 = tpu.memref_slice %arg11[%multiple_of3A, %dma_start3A_774] : memref<64x768xf32, #tpu.memory_space<vmem>> -> memref<16x768xf32, #tpu.memory_space<vmem>>
      %dma_start3A_776 = arith.constant 0 : i32
      %dma_start3A_777 = tpu.memref_slice %arg5[%select_n3A, %multiple_of3A_773, %dma_start3A_776] : memref<16x512x768xf32, #tpu.memory_space<hbm>> -> memref<1x16x768xf32, #tpu.memory_space<hbm>>
      %dma_start3A_778 = tpu.memref_squeeze %dma_start3A_777 : memref<1x16x768xf32, #tpu.memory_space<hbm>> -> memref<16x768xf32, #tpu.memory_space<hbm>>
      %dma_start3A_779 = arith.constant 0 : i32
      %dma_start3A_780 = tpu.memref_slice %arg5[%select_n3A, %multiple_of3A_773, %dma_start3A_779] : memref<16x512x768xf32, #tpu.memory_space<hbm>> -> memref<1x16x768xf32, #tpu.memory_space<hbm>>
      %dma_start3A_781 = tpu.memref_squeeze %dma_start3A_780 : memref<1x16x768xf32, #tpu.memory_space<hbm>> -> memref<16x768xf32, #tpu.memory_space<hbm>>
      %dma_start3A_782 = arith.constant 0 : i32
      %dma_start3A_783 = tpu.memref_slice %arg11[%multiple_of3A, %dma_start3A_782] : memref<64x768xf32, #tpu.memory_space<vmem>> -> memref<16x768xf32, #tpu.memory_space<vmem>>
      tpu.enqueue_dma source(%dma_start3A_783 : memref<16x768xf32, #tpu.memory_space<vmem>>) target(%dma_start3A_781 : memref<16x768xf32, #tpu.memory_space<hbm>>) target_semaphore(%arg18 : memref<!tpu.dma_semaphore, #tpu.memory_space<semaphore_mem>>)
      %while3A_784 = arith.constant 0 : i32
      scf.yield %while3A_784 : i32
    }
    %add3A_544 = arith.constant 192 : i32
    %add3A_545 = arith.addi %mul3A_32, %add3A_544 : i32
    %sub3A_546 = arith.constant 192 : i32
    %sub3A_547 = arith.subi %max3A_99, %sub3A_546 : i32
    %min3A_548 = arith.constant 64 : i32
    %min3A_549 = arith.minsi %sub3A_547, %min3A_548 : i32
    %max3A_550 = arith.constant 0 : i32
    %max3A_551 = arith.maxsi %min3A_549, %max3A_550 : i32
    %add3A_552 = arith.constant 15 : i32
    %add3A_553 = arith.addi %max3A_551, %add3A_552 : i32
    %and3A_554 = arith.constant -16 : i32
    %and3A_555 = arith.andi %add3A_553, %and3A_554 : i32
    %jit3A_556 = arith.constant 16 : i32
    %div3A_557 = arith.divsi %and3A_555, %jit3A_556 : i32
    %sign3A_558 = arith.constant 0 : i32
    %sign3A_559 = arith.cmpi sgt, %and3A_555, %sign3A_558 : i32
    %sign3A_560 = arith.extui %sign3A_559 : i1 to i32
    %sign3A_561 = arith.constant 0 : i32
    %sign3A_562 = arith.cmpi slt, %and3A_555, %sign3A_561 : i32
    %sign3A_563 = arith.extui %sign3A_562 : i1 to i32
    %sign3A_564 = arith.subi %sign3A_560, %sign3A_563 : i32
    %sign3A_565 = arith.constant 0 : i32
    %sign3A_566 = arith.cmpi sgt, %jit3A_556, %sign3A_565 : i32
    %sign3A_567 = arith.extui %sign3A_566 : i1 to i32
    %sign3A_568 = arith.constant 0 : i32
    %sign3A_569 = arith.cmpi slt, %jit3A_556, %sign3A_568 : i32
    %sign3A_570 = arith.extui %sign3A_569 : i1 to i32
    %sign3A_571 = arith.subi %sign3A_567, %sign3A_570 : i32
    %ne3A_572 = arith.cmpi ne, %sign3A_564, %sign3A_571 : i32
    %rem3A_573 = arith.remsi %and3A_555, %jit3A_556 : i32
    %ne3A_574 = arith.constant 0 : i32
    %ne3A_575 = arith.cmpi ne, %rem3A_573, %ne3A_574 : i32
    %and3A_576 = arith.andi %ne3A_572, %ne3A_575 : i1
    %sub3A_577 = arith.constant 1 : i32
    %sub3A_578 = arith.subi %div3A_557, %sub3A_577 : i32
    %select_n3A_579 = arith.select %and3A_576, %sub3A_578, %div3A_557 : i32
    %sub3A_580 = arith.constant 64 : i32
    %sub3A_581 = arith.subi %sub3A_580, %and3A_555 : i32
    %jit3A_582 = arith.constant 16 : i32
    %div3A_583 = arith.divsi %sub3A_581, %jit3A_582 : i32
    %sign3A_584 = arith.constant 0 : i32
    %sign3A_585 = arith.cmpi sgt, %sub3A_581, %sign3A_584 : i32
    %sign3A_586 = arith.extui %sign3A_585 : i1 to i32
    %sign3A_587 = arith.constant 0 : i32
    %sign3A_588 = arith.cmpi slt, %sub3A_581, %sign3A_587 : i32
    %sign3A_589 = arith.extui %sign3A_588 : i1 to i32
    %sign3A_590 = arith.subi %sign3A_586, %sign3A_589 : i32
    %sign3A_591 = arith.constant 0 : i32
    %sign3A_592 = arith.cmpi sgt, %jit3A_582, %sign3A_591 : i32
    %sign3A_593 = arith.extui %sign3A_592 : i1 to i32
    %sign3A_594 = arith.constant 0 : i32
    %sign3A_595 = arith.cmpi slt, %jit3A_582, %sign3A_594 : i32
    %sign3A_596 = arith.extui %sign3A_595 : i1 to i32
    %sign3A_597 = arith.subi %sign3A_593, %sign3A_596 : i32
    %ne3A_598 = arith.cmpi ne, %sign3A_590, %sign3A_597 : i32
    %rem3A_599 = arith.remsi %sub3A_581, %jit3A_582 : i32
    %ne3A_600 = arith.constant 0 : i32
    %ne3A_601 = arith.cmpi ne, %rem3A_599, %ne3A_600 : i32
    %and3A_602 = arith.andi %ne3A_598, %ne3A_601 : i1
    %sub3A_603 = arith.constant 1 : i32
    %sub3A_604 = arith.subi %div3A_583, %sub3A_603 : i32
    %select_n3A_605 = arith.select %and3A_602, %sub3A_604, %div3A_583 : i32
    %while3A_606 = arith.constant 0 : i32
    %while3A_607 = arith.subi %select_n3A_605, %while3A_606 : i32
    %while3A_608 = arith.addi %while3A_606, %while3A_607 : i32
    %while3A_609 = arith.constant 1 : i32
    %while3A_610 = arith.divsi %while3A_607, %while3A_609 : i32
    %while3A_611 = arith.muli %while3A_610, %while3A_609 : i32
    %while3A_612 = arith.addi %while3A_606, %while3A_611 : i32
    %while3A_613 = arith.constant 1 : i32
    %while3A_614 = scf.for %while3A_766 = %while3A_606 to %while3A_612 step %while3A_613 iter_args(%while3A_767 = %while3A_502) -> (i32)  : i32 {
      %add3A_768 = arith.addi %add3A_545, %and3A_555 : i32
      %mul3A_769 = arith.constant 16 : i32
      %mul3A_770 = arith.muli %while3A_766, %mul3A_769 : i32
      %add3A_771 = arith.addi %add3A_768, %mul3A_770 : i32
      %multiple_of3A = tpu.assume_multiple %add3A_771, 16 : i32
      %dma_start3A_772 = arith.constant 0 : i32
      %dma_start3A_773 = tpu.memref_slice %arg5[%select_n3A, %multiple_of3A, %dma_start3A_772] : memref<16x512x768xf32, #tpu.memory_space<hbm>> -> memref<1x16x768xf32, #tpu.memory_space<hbm>>
      %dma_start3A_774 = tpu.memref_squeeze %dma_start3A_773 : memref<1x16x768xf32, #tpu.memory_space<hbm>> -> memref<16x768xf32, #tpu.memory_space<hbm>>
      %dma_start3A_775 = arith.constant 0 : i32
      %dma_start3A_776 = tpu.memref_slice %arg5[%select_n3A, %multiple_of3A, %dma_start3A_775] : memref<16x512x768xf32, #tpu.memory_space<hbm>> -> memref<1x16x768xf32, #tpu.memory_space<hbm>>
      %dma_start3A_777 = tpu.memref_squeeze %dma_start3A_776 : memref<1x16x768xf32, #tpu.memory_space<hbm>> -> memref<16x768xf32, #tpu.memory_space<hbm>>
      tpu.enqueue_dma source(%arg13 : memref<16x768xf32, #tpu.memory_space<vmem>>) target(%dma_start3A_777 : memref<16x768xf32, #tpu.memory_space<hbm>>) target_semaphore(%arg15 : memref<!tpu.dma_semaphore, #tpu.memory_space<semaphore_mem>>)
      %add3A_778 = arith.constant 1 : i32
      %add3A_779 = arith.addi %while3A_767, %add3A_778 : i32
      scf.yield %add3A_779 : i32
    }
    %while3A_615 = arith.constant 1 : i32
    %while3A_616 = scf.for %while3A_766 = %while3A_612 to %while3A_608 step %while3A_615 iter_args(%while3A_767 = %while3A_614) -> (i32)  : i32 {
      %add3A_768 = arith.addi %add3A_545, %and3A_555 : i32
      %mul3A_769 = arith.constant 16 : i32
      %mul3A_770 = arith.muli %while3A_766, %mul3A_769 : i32
      %add3A_771 = arith.addi %add3A_768, %mul3A_770 : i32
      %multiple_of3A = tpu.assume_multiple %add3A_771, 16 : i32
      %dma_start3A_772 = arith.constant 0 : i32
      %dma_start3A_773 = tpu.memref_slice %arg5[%select_n3A, %multiple_of3A, %dma_start3A_772] : memref<16x512x768xf32, #tpu.memory_space<hbm>> -> memref<1x16x768xf32, #tpu.memory_space<hbm>>
      %dma_start3A_774 = tpu.memref_squeeze %dma_start3A_773 : memref<1x16x768xf32, #tpu.memory_space<hbm>> -> memref<16x768xf32, #tpu.memory_space<hbm>>
      %dma_start3A_775 = arith.constant 0 : i32
      %dma_start3A_776 = tpu.memref_slice %arg5[%select_n3A, %multiple_of3A, %dma_start3A_775] : memref<16x512x768xf32, #tpu.memory_space<hbm>> -> memref<1x16x768xf32, #tpu.memory_space<hbm>>
      %dma_start3A_777 = tpu.memref_squeeze %dma_start3A_776 : memref<1x16x768xf32, #tpu.memory_space<hbm>> -> memref<16x768xf32, #tpu.memory_space<hbm>>
      tpu.enqueue_dma source(%arg13 : memref<16x768xf32, #tpu.memory_space<vmem>>) target(%dma_start3A_777 : memref<16x768xf32, #tpu.memory_space<hbm>>) target_semaphore(%arg15 : memref<!tpu.dma_semaphore, #tpu.memory_space<semaphore_mem>>)
      %add3A_778 = arith.constant 1 : i32
      %add3A_779 = arith.addi %while3A_767, %add3A_778 : i32
      scf.yield %add3A_779 : i32
    }
    %min3A_617 = arith.constant 1 : i32
    %min3A_618 = arith.minsi %select_n3A_579, %min3A_617 : i32
    %while3A_619 = arith.constant 0 : i32
    %while3A_620 = arith.constant 0 : i32
    %while3A_621 = arith.subi %min3A_618, %while3A_619 : i32
    %while3A_622 = arith.addi %while3A_619, %while3A_621 : i32
    %while3A_623 = arith.constant 1 : i32
    %while3A_624 = arith.divsi %while3A_621, %while3A_623 : i32
    %while3A_625 = arith.muli %while3A_624, %while3A_623 : i32
    %while3A_626 = arith.addi %while3A_619, %while3A_625 : i32
    %while3A_627 = arith.constant 1 : i32
    %while3A_628 = scf.for %while3A_766 = %while3A_619 to %while3A_626 step %while3A_627 iter_args(%while3A_767 = %while3A_620) -> (i32)  : i32 {
      %dma_wait3A_768 = arith.constant 0 : i32
      %dma_wait3A_769 = arith.constant 0 : i32
      %dma_wait3A_770 = tpu.memref_slice %arg4[%dma_wait3A_768, %dma_wait3A_769] : memref<30522x768xf32, #tpu.memory_space<hbm>> -> memref<30522x768xf32, #tpu.memory_space<hbm>>
      tpu.wait_indirect_dma semaphore(%arg17 : memref<!tpu.dma_semaphore, #tpu.memory_space<semaphore_mem>>) src(%dma_wait3A_770 : memref<30522x768xf32, #tpu.memory_space<hbm>>) dst(%arg12 : memref<64x768xf32, #tpu.memory_space<vmem>>)
      %while3A_771 = arith.constant 0 : i32
      scf.yield %while3A_771 : i32
    }
    %while3A_629 = arith.constant 1 : i32
    %while3A_630 = scf.for %while3A_766 = %while3A_626 to %while3A_622 step %while3A_629 iter_args(%while3A_767 = %while3A_628) -> (i32)  : i32 {
      %dma_wait3A_768 = arith.constant 0 : i32
      %dma_wait3A_769 = arith.constant 0 : i32
      %dma_wait3A_770 = tpu.memref_slice %arg4[%dma_wait3A_768, %dma_wait3A_769] : memref<30522x768xf32, #tpu.memory_space<hbm>> -> memref<30522x768xf32, #tpu.memory_space<hbm>>
      tpu.wait_indirect_dma semaphore(%arg17 : memref<!tpu.dma_semaphore, #tpu.memory_space<semaphore_mem>>) src(%dma_wait3A_770 : memref<30522x768xf32, #tpu.memory_space<hbm>>) dst(%arg12 : memref<64x768xf32, #tpu.memory_space<vmem>>)
      %while3A_771 = arith.constant 0 : i32
      scf.yield %while3A_771 : i32
    }
    %sub3A_631 = arith.subi %and3A_555, %max3A_551 : i32
    %mul3A_632 = arith.constant 48 : i32
    %mul3A_633 = arith.muli %sub3A_631, %mul3A_632 : i32
    %while3A_634 = arith.constant 0 : i32
    %while3A_635 = arith.constant 0 : i32
    %while3A_636 = arith.subi %mul3A_633, %while3A_634 : i32
    %while3A_637 = arith.addi %while3A_634, %while3A_636 : i32
    %while3A_638 = arith.constant 1 : i32
    %while3A_639 = arith.divsi %while3A_636, %while3A_638 : i32
    %while3A_640 = arith.muli %while3A_639, %while3A_638 : i32
    %while3A_641 = arith.addi %while3A_634, %while3A_640 : i32
    %while3A_642 = arith.constant 1 : i32
    %while3A_643 = scf.for %while3A_766 = %while3A_634 to %while3A_641 step %while3A_642 iter_args(%while3A_767 = %while3A_635) -> (i32)  : i32 {
      %jit3A_768 = arith.constant 48 : i32
      %div3A_769 = arith.divsi %while3A_766, %jit3A_768 : i32
      %sign3A_770 = arith.constant 0 : i32
      %sign3A_771 = arith.cmpi sgt, %while3A_766, %sign3A_770 : i32
      %sign3A_772 = arith.extui %sign3A_771 : i1 to i32
      %sign3A_773 = arith.constant 0 : i32
      %sign3A_774 = arith.cmpi slt, %while3A_766, %sign3A_773 : i32
      %sign3A_775 = arith.extui %sign3A_774 : i1 to i32
      %sign3A_776 = arith.subi %sign3A_772, %sign3A_775 : i32
      %sign3A_777 = arith.constant 0 : i32
      %sign3A_778 = arith.cmpi sgt, %jit3A_768, %sign3A_777 : i32
      %sign3A_779 = arith.extui %sign3A_778 : i1 to i32
      %sign3A_780 = arith.constant 0 : i32
      %sign3A_781 = arith.cmpi slt, %jit3A_768, %sign3A_780 : i32
      %sign3A_782 = arith.extui %sign3A_781 : i1 to i32
      %sign3A_783 = arith.subi %sign3A_779, %sign3A_782 : i32
      %ne3A_784 = arith.cmpi ne, %sign3A_776, %sign3A_783 : i32
      %rem3A_785 = arith.remsi %while3A_766, %jit3A_768 : i32
      %ne3A_786 = arith.constant 0 : i32
      %ne3A_787 = arith.cmpi ne, %rem3A_785, %ne3A_786 : i32
      %and3A_788 = arith.andi %ne3A_784, %ne3A_787 : i1
      %sub3A_789 = arith.constant 1 : i32
      %sub3A_790 = arith.subi %div3A_769, %sub3A_789 : i32
      %select_n3A_791 = arith.select %and3A_788, %sub3A_790, %div3A_769 : i32
      %add3A_792 = arith.addi %max3A_551, %select_n3A_791 : i32
      %jit3A_793 = arith.constant 48 : i32
      %eq3A_794 = arith.constant 0 : i32
      %eq3A_795 = arith.cmpi eq, %jit3A_793, %eq3A_794 : i32
      %jit3A_796 = arith.constant 1 : i32
      %select_n3A_797 = arith.select %eq3A_795, %jit3A_796, %jit3A_793 : i32
      %rem3A_798 = arith.remsi %while3A_766, %select_n3A_797 : i32
      %ne3A_799 = arith.constant 0 : i32
      %ne3A_800 = arith.cmpi ne, %rem3A_798, %ne3A_799 : i32
      %lt3A_801 = arith.constant 0 : i32
      %lt3A_802 = arith.cmpi slt, %rem3A_798, %lt3A_801 : i32
      %lt3A_803 = arith.constant 0 : i32
      %lt3A_804 = arith.cmpi slt, %select_n3A_797, %lt3A_803 : i32
      %ne3A_805 = arith.xori %lt3A_802, %lt3A_804 : i1
      %and3A_806 = arith.andi %ne3A_805, %ne3A_800 : i1
      %add3A_807 = arith.addi %rem3A_798, %select_n3A_797 : i32
      %select_n3A_808 = arith.select %and3A_806, %add3A_807, %rem3A_798 : i32
      %mul3A_809 = arith.constant 16 : i32
      %mul3A_810 = arith.muli %select_n3A_808, %mul3A_809 : i32
      %swap3A = arith.index_cast %add3A_792 : i32 to index
      %swap3A_811 = arith.index_cast %mul3A_810 : i32 to index
      %swap3A_812 = tpu.vector_load %arg12[%swap3A, %swap3A_811] {strides = array<i32>} : memref<64x768xf32, #tpu.memory_space<vmem>>, vector<16xf32>,
      tpu.vector_store %arg12[%swap3A, %swap3A_811], %broadcast_in_dim3A_101 {strides = array<i32>} : memref<64x768xf32, #tpu.memory_space<vmem>>, vector<16xf32>,
      %while3A_813 = arith.constant 0 : i32
      scf.yield %while3A_813 : i32
    }
    %while3A_644 = arith.constant 1 : i32
    %while3A_645 = scf.for %while3A_766 = %while3A_641 to %while3A_637 step %while3A_644 iter_args(%while3A_767 = %while3A_643) -> (i32)  : i32 {
      %jit3A_768 = arith.constant 48 : i32
      %div3A_769 = arith.divsi %while3A_766, %jit3A_768 : i32
      %sign3A_770 = arith.constant 0 : i32
      %sign3A_771 = arith.cmpi sgt, %while3A_766, %sign3A_770 : i32
      %sign3A_772 = arith.extui %sign3A_771 : i1 to i32
      %sign3A_773 = arith.constant 0 : i32
      %sign3A_774 = arith.cmpi slt, %while3A_766, %sign3A_773 : i32
      %sign3A_775 = arith.extui %sign3A_774 : i1 to i32
      %sign3A_776 = arith.subi %sign3A_772, %sign3A_775 : i32
      %sign3A_777 = arith.constant 0 : i32
      %sign3A_778 = arith.cmpi sgt, %jit3A_768, %sign3A_777 : i32
      %sign3A_779 = arith.extui %sign3A_778 : i1 to i32
      %sign3A_780 = arith.constant 0 : i32
      %sign3A_781 = arith.cmpi slt, %jit3A_768, %sign3A_780 : i32
      %sign3A_782 = arith.extui %sign3A_781 : i1 to i32
      %sign3A_783 = arith.subi %sign3A_779, %sign3A_782 : i32
      %ne3A_784 = arith.cmpi ne, %sign3A_776, %sign3A_783 : i32
      %rem3A_785 = arith.remsi %while3A_766, %jit3A_768 : i32
      %ne3A_786 = arith.constant 0 : i32
      %ne3A_787 = arith.cmpi ne, %rem3A_785, %ne3A_786 : i32
      %and3A_788 = arith.andi %ne3A_784, %ne3A_787 : i1
      %sub3A_789 = arith.constant 1 : i32
      %sub3A_790 = arith.subi %div3A_769, %sub3A_789 : i32
      %select_n3A_791 = arith.select %and3A_788, %sub3A_790, %div3A_769 : i32
      %add3A_792 = arith.addi %max3A_551, %select_n3A_791 : i32
      %jit3A_793 = arith.constant 48 : i32
      %eq3A_794 = arith.constant 0 : i32
      %eq3A_795 = arith.cmpi eq, %jit3A_793, %eq3A_794 : i32
      %jit3A_796 = arith.constant 1 : i32
      %select_n3A_797 = arith.select %eq3A_795, %jit3A_796, %jit3A_793 : i32
      %rem3A_798 = arith.remsi %while3A_766, %select_n3A_797 : i32
      %ne3A_799 = arith.constant 0 : i32
      %ne3A_800 = arith.cmpi ne, %rem3A_798, %ne3A_799 : i32
      %lt3A_801 = arith.constant 0 : i32
      %lt3A_802 = arith.cmpi slt, %rem3A_798, %lt3A_801 : i32
      %lt3A_803 = arith.constant 0 : i32
      %lt3A_804 = arith.cmpi slt, %select_n3A_797, %lt3A_803 : i32
      %ne3A_805 = arith.xori %lt3A_802, %lt3A_804 : i1
      %and3A_806 = arith.andi %ne3A_805, %ne3A_800 : i1
      %add3A_807 = arith.addi %rem3A_798, %select_n3A_797 : i32
      %select_n3A_808 = arith.select %and3A_806, %add3A_807, %rem3A_798 : i32
      %mul3A_809 = arith.constant 16 : i32
      %mul3A_810 = arith.muli %select_n3A_808, %mul3A_809 : i32
      %swap3A = arith.index_cast %add3A_792 : i32 to index
      %swap3A_811 = arith.index_cast %mul3A_810 : i32 to index
      %swap3A_812 = tpu.vector_load %arg12[%swap3A, %swap3A_811] {strides = array<i32>} : memref<64x768xf32, #tpu.memory_space<vmem>>, vector<16xf32>,
      tpu.vector_store %arg12[%swap3A, %swap3A_811], %broadcast_in_dim3A_101 {strides = array<i32>} : memref<64x768xf32, #tpu.memory_space<vmem>>, vector<16xf32>,
      %while3A_813 = arith.constant 0 : i32
      scf.yield %while3A_813 : i32
    }
    %while3A_646 = arith.constant 0 : i32
    %while3A_647 = arith.constant 0 : i32
    %while3A_648 = arith.subi %select_n3A_579, %while3A_646 : i32
    %while3A_649 = arith.addi %while3A_646, %while3A_648 : i32
    %while3A_650 = arith.constant 1 : i32
    %while3A_651 = arith.divsi %while3A_648, %while3A_650 : i32
    %while3A_652 = arith.muli %while3A_651, %while3A_650 : i32
    %while3A_653 = arith.addi %while3A_646, %while3A_652 : i32
    %while3A_654 = arith.constant 1 : i32
    %while3A_655 = scf.for %while3A_766 = %while3A_646 to %while3A_653 step %while3A_654 iter_args(%while3A_767 = %while3A_647) -> (i32)  : i32 {
      %mul3A_768 = arith.constant 16 : i32
      %mul3A_769 = arith.muli %while3A_766, %mul3A_768 : i32
      %multiple_of3A = tpu.assume_multiple %mul3A_769, 16 : i32
      %mul3A_770 = arith.constant 16 : i32
      %mul3A_771 = arith.muli %while3A_766, %mul3A_770 : i32
      %add3A_772 = arith.addi %add3A_545, %mul3A_771 : i32
      %multiple_of3A_773 = tpu.assume_multiple %add3A_772, 16 : i32
      %dma_start3A_774 = arith.constant 0 : i32
      %dma_start3A_775 = tpu.memref_slice %arg12[%multiple_of3A, %dma_start3A_774] : memref<64x768xf32, #tpu.memory_space<vmem>> -> memref<16x768xf32, #tpu.memory_space<vmem>>
      %dma_start3A_776 = arith.constant 0 : i32
      %dma_start3A_777 = tpu.memref_slice %arg5[%select_n3A, %multiple_of3A_773, %dma_start3A_776] : memref<16x512x768xf32, #tpu.memory_space<hbm>> -> memref<1x16x768xf32, #tpu.memory_space<hbm>>
      %dma_start3A_778 = tpu.memref_squeeze %dma_start3A_777 : memref<1x16x768xf32, #tpu.memory_space<hbm>> -> memref<16x768xf32, #tpu.memory_space<hbm>>
      %dma_start3A_779 = arith.constant 0 : i32
      %dma_start3A_780 = tpu.memref_slice %arg5[%select_n3A, %multiple_of3A_773, %dma_start3A_779] : memref<16x512x768xf32, #tpu.memory_space<hbm>> -> memref<1x16x768xf32, #tpu.memory_space<hbm>>
      %dma_start3A_781 = tpu.memref_squeeze %dma_start3A_780 : memref<1x16x768xf32, #tpu.memory_space<hbm>> -> memref<16x768xf32, #tpu.memory_space<hbm>>
      %dma_start3A_782 = arith.constant 0 : i32
      %dma_start3A_783 = tpu.memref_slice %arg12[%multiple_of3A, %dma_start3A_782] : memref<64x768xf32, #tpu.memory_space<vmem>> -> memref<16x768xf32, #tpu.memory_space<vmem>>
      tpu.enqueue_dma source(%dma_start3A_783 : memref<16x768xf32, #tpu.memory_space<vmem>>) target(%dma_start3A_781 : memref<16x768xf32, #tpu.memory_space<hbm>>) target_semaphore(%arg19 : memref<!tpu.dma_semaphore, #tpu.memory_space<semaphore_mem>>)
      %while3A_784 = arith.constant 0 : i32
      scf.yield %while3A_784 : i32
    }
    %while3A_656 = arith.constant 1 : i32
    %while3A_657 = scf.for %while3A_766 = %while3A_653 to %while3A_649 step %while3A_656 iter_args(%while3A_767 = %while3A_655) -> (i32)  : i32 {
      %mul3A_768 = arith.constant 16 : i32
      %mul3A_769 = arith.muli %while3A_766, %mul3A_768 : i32
      %multiple_of3A = tpu.assume_multiple %mul3A_769, 16 : i32
      %mul3A_770 = arith.constant 16 : i32
      %mul3A_771 = arith.muli %while3A_766, %mul3A_770 : i32
      %add3A_772 = arith.addi %add3A_545, %mul3A_771 : i32
      %multiple_of3A_773 = tpu.assume_multiple %add3A_772, 16 : i32
      %dma_start3A_774 = arith.constant 0 : i32
      %dma_start3A_775 = tpu.memref_slice %arg12[%multiple_of3A, %dma_start3A_774] : memref<64x768xf32, #tpu.memory_space<vmem>> -> memref<16x768xf32, #tpu.memory_space<vmem>>
      %dma_start3A_776 = arith.constant 0 : i32
      %dma_start3A_777 = tpu.memref_slice %arg5[%select_n3A, %multiple_of3A_773, %dma_start3A_776] : memref<16x512x768xf32, #tpu.memory_space<hbm>> -> memref<1x16x768xf32, #tpu.memory_space<hbm>>
      %dma_start3A_778 = tpu.memref_squeeze %dma_start3A_777 : memref<1x16x768xf32, #tpu.memory_space<hbm>> -> memref<16x768xf32, #tpu.memory_space<hbm>>
      %dma_start3A_779 = arith.constant 0 : i32
      %dma_start3A_780 = tpu.memref_slice %arg5[%select_n3A, %multiple_of3A_773, %dma_start3A_779] : memref<16x512x768xf32, #tpu.memory_space<hbm>> -> memref<1x16x768xf32, #tpu.memory_space<hbm>>
      %dma_start3A_781 = tpu.memref_squeeze %dma_start3A_780 : memref<1x16x768xf32, #tpu.memory_space<hbm>> -> memref<16x768xf32, #tpu.memory_space<hbm>>
      %dma_start3A_782 = arith.constant 0 : i32
      %dma_start3A_783 = tpu.memref_slice %arg12[%multiple_of3A, %dma_start3A_782] : memref<64x768xf32, #tpu.memory_space<vmem>> -> memref<16x768xf32, #tpu.memory_space<vmem>>
      tpu.enqueue_dma source(%dma_start3A_783 : memref<16x768xf32, #tpu.memory_space<vmem>>) target(%dma_start3A_781 : memref<16x768xf32, #tpu.memory_space<hbm>>) target_semaphore(%arg19 : memref<!tpu.dma_semaphore, #tpu.memory_space<semaphore_mem>>)
      %while3A_784 = arith.constant 0 : i32
      scf.yield %while3A_784 : i32
    }
    %add3A_658 = arith.constant 128 : i32
    %add3A_659 = arith.addi %mul3A_32, %add3A_658 : i32
    %sub3A_660 = arith.constant 128 : i32
    %sub3A_661 = arith.subi %max3A_99, %sub3A_660 : i32
    %min3A_662 = arith.constant 64 : i32
    %min3A_663 = arith.minsi %sub3A_661, %min3A_662 : i32
    %max3A_664 = arith.constant 0 : i32
    %max3A_665 = arith.maxsi %min3A_663, %max3A_664 : i32
    %add3A_666 = arith.constant 15 : i32
    %add3A_667 = arith.addi %max3A_665, %add3A_666 : i32
    %and3A_668 = arith.constant -16 : i32
    %and3A_669 = arith.andi %add3A_667, %and3A_668 : i32
    %jit3A_670 = arith.constant 16 : i32
    %div3A_671 = arith.divsi %and3A_669, %jit3A_670 : i32
    %sign3A_672 = arith.constant 0 : i32
    %sign3A_673 = arith.cmpi sgt, %and3A_669, %sign3A_672 : i32
    %sign3A_674 = arith.extui %sign3A_673 : i1 to i32
    %sign3A_675 = arith.constant 0 : i32
    %sign3A_676 = arith.cmpi slt, %and3A_669, %sign3A_675 : i32
    %sign3A_677 = arith.extui %sign3A_676 : i1 to i32
    %sign3A_678 = arith.subi %sign3A_674, %sign3A_677 : i32
    %sign3A_679 = arith.constant 0 : i32
    %sign3A_680 = arith.cmpi sgt, %jit3A_670, %sign3A_679 : i32
    %sign3A_681 = arith.extui %sign3A_680 : i1 to i32
    %sign3A_682 = arith.constant 0 : i32
    %sign3A_683 = arith.cmpi slt, %jit3A_670, %sign3A_682 : i32
    %sign3A_684 = arith.extui %sign3A_683 : i1 to i32
    %sign3A_685 = arith.subi %sign3A_681, %sign3A_684 : i32
    %ne3A_686 = arith.cmpi ne, %sign3A_678, %sign3A_685 : i32
    %rem3A_687 = arith.remsi %and3A_669, %jit3A_670 : i32
    %ne3A_688 = arith.constant 0 : i32
    %ne3A_689 = arith.cmpi ne, %rem3A_687, %ne3A_688 : i32
    %and3A_690 = arith.andi %ne3A_686, %ne3A_689 : i1
    %sub3A_691 = arith.constant 1 : i32
    %sub3A_692 = arith.subi %div3A_671, %sub3A_691 : i32
    %select_n3A_693 = arith.select %and3A_690, %sub3A_692, %div3A_671 : i32
    %while3A_694 = arith.constant 0 : i32
    %while3A_695 = arith.constant 0 : i32
    %while3A_696 = arith.subi %select_n3A_693, %while3A_694 : i32
    %while3A_697 = arith.addi %while3A_694, %while3A_696 : i32
    %while3A_698 = arith.constant 1 : i32
    %while3A_699 = arith.divsi %while3A_696, %while3A_698 : i32
    %while3A_700 = arith.muli %while3A_699, %while3A_698 : i32
    %while3A_701 = arith.addi %while3A_694, %while3A_700 : i32
    %while3A_702 = arith.constant 1 : i32
    %while3A_703 = scf.for %while3A_766 = %while3A_694 to %while3A_701 step %while3A_702 iter_args(%while3A_767 = %while3A_695) -> (i32)  : i32 {
      %mul3A_768 = arith.constant 16 : i32
      %mul3A_769 = arith.muli %while3A_766, %mul3A_768 : i32
      %multiple_of3A = tpu.assume_multiple %mul3A_769, 16 : i32
      %mul3A_770 = arith.constant 16 : i32
      %mul3A_771 = arith.muli %while3A_766, %mul3A_770 : i32
      %add3A_772 = arith.addi %add3A_659, %mul3A_771 : i32
      %multiple_of3A_773 = tpu.assume_multiple %add3A_772, 16 : i32
      %dma_wait3A_774 = arith.constant 0 : i32
      %dma_wait3A_775 = tpu.memref_slice %arg11[%multiple_of3A, %dma_wait3A_774] : memref<64x768xf32, #tpu.memory_space<vmem>> -> memref<16x768xf32, #tpu.memory_space<vmem>>
      %dma_wait3A_776 = arith.constant 0 : i32
      %dma_wait3A_777 = tpu.memref_slice %arg5[%select_n3A, %multiple_of3A_773, %dma_wait3A_776] : memref<16x512x768xf32, #tpu.memory_space<hbm>> -> memref<1x16x768xf32, #tpu.memory_space<hbm>>
      %dma_wait3A_778 = tpu.memref_squeeze %dma_wait3A_777 : memref<1x16x768xf32, #tpu.memory_space<hbm>> -> memref<16x768xf32, #tpu.memory_space<hbm>>
      %dma_wait3A_779 = arith.constant 0 : i32
      %dma_wait3A_780 = tpu.memref_slice %arg5[%select_n3A, %multiple_of3A_773, %dma_wait3A_779] : memref<16x512x768xf32, #tpu.memory_space<hbm>> -> memref<1x16x768xf32, #tpu.memory_space<hbm>>
      %dma_wait3A_781 = tpu.memref_squeeze %dma_wait3A_780 : memref<1x16x768xf32, #tpu.memory_space<hbm>> -> memref<16x768xf32, #tpu.memory_space<hbm>>
      %dma_wait3A_782 = arith.constant 0 : i32
      %dma_wait3A_783 = tpu.memref_slice %arg11[%multiple_of3A, %dma_wait3A_782] : memref<64x768xf32, #tpu.memory_space<vmem>> -> memref<16x768xf32, #tpu.memory_space<vmem>>
      tpu.wait_dma2 semaphore(%arg18 : memref<!tpu.dma_semaphore, #tpu.memory_space<semaphore_mem>>) src(%dma_wait3A_783 : memref<16x768xf32, #tpu.memory_space<vmem>>) dst(%dma_wait3A_781 : memref<16x768xf32, #tpu.memory_space<hbm>>)
      %while3A_784 = arith.constant 0 : i32
      scf.yield %while3A_784 : i32
    }
    %while3A_704 = arith.constant 1 : i32
    %while3A_705 = scf.for %while3A_766 = %while3A_701 to %while3A_697 step %while3A_704 iter_args(%while3A_767 = %while3A_703) -> (i32)  : i32 {
      %mul3A_768 = arith.constant 16 : i32
      %mul3A_769 = arith.muli %while3A_766, %mul3A_768 : i32
      %multiple_of3A = tpu.assume_multiple %mul3A_769, 16 : i32
      %mul3A_770 = arith.constant 16 : i32
      %mul3A_771 = arith.muli %while3A_766, %mul3A_770 : i32
      %add3A_772 = arith.addi %add3A_659, %mul3A_771 : i32
      %multiple_of3A_773 = tpu.assume_multiple %add3A_772, 16 : i32
      %dma_wait3A_774 = arith.constant 0 : i32
      %dma_wait3A_775 = tpu.memref_slice %arg11[%multiple_of3A, %dma_wait3A_774] : memref<64x768xf32, #tpu.memory_space<vmem>> -> memref<16x768xf32, #tpu.memory_space<vmem>>
      %dma_wait3A_776 = arith.constant 0 : i32
      %dma_wait3A_777 = tpu.memref_slice %arg5[%select_n3A, %multiple_of3A_773, %dma_wait3A_776] : memref<16x512x768xf32, #tpu.memory_space<hbm>> -> memref<1x16x768xf32, #tpu.memory_space<hbm>>
      %dma_wait3A_778 = tpu.memref_squeeze %dma_wait3A_777 : memref<1x16x768xf32, #tpu.memory_space<hbm>> -> memref<16x768xf32, #tpu.memory_space<hbm>>
      %dma_wait3A_779 = arith.constant 0 : i32
      %dma_wait3A_780 = tpu.memref_slice %arg5[%select_n3A, %multiple_of3A_773, %dma_wait3A_779] : memref<16x512x768xf32, #tpu.memory_space<hbm>> -> memref<1x16x768xf32, #tpu.memory_space<hbm>>
      %dma_wait3A_781 = tpu.memref_squeeze %dma_wait3A_780 : memref<1x16x768xf32, #tpu.memory_space<hbm>> -> memref<16x768xf32, #tpu.memory_space<hbm>>
      %dma_wait3A_782 = arith.constant 0 : i32
      %dma_wait3A_783 = tpu.memref_slice %arg11[%multiple_of3A, %dma_wait3A_782] : memref<64x768xf32, #tpu.memory_space<vmem>> -> memref<16x768xf32, #tpu.memory_space<vmem>>
      tpu.wait_dma2 semaphore(%arg18 : memref<!tpu.dma_semaphore, #tpu.memory_space<semaphore_mem>>) src(%dma_wait3A_783 : memref<16x768xf32, #tpu.memory_space<vmem>>) dst(%dma_wait3A_781 : memref<16x768xf32, #tpu.memory_space<hbm>>)
      %while3A_784 = arith.constant 0 : i32
      scf.yield %while3A_784 : i32
    }
    %add3A_706 = arith.constant 192 : i32
    %add3A_707 = arith.addi %mul3A_32, %add3A_706 : i32
    %sub3A_708 = arith.constant 192 : i32
    %sub3A_709 = arith.subi %max3A_99, %sub3A_708 : i32
    %min3A_710 = arith.constant 64 : i32
    %min3A_711 = arith.minsi %sub3A_709, %min3A_710 : i32
    %max3A_712 = arith.constant 0 : i32
    %max3A_713 = arith.maxsi %min3A_711, %max3A_712 : i32
    %add3A_714 = arith.constant 15 : i32
    %add3A_715 = arith.addi %max3A_713, %add3A_714 : i32
    %and3A_716 = arith.constant -16 : i32
    %and3A_717 = arith.andi %add3A_715, %and3A_716 : i32
    %jit3A_718 = arith.constant 16 : i32
    %div3A_719 = arith.divsi %and3A_717, %jit3A_718 : i32
    %sign3A_720 = arith.constant 0 : i32
    %sign3A_721 = arith.cmpi sgt, %and3A_717, %sign3A_720 : i32
    %sign3A_722 = arith.extui %sign3A_721 : i1 to i32
    %sign3A_723 = arith.constant 0 : i32
    %sign3A_724 = arith.cmpi slt, %and3A_717, %sign3A_723 : i32
    %sign3A_725 = arith.extui %sign3A_724 : i1 to i32
    %sign3A_726 = arith.subi %sign3A_722, %sign3A_725 : i32
    %sign3A_727 = arith.constant 0 : i32
    %sign3A_728 = arith.cmpi sgt, %jit3A_718, %sign3A_727 : i32
    %sign3A_729 = arith.extui %sign3A_728 : i1 to i32
    %sign3A_730 = arith.constant 0 : i32
    %sign3A_731 = arith.cmpi slt, %jit3A_718, %sign3A_730 : i32
    %sign3A_732 = arith.extui %sign3A_731 : i1 to i32
    %sign3A_733 = arith.subi %sign3A_729, %sign3A_732 : i32
    %ne3A_734 = arith.cmpi ne, %sign3A_726, %sign3A_733 : i32
    %rem3A_735 = arith.remsi %and3A_717, %jit3A_718 : i32
    %ne3A_736 = arith.constant 0 : i32
    %ne3A_737 = arith.cmpi ne, %rem3A_735, %ne3A_736 : i32
    %and3A_738 = arith.andi %ne3A_734, %ne3A_737 : i1
    %sub3A_739 = arith.constant 1 : i32
    %sub3A_740 = arith.subi %div3A_719, %sub3A_739 : i32
    %select_n3A_741 = arith.select %and3A_738, %sub3A_740, %div3A_719 : i32
    %while3A_742 = arith.constant 0 : i32
    %while3A_743 = arith.constant 0 : i32
    %while3A_744 = arith.subi %select_n3A_741, %while3A_742 : i32
    %while3A_745 = arith.addi %while3A_742, %while3A_744 : i32
    %while3A_746 = arith.constant 1 : i32
    %while3A_747 = arith.divsi %while3A_744, %while3A_746 : i32
    %while3A_748 = arith.muli %while3A_747, %while3A_746 : i32
    %while3A_749 = arith.addi %while3A_742, %while3A_748 : i32
    %while3A_750 = arith.constant 1 : i32
    %while3A_751 = scf.for %while3A_766 = %while3A_742 to %while3A_749 step %while3A_750 iter_args(%while3A_767 = %while3A_743) -> (i32)  : i32 {
      %mul3A_768 = arith.constant 16 : i32
      %mul3A_769 = arith.muli %while3A_766, %mul3A_768 : i32
      %multiple_of3A = tpu.assume_multiple %mul3A_769, 16 : i32
      %mul3A_770 = arith.constant 16 : i32
      %mul3A_771 = arith.muli %while3A_766, %mul3A_770 : i32
      %add3A_772 = arith.addi %add3A_707, %mul3A_771 : i32
      %multiple_of3A_773 = tpu.assume_multiple %add3A_772, 16 : i32
      %dma_wait3A_774 = arith.constant 0 : i32
      %dma_wait3A_775 = tpu.memref_slice %arg12[%multiple_of3A, %dma_wait3A_774] : memref<64x768xf32, #tpu.memory_space<vmem>> -> memref<16x768xf32, #tpu.memory_space<vmem>>
      %dma_wait3A_776 = arith.constant 0 : i32
      %dma_wait3A_777 = tpu.memref_slice %arg5[%select_n3A, %multiple_of3A_773, %dma_wait3A_776] : memref<16x512x768xf32, #tpu.memory_space<hbm>> -> memref<1x16x768xf32, #tpu.memory_space<hbm>>
      %dma_wait3A_778 = tpu.memref_squeeze %dma_wait3A_777 : memref<1x16x768xf32, #tpu.memory_space<hbm>> -> memref<16x768xf32, #tpu.memory_space<hbm>>
      %dma_wait3A_779 = arith.constant 0 : i32
      %dma_wait3A_780 = tpu.memref_slice %arg5[%select_n3A, %multiple_of3A_773, %dma_wait3A_779] : memref<16x512x768xf32, #tpu.memory_space<hbm>> -> memref<1x16x768xf32, #tpu.memory_space<hbm>>
      %dma_wait3A_781 = tpu.memref_squeeze %dma_wait3A_780 : memref<1x16x768xf32, #tpu.memory_space<hbm>> -> memref<16x768xf32, #tpu.memory_space<hbm>>
      %dma_wait3A_782 = arith.constant 0 : i32
      %dma_wait3A_783 = tpu.memref_slice %arg12[%multiple_of3A, %dma_wait3A_782] : memref<64x768xf32, #tpu.memory_space<vmem>> -> memref<16x768xf32, #tpu.memory_space<vmem>>
      tpu.wait_dma2 semaphore(%arg19 : memref<!tpu.dma_semaphore, #tpu.memory_space<semaphore_mem>>) src(%dma_wait3A_783 : memref<16x768xf32, #tpu.memory_space<vmem>>) dst(%dma_wait3A_781 : memref<16x768xf32, #tpu.memory_space<hbm>>)
      %while3A_784 = arith.constant 0 : i32
      scf.yield %while3A_784 : i32
    }
    %while3A_752 = arith.constant 1 : i32
    %while3A_753 = scf.for %while3A_766 = %while3A_749 to %while3A_745 step %while3A_752 iter_args(%while3A_767 = %while3A_751) -> (i32)  : i32 {
      %mul3A_768 = arith.constant 16 : i32
      %mul3A_769 = arith.muli %while3A_766, %mul3A_768 : i32
      %multiple_of3A = tpu.assume_multiple %mul3A_769, 16 : i32
      %mul3A_770 = arith.constant 16 : i32
      %mul3A_771 = arith.muli %while3A_766, %mul3A_770 : i32
      %add3A_772 = arith.addi %add3A_707, %mul3A_771 : i32
      %multiple_of3A_773 = tpu.assume_multiple %add3A_772, 16 : i32
      %dma_wait3A_774 = arith.constant 0 : i32
      %dma_wait3A_775 = tpu.memref_slice %arg12[%multiple_of3A, %dma_wait3A_774] : memref<64x768xf32, #tpu.memory_space<vmem>> -> memref<16x768xf32, #tpu.memory_space<vmem>>
      %dma_wait3A_776 = arith.constant 0 : i32
      %dma_wait3A_777 = tpu.memref_slice %arg5[%select_n3A, %multiple_of3A_773, %dma_wait3A_776] : memref<16x512x768xf32, #tpu.memory_space<hbm>> -> memref<1x16x768xf32, #tpu.memory_space<hbm>>
      %dma_wait3A_778 = tpu.memref_squeeze %dma_wait3A_777 : memref<1x16x768xf32, #tpu.memory_space<hbm>> -> memref<16x768xf32, #tpu.memory_space<hbm>>
      %dma_wait3A_779 = arith.constant 0 : i32
      %dma_wait3A_780 = tpu.memref_slice %arg5[%select_n3A, %multiple_of3A_773, %dma_wait3A_779] : memref<16x512x768xf32, #tpu.memory_space<hbm>> -> memref<1x16x768xf32, #tpu.memory_space<hbm>>
      %dma_wait3A_781 = tpu.memref_squeeze %dma_wait3A_780 : memref<1x16x768xf32, #tpu.memory_space<hbm>> -> memref<16x768xf32, #tpu.memory_space<hbm>>
      %dma_wait3A_782 = arith.constant 0 : i32
      %dma_wait3A_783 = tpu.memref_slice %arg12[%multiple_of3A, %dma_wait3A_782] : memref<64x768xf32, #tpu.memory_space<vmem>> -> memref<16x768xf32, #tpu.memory_space<vmem>>
      tpu.wait_dma2 semaphore(%arg19 : memref<!tpu.dma_semaphore, #tpu.memory_space<semaphore_mem>>) src(%dma_wait3A_783 : memref<16x768xf32, #tpu.memory_space<vmem>>) dst(%dma_wait3A_781 : memref<16x768xf32, #tpu.memory_space<hbm>>)
      %while3A_784 = arith.constant 0 : i32
      scf.yield %while3A_784 : i32
    }
    %while3A_754 = arith.constant 0 : i32
    %while3A_755 = arith.constant 0 : i32
    %while3A_756 = arith.subi %while3A_616, %while3A_754 : i32
    %while3A_757 = arith.addi %while3A_754, %while3A_756 : i32
    %while3A_758 = arith.constant 1 : i32
    %while3A_759 = arith.divsi %while3A_756, %while3A_758 : i32
    %while3A_760 = arith.muli %while3A_759, %while3A_758 : i32
    %while3A_761 = arith.addi %while3A_754, %while3A_760 : i32
    %while3A_762 = arith.constant 1 : i32
    %while3A_763 = scf.for %while3A_766 = %while3A_754 to %while3A_761 step %while3A_762 iter_args(%while3A_767 = %while3A_755) -> (i32)  : i32 {
      %dma_wait3A_768 = arith.constant 0 : i32
      %dma_wait3A_769 = tpu.memref_slice %arg5[%select_n3A, %mul3A_32, %dma_wait3A_768] : memref<16x512x768xf32, #tpu.memory_space<hbm>> -> memref<1x16x768xf32, #tpu.memory_space<hbm>>
      %dma_wait3A_770 = tpu.memref_squeeze %dma_wait3A_769 : memref<1x16x768xf32, #tpu.memory_space<hbm>> -> memref<16x768xf32, #tpu.memory_space<hbm>>
      %dma_wait3A_771 = arith.constant 0 : i32
      %dma_wait3A_772 = tpu.memref_slice %arg5[%select_n3A, %mul3A_32, %dma_wait3A_771] : memref<16x512x768xf32, #tpu.memory_space<hbm>> -> memref<1x16x768xf32, #tpu.memory_space<hbm>>
      %dma_wait3A_773 = tpu.memref_squeeze %dma_wait3A_772 : memref<1x16x768xf32, #tpu.memory_space<hbm>> -> memref<16x768xf32, #tpu.memory_space<hbm>>
      tpu.wait_dma2 semaphore(%arg15 : memref<!tpu.dma_semaphore, #tpu.memory_space<semaphore_mem>>) src(%arg13 : memref<16x768xf32, #tpu.memory_space<vmem>>) dst(%dma_wait3A_773 : memref<16x768xf32, #tpu.memory_space<hbm>>)
      %while3A_774 = arith.constant 0 : i32
      scf.yield %while3A_774 : i32
    }
    %while3A_764 = arith.constant 1 : i32
    %while3A_765 = scf.for %while3A_766 = %while3A_761 to %while3A_757 step %while3A_764 iter_args(%while3A_767 = %while3A_763) -> (i32)  : i32 {
      %dma_wait3A_768 = arith.constant 0 : i32
      %dma_wait3A_769 = tpu.memref_slice %arg5[%select_n3A, %mul3A_32, %dma_wait3A_768] : memref<16x512x768xf32, #tpu.memory_space<hbm>> -> memref<1x16x768xf32, #tpu.memory_space<hbm>>
      %dma_wait3A_770 = tpu.memref_squeeze %dma_wait3A_769 : memref<1x16x768xf32, #tpu.memory_space<hbm>> -> memref<16x768xf32, #tpu.memory_space<hbm>>
      %dma_wait3A_771 = arith.constant 0 : i32
      %dma_wait3A_772 = tpu.memref_slice %arg5[%select_n3A, %mul3A_32, %dma_wait3A_771] : memref<16x512x768xf32, #tpu.memory_space<hbm>> -> memref<1x16x768xf32, #tpu.memory_space<hbm>>
      %dma_wait3A_773 = tpu.memref_squeeze %dma_wait3A_772 : memref<1x16x768xf32, #tpu.memory_space<hbm>> -> memref<16x768xf32, #tpu.memory_space<hbm>>
      tpu.wait_dma2 semaphore(%arg15 : memref<!tpu.dma_semaphore, #tpu.memory_space<semaphore_mem>>) src(%arg13 : memref<16x768xf32, #tpu.memory_space<vmem>>) dst(%dma_wait3A_773 : memref<16x768xf32, #tpu.memory_space<hbm>>)
      %while3A_774 = arith.constant 0 : i32
      scf.yield %while3A_774 : i32
    }
    return
  }
}

</mosaic_0001>

<sc_bundles>
// kernel: kernel.3.cloned.1.call-start
scs
__scs_entry_jumppad:
0x0: {  	(pc) =	sbr.rel $0x88, $3  }
0x1: {  	(tag) =	ssettag $0x0;
	lr =	simm.s32 $0x1  }
0x2: {  	[smem:$0x3F9E] =	sst lr;
	_ =	strace $0xD0000000  }
0x3: {  	_ = 	snop  }
0x4: {  	_ = 	snop  }
0x5: {  	_ = 	snop  }
0x6: {  	_ = 	snop  }
0x7: {  	_ = 	snop  }
__scs_overlays_trampoline_lowered:
0x8: {  	[smem:$0x3FAD] =	sst s0  }
0x9: {  	[smem:$0x3FAE] =	sst s1  }
0xa: {  	[smem:$0x3FAF] =	sst s2  }
0xb: {  	[smem:$0x3FB0] =	sst s3  }
0xc: {  	[smem:$0x3FB1] =	sst s4  }
0xd: {  	[smem:$0x3FB2] =	sst s5  }
0xe: {  	[smem:$0x3FB3] =	sst s6  }
0xf: {  	[smem:$0x3FB4] =	sst s7  }
0x10: {  	[smem:$0x3FB5] =	sst s8  }
0x11: {  	[smem:$0x3FB6] =	sst s9;
	s0 =	simm.s32 @!p0 $0x0  }
0x12: {  	s1 =	sld [smem:$0x3F9C];
	s0 =	simm.s32 @p0 $0x1  }
0x13: {  	[smem:$0x3FB7] =	sst s0;
	s0 =	simm.s32 @!p1 $0x0  }
0x14: {  	s2 =	sld [smem:$0x3F9B];
	s0 =	simm.s32 @p1 $0x1  }
0x15: {  	[smem:$0x3FB8] =	sst s0;
	s0 =	simm.s32 @!p2 $0x0  }
0x16: {  	s3 =	sld [smem:$0x3FDB];
	s0 =	simm.s32 @p2 $0x1  }
0x17: {  	s4 =	simm.s32 $0x1BF5;
	[smem:$0x3FBA] =	sst s0  }
0x18: {  	s0 =	sld [smem:$0x3F9D];
	_ =	swait.ge [sflag:s4], $0x0  }
0x19: {  	s7 =	sld [smem:$0x3F9E]  }
0x1a: {  	s8 =	sadd.s32 $0xFFFFE003, lr  }
0x1b: {  	s9 =	sadd.s32 $0xFFFFFEF7, lr;
	s5 =	simm.s32 $0xFFFFFFFF;
	p2 =	slt.u32 s8, $0xFFFFF086  }
0x1c: {  	p1 =	slt.u32 s9, $0xF7A;
	s5 =	simm.s32 @!p2 $0x0  }
0x1d: {  	s5 =	simm.s32 @p1 $0x1;
	p0 =	seq.s32 s7, s2  }
0x1e: {  	s7 =	smul.u32 @!p0 $0xF7A, s2;
	p2 =	seq.s32 @!p0 s5, $0x0  }
0x1f: {  	s9 =	smul.u32 $0xF7A, s1;
	s8 =	simm.s32 @!p0 $0x1BF5;
	p2 =	por !p2, p0  }
0x20: {  	[sflag:s8] =	ssyncset.s32 @!p0 $0xFFFFF086;
	s6 =	sadd.s32 @!p0 s3, s7;
	s7 =	simm.s32 @!p0 $0x108  }
0x21: {  	s3 =	sadd.s32 s3, s9;
	s6 =	sadd.s32 @!p0 $0x88, s6;
	s7 =	simm.s32 @p2 $0x1082  }
0x22: {  	[simem:s7], [sflag:s8] =	dma.local @!p0 [hbm:s6], $0xF7A  }
0x23: {  	s9 =	sor.u32 $0xD0000000, s2;
	s6 =	simm.s32 $0x108;
	_ =	swait.ge @!p0 [sflag:s8], $0x0  }
0x24: {  	s3 =	sadd.s32 $0x88, s3;
	s6 =	simm.s32 @!p1 $0x1082;
	[sflag:s4] =	ssyncset.s32 $0xFFFFF086  }
0x25: {  	[simem:s6], [sflag:s4] =	dma.local [hbm:s3], $0xF7A  }
0x26: {  	[smem:$0x3F9E] =	sst s1;
	(tag) =	ssettag s2;
	_ =	strace s9  }
0x27: {  	s1 =	sld [smem:$0x3FAE]  }
0x28: {  	s2 =	sld [smem:$0x3FAF]  }
0x29: {  	s4 =	sld [smem:$0x3FB1]  }
0x2a: {  	p0 =	seq.s32 s5, $0x0;
	s5 =	sld [smem:$0x3FB2]  }
0x2b: {  	s6 =	sld [smem:$0x3FB3]  }
0x2c: {  	s7 =	sld [smem:$0x3FB4]  }
0x2d: {  	s3 =	simm.s32 $0x108;
	s8 =	sld [smem:$0x3FB5]  }
0x2e: {  	s3 =	simm.s32 @!p0 $0x1082;
	s9 =	sld [smem:$0x3FB6]  }
0x2f: {  	lr =	sadd.s32 s0, s3;
	s0 =	sld [smem:$0x3FAD]  }
0x30: {  	s3 =	sld [smem:$0x3FB0]  }
0x31: {  	[smem:$0x3FB9] =	sst s10  }
0x32: {  	s10 =	sld [smem:$0x3FB7];
	_ =	sdelay $0x3  }
0x33: {  	p0 =	seq.s32 s10, $0x1;
	s10 =	sld [smem:$0x3FB9];
	_ =	sdelay $0x3  }
0x34: {  	[smem:$0x3FB9] =	sst s10  }
0x35: {  	s10 =	sld [smem:$0x3FB8];
	_ =	sdelay $0x3  }
0x36: {  	p1 =	seq.s32 s10, $0x1;
	s10 =	sld [smem:$0x3FB9];
	_ =	sdelay $0x3  }
0x37: {  	[smem:$0x3FB9] =	sst s10  }
0x38: {  	s10 =	sld [smem:$0x3FBA]  }
0x39: {  	_ = 	snop;
	(pc) =	sbr.ind lr, $3  }
0x3a: {  	_ = 	snop  }
0x3b: {  	_ = 	snop  }
0x3c: {  	p2 =	seq.s32 s10, $0x1;
	s10 =	sld [smem:$0x3FB9]  }
0x3d: {  	_ =	shalt  }
0x3e: {  	_ =	shalt  }
0x3f: {  	_ =	shalt  }
0x40: {  	_ =	shalt  }
0x41: {  	_ =	shalt  }
0x42: {  	_ =	shalt  }
0x43: {  	_ =	shalt  }
0x44: {  	_ =	shalt  }
0x45: {  	_ =	shalt  }
0x46: {  	_ =	shalt  }
0x47: {  	_ =	shalt  }
0x48: {  	_ =	shalt  }
0x49: {  	_ =	shalt  }
0x4a: {  	_ =	shalt  }
0x4b: {  	_ =	shalt  }
0x4c: {  	_ =	shalt  }
0x4d: {  	_ =	shalt  }
0x4e: {  	_ =	shalt  }
0x4f: {  	_ =	shalt  }
0x50: {  	_ =	shalt  }
0x51: {  	_ =	shalt  }
0x52: {  	_ =	shalt  }
0x53: {  	_ =	shalt  }
0x54: {  	_ =	shalt  }
0x55: {  	_ =	shalt  }
0x56: {  	_ =	shalt  }
0x57: {  	_ =	shalt  }
0x58: {  	_ =	shalt  }
0x59: {  	_ =	shalt  }
0x5a: {  	_ =	shalt  }
0x5b: {  	_ =	shalt  }
0x5c: {  	_ =	shalt  }
0x5d: {  	_ =	shalt  }
0x5e: {  	_ =	shalt  }
0x5f: {  	_ =	shalt  }
0x60: {  	_ =	shalt  }
0x61: {  	_ =	shalt  }
0x62: {  	_ =	shalt  }
0x63: {  	_ =	shalt  }
0x64: {  	_ =	shalt  }
0x65: {  	_ =	shalt  }
0x66: {  	_ =	shalt  }
0x67: {  	_ =	shalt  }
0x68: {  	_ =	shalt  }
0x69: {  	_ =	shalt  }
0x6a: {  	_ =	shalt  }
0x6b: {  	_ =	shalt  }
0x6c: {  	_ =	shalt  }
0x6d: {  	_ =	shalt  }
0x6e: {  	_ =	shalt  }
0x6f: {  	_ =	shalt  }
0x70: {  	_ =	shalt  }
0x71: {  	_ =	shalt  }
0x72: {  	_ =	shalt  }
0x73: {  	_ =	shalt  }
0x74: {  	_ =	shalt  }
0x75: {  	_ =	shalt  }
0x76: {  	_ =	shalt  }
0x77: {  	_ =	shalt  }
0x78: {  	_ =	shalt  }
0x79: {  	_ =	shalt  }
0x7a: {  	_ =	shalt  }
0x7b: {  	_ =	shalt  }
0x7c: {  	_ =	shalt  }
0x7d: {  	_ =	shalt  }
0x7e: {  	_ =	shalt  }
0x7f: {  	_ =	shalt  }
0x80: {  	_ =	shalt  }
0x81: {  	_ =	shalt  }
0x82: {  	_ =	shalt  }
0x83: {  	_ =	shalt  }
0x84: {  	_ =	shalt  }
0x85: {  	_ =	shalt  }
0x86: {  	_ =	shalt  }
0x87: {  	_ =	shalt  }
.Lfunc_end0:
.L_simem_size_0:
called_computation_lowered:
.L_overlay_start_0:
0x88: {  	s2 =	sld [smem:$0x3FD9]  }
0x89: {  	s3 =	sld [smem:$0x3FFE];
	_ =	sdelay $0x1  }
0x8a: {  	s1 =	srdreg.scid  }
0x8b: {  	s0 =	sand.u32 $0x1, s1  }
0x8c: {  	s18 =	sshll.u32 s0, $0xA;
	s2 =	sadd.s32 s3, s2  }
0x8d: {  	s2 =	sadd.s32 s2, s18  }
0x8e: {  	[smem:$0x3FC5] =	sst s2  }
0x8f: {  	_ = 	snop  }
0x90: {  	s2 =	sld [smem:$0x3FC9]  }
0x91: {  	s19 =	sld [smem:$0x3FC8]  }
0x92: {  	s4 =	sld [smem:$0x3FC7]  }
0x93: {  	s5 =	sld [smem:$0x3FD0];
	(tm) =	ssettm $0x1  }
0x94: {  	s6 =	sld [smem:$0x3FFB];
	_ =	sdelay $0x3  }
0x95: {  	_ =	strace s6  }
0x96: {  	s6 =	sld [smem:$0x3FFC];
	_ =	sdelay $0x3  }
0x97: {  	_ =	strace s6  }
0x98: {  	s6 =	sld [smem:$0x3FFD];
	_ =	sdelay $0x3  }
0x99: {  	_ =	strace s6  }
0x9a: {  	_ =	strace $0x8FFFFFFF  }
0x9b: {  	s20 =	sld [smem:$0x3FDB];
	_ =	sdelay $0x1  }
0x9c: {  	s7 =	simm.s32 $_scs_section_size  }
0x9d: {  	s8 =	simm.s32 $_size__tile_overlayer_lowered;
	s9 =	simm.s32 $_tile_overlayer_lowered  }
0x9e: {  	s23 =	simm.s32 $0x1BFF;
	s22 =	sshll.u32 s9, $0x1;
	s6 =	sadd.s32 s7, s20  }
0x9f: {  	s10 =	simm.s32 $0x0;
	s21 =	sshll.u32 s8, $0x1;
	s8 =	sadd.s32 s22, s6  }
0xa0: {  	[timem:s10], [sflag:s23] =	dma.local [hbm:s8], s21  }
0xa1: {  	_ =	swait.ge [sflag:s23], s21  }
0xa2: {  	s7 =	ssub.s32 $0x0, s21;
	[sflag:s23] =	ssyncset.done $0x0  }
0xa3: {  	[sflag:s23] =	ssyncadd.s32 s7;
	_ =	sdelay $0x1  }
0xa4: {  	s24 =	simm.s32 $0x1B8B  }
0xa5: {  	_ =	swait.ge [sflag:s24], $0x1  }
0xa6: {  	[sflag:s24] =	ssyncset.done $0x0  }
0xa7: {  	s25 =	simm.s32 $0x1B8E;
	[sflag:s24] =	ssyncadd.s32 $0xFFFFFFFF  }
0xa8: {  	s26 =	simm.s32 $execute0_lowered;
	[smem:$0x3FD2] =	sst s25  }
0xa9: {  	s7 =	sshll.u32 s26, $0x1;
	_ =	strace $0x80000046;
	[dreg:$0x1] =	wrdreg $0xFFFFFFFF  }
0xaa: {  	s28 =	simm.s32 $_size_execute0_lowered;
	s6 =	sadd.s32 s6, s7;
	[dreg:$0x0] =	wrdreg $0x0  }
0xab: {  	s7 =	sshll.u32 s28, $0x1;
	[dreg:$0x2] =	wrdreg s6  }
0xac: {  	[dreg:$0x3] =	wrdreg s7  }
0xad: {  	[dreg:$0x4] =	wrdreg $0xC0  }
0xae: {  	_ =	task [dreg:s10], $0x5FFFF  }
0xaf: {  	[dreg:$0x1] =	wrdreg $0xFFFFFFFF  }
0xb0: {  	[dreg:$0x0] =	wrdreg $0x60  }
0xb1: {  	[dreg:$0x2] =	wrdreg s2  }
0xb2: {  	[dreg:$0x3] =	wrdreg s19  }
0xb3: {  	[dreg:$0x4] =	wrdreg s4  }
0xb4: {  	[dreg:$0x5] =	wrdreg s5  }
0xb5: {  	[dreg:$0x6] =	wrdreg $0x9  }
0xb6: {  	_ =	task.clear_ibuf [dreg:s10], $0x7FFFF;
	_ =	strace $0x90000046  }
0xb7: {  	s29 =	simm.s32 $0x9;
	_ =	strace $0x80000048  }
0xb8: {  	_ =	swait.ge [sflag:s29], $0x1  }
0xb9: {  	[sflag:s29] =	ssyncadd.s32 $0xFFFFFFFF  }
0xba: {  	_ =	strace $0x90000048  }
0xbb: {  	_ =	sfence  }
0xbc: {  	s30 =	sld [smem:$0x0];
	_ =	sdelay $0x2  }
0xbd: {  	s31 =	sshll.u32 s1, $0xD;
	s1 =	sshrl.u32 s1, $0x2  }
0xbe: {  	s3 =	sand.u32 $0x4000, s31;
	s1 =	sadd.s32 s1, s30  }
0xbf: {  	s0 =	sor.u32 s3, s0;
	s1 =	sshll.u32 s1, $0x11  }
0xc0: {  	s0 =	sor.u32 s1, s0  }
0xc1: {  	s0 =	sadd.s32 $0x8F2B, s0  }
0xc2: {  	[sflag:s0] =	ssyncadd.remote.s32 $0x1  }
0xc3: {  	_ =	sfence.sel $0xFFFF  }
0xc4: {  	[dreg:$0x0] =	wrdreg $0xFFFFFFFF;
	(pc) =	sbr.abs _section_cstart, $3  }
0xc5: {  	[dreg:$0x1] =	wrdreg $0xFFFFFFFF  }
0xc6: {  	_ =	task.clear_ibuf [dreg:s10], $0x2FFFF;
	_ =	strace $0x9FFFFFFF  }
0xc7: {  	(tm) =	ssettm $0x7FFFFFFF  }
tec
execute0_lowered:
.L_overlay_start_1:
0x0: {  	(tag) =	ssettag $0x1  }
0x1: {  	s2 =	rddreg [dreg:$0x0]  }
0x2: {  	s0 =	srdreg.scid;
	s3 =	rddreg [dreg:$0x2]  }
0x3: {  	s7 =	stileid.u32;
	s4 =	rddreg [dreg:$0x3]  }
0x4: {  	s6 =	simm.s32 $0x1;
	s5 =	simm.s32 $0x0;
	s31 =	simm.s32 $0x280  }
0x5: {  	s1 =	sand.u32 $0x1, s0;
	s8 =	sand.u32 $0x1, s7;
	s15 =	sshll.u32 s7, $0x8  }
0x6: {  	[smem:$0x7FF] =	sst s5;
	s0 =	sshll.u32 s1, $0x4;
	p1 =	seq.s32 s8, $0x1  }
0x7: {  	s1 =	ssub.s32 $0x2, s1;
	_ =	strace $0x80000047;
	s0 =	sor.u32 s7, s0  }
0x8: {  	s8 =	smul.u32 $0x30000, s8;
	s19 =	sshrl.u32 s1, $0x1;
	p0 =	seq.s32 s0, $0x0  }
0x9: {  	s7 =	simm.s32 $0x1;
	s1 =	ssub.s32 s1, s19;
	p0 =	por !p0, !p1  }
0xa: {  	s0 =	sshrl.u32 s0, $0x1;
	s1 =	smax.u32 s1, $0x1;
	p0 =	por !p0, !p0  }
0xb: {  	s19 =	simm.s32 $0x6;
	[dreg:$0xb] =	wrdreg s1;
	s6 =	simm.s32 @!p0 $0x0  }
0xc: {  	s0 =	ssub.s32 s0, s6;
	s6 =	sand.u32 $0x100, s15;
	s15 =	sadd.s32 $0x8, s2  }
0xd: {  	s16 =	sshll.u32 s0, $0x9;
	s17 =	sshll.u32 s0, $0x7;
	s10 =	sshll.u32 s6, $0x3  }
0xe: {  	s21 =	sor.u32 $0xC0, s6;
	s13 =	sor.u32 $0x80, s6;
	s28 =	sor.u32 $0x40, s6  }
0xf: {  	s9 =	sand.u32 $0xFFFFF000, s16;
	s11 =	sand.u32 $0x380, s17;
	[dreg:$0x6] =	wrdreg s21  }
0x10: {  	s22 =	sshll.u32 s21, $0x3;
	[dreg:$0x8] =	wrdreg s13;
	s13 =	sshll.u32 s13, $0x3  }
0x11: {  	s18 =	sor.u32 s10, s9;
	s14 =	sor.u32 s13, s9;
	s13 =	smul.u32 $0x60000, s0  }
0x12: {  	[dreg:$0xd] =	wrdreg s28;
	s12 =	sor.u32 s11, s18;
	s23 =	sor.u32 s11, s14  }
0x13: {  	s14 =	sadd.s32 $0x200, s3;
	s20 =	sshrl.u32 s12, $0x3;
	s25 =	sadd.s32 s8, s13  }
0x14: {  	s12 =	sadd.s32 s2, s20;
	s10 =	sadd.s32 s20, s15;
	s26 =	sshrl.u32 s25, $0x3  }
0x15: {  	s8 =	sadd.s32 $0x24000, s25;
	s30 =	sor.u32 $0xC000, s25;
	[dreg:$0x5] =	wrdreg s12  }
0x16: {  	[dreg:$0x7] =	wrdreg s10;
	s12 =	sadd.s32 $0x100, s3;
	s10 =	sand.u32 $0xC00, s22  }
0x17: {  	s1 =	sadd.s32 s26, s4;
	s29 =	sshrl.u32 s8, $0x3;
	[dreg:$0xe] =	wrdreg s30  }
0x18: {  	s9 =	sor.u32 s10, s9;
	s10 =	sshrl.u32 s23, $0x3;
	[dreg:$0xc] =	wrdreg s1  }
.Ltmp0:
0x19: {  	s1 =	sadd.s32 s29, s4;
	s23 =	simm.s32 $0x2;
	(pc) =	sbr.rel .LBB2_1-.Ltmp0, $4  }
0x1a: {  	s9 =	sor.u32 s11, s9;
	s2 =	sadd.s32 s2, s10;
	[dreg:$0x10] =	wrdreg s1  }
0x1b: {  	v4 =	vlaneseq.u32;
	vm0 =	vmmov $0xffff;
	v3 =	vimm.f32 $0.0e+00;
	s9 =	sshrl.u32 s9, $0x3;
	[dreg:$0x9] =	wrdreg s2;
	s2 =	sadd.s32 $0x18000, s25  }
0x1c: {  	v1 =	vshrl.u32 v4, $0x3;
	v0 =	vand.u32 $0x7, v4;
	v5 =	vmov s0;
	s11 =	simm.s32 $0x0;
	s24 =	sadd.s32 s9, s15;
	[dreg:$0xf] =	wrdreg s2  }
0x1d: {  	v2 =	vor.u32 $0x8, v4;
	v1 =	vmul.u32 $0x8, v1;
	vm1 =	veq.s32 v5, v4;
	s2 =	simm.s32 $0x18280;
	s9 =	simm.s32 $0x5;
	[dreg:$0xa] =	wrdreg s24  }
.LBB2_61:
0x1e: {  	[sflag:s23] =	ssyncadd.s32 $0xFFFFD000  }
.LBB2_62:
0x1f: {  	s11 =	sadd.s32 $0x1, s11;
	s0 =	rddreg [dreg:$0xb]  }
0x20: {  	p0 =	sne.s32 s11, s0  }
.Ltmp1:
0x21: {  	_ = 	snop;
	(pc) =	sbr.rel @!p0 .LBB2_63-.Ltmp1, $1  }
0x22: {  	_ =	sdelay $0x3  }
.LBB2_1:
0x23: {  	s0 =	rddreg [dreg:$0x5]  }
0x24: {  	[tilespmem:s5], [sflag:$0x1] =	stream.linear.gather [hbm4b:s0+s5], $0x40, $0x38;
	[tilespmem:$0x1B280] =	vst v63  }
0x25: {  	s18 =	rddreg [dreg:$0x7];
	s1 =	simm.s32 $0x80  }
0x26: {  	[tilespmem:s1], [sflag:$0x1] =	stream.linear.gather [hbm4b:s18+s5], $0x40, $0x38;
	[tilespmem:$0x1B280] =	vst v63  }
0x27: {  	_ =	swait.ge [sflag:s7], $0x40  }
0x28: {  	[sflag:s7] =	ssyncset.done $0x0  }
0x29: {  	[sflag:s7] =	ssyncadd.s32 $0xFFFFFFC0  }
0x2a: {  	v4 =	vld [tilespmem:$0x0];
	_ =	sdelay $0x4  }
0x2b: {  	v5 =	vshrl.u32 v4, $0x3  }
0x2c: {  	v5 =	vmul.u32 $0x30, v5  }
0x2d: {  	v4 =	vand.u32 $0x7, v4  }
0x2e: {  	v4 =	vor.u32 v4, v5  }
0x2f: {  	v5 =	vperm.xlane v4, v0;
	_ =	sdelay $0x1  }
0x30: {  	v5 =	vadd.s32 v1, v5;
	_ =	sdelay $0x3  }
0x31: {  	v4 =	vperm.xlane v4, v2  }
0x32: {  	[tilespmem:s31], [sflag:$0x3] =	stream.indirect_vreg.gather [hbm4b:s3+s5], $0x80, v5, vm0, $0xb8;
	[tilespmem:$0x1B280] =	vst v63  }
0x33: {  	s20 =	simm.s32 $0xA80;
	v4 =	vadd.s32 v1, v4  }
0x34: {  	[tilespmem:s20], [sflag:$0x3] =	stream.indirect_vreg.gather [hbm4b:s12+s5], $0x80, v5, vm0, $0xb8;
	[tilespmem:$0x1B280] =	vst v63  }
0x35: {  	s21 =	simm.s32 $0x1280  }
0x36: {  	[tilespmem:s21], [sflag:$0x3] =	stream.indirect_vreg.gather [hbm4b:s14+s5], $0x80, v5, vm0, $0xb8;
	[tilespmem:$0x1B280] =	vst v63  }
0x37: {  	s22 =	simm.s32 $0x1A80  }
0x38: {  	[tilespmem:s22], [sflag:$0x3] =	stream.indirect_vreg.gather [hbm4b:s3+s5], $0x80, v4, vm0, $0xb8;
	[tilespmem:$0x1B280] =	vst v63  }
0x39: {  	s24 =	simm.s32 $0x2280  }
0x3a: {  	[tilespmem:s24], [sflag:$0x3] =	stream.indirect_vreg.gather [hbm4b:s12+s5], $0x80, v4, vm0, $0xb8;
	[tilespmem:$0x1B280] =	vst v63  }
0x3b: {  	s25 =	simm.s32 $0x2A80  }
0x3c: {  	[tilespmem:s25], [sflag:$0x3] =	stream.indirect_vreg.gather [hbm4b:s14+s5], $0x80, v4, vm0, $0xb8;
	[tilespmem:$0x1B280] =	vst v63  }
0x3d: {  	v4 =	vld [tilespmem:$0x10];
	_ =	sdelay $0x4  }
0x3e: {  	v5 =	vshrl.u32 v4, $0x3  }
0x3f: {  	v5 =	vmul.u32 $0x30, v5  }
0x40: {  	v4 =	vand.u32 $0x7, v4  }
0x41: {  	v4 =	vor.u32 v4, v5  }
0x42: {  	v5 =	vperm.xlane v4, v0;
	_ =	sdelay $0x1  }
0x43: {  	v5 =	vadd.s32 v1, v5;
	_ =	sdelay $0x3  }
0x44: {  	s26 =	simm.s32 $0x3280;
	v4 =	vperm.xlane v4, v2  }
0x45: {  	[tilespmem:s26], [sflag:$0x3] =	stream.indirect_vreg.gather [hbm4b:s3+s5], $0x80, v5, vm0, $0xb8;
	[tilespmem:$0x1B280] =	vst v63  }
0x46: {  	s28 =	simm.s32 $0x3A80;
	v4 =	vadd.s32 v1, v4  }
0x47: {  	[tilespmem:s28], [sflag:$0x3] =	stream.indirect_vreg.gather [hbm4b:s12+s5], $0x80, v5, vm0, $0xb8;
	[tilespmem:$0x1B280] =	vst v63  }
0x48: {  	s29 =	simm.s32 $0x4280  }
0x49: {  	[tilespmem:s29], [sflag:$0x3] =	stream.indirect_vreg.gather [hbm4b:s14+s5], $0x80, v5, vm0, $0xb8;
	[tilespmem:$0x1B280] =	vst v63  }
0x4a: {  	s30 =	simm.s32 $0x4A80  }
0x4b: {  	[tilespmem:s30], [sflag:$0x3] =	stream.indirect_vreg.gather [hbm4b:s3+s5], $0x80, v4, vm0, $0xb8;
	[tilespmem:$0x1B280] =	vst v63  }
0x4c: {  	s1 =	simm.s32 $0x5280  }
0x4d: {  	[tilespmem:s1], [sflag:$0x3] =	stream.indirect_vreg.gather [hbm4b:s12+s5], $0x80, v4, vm0, $0xb8;
	[tilespmem:$0x1B280] =	vst v63  }
0x4e: {  	s8 =	simm.s32 $0x5A80  }
0x4f: {  	[tilespmem:s8], [sflag:$0x3] =	stream.indirect_vreg.gather [hbm4b:s14+s5], $0x80, v4, vm0, $0xb8;
	[tilespmem:$0x1B280] =	vst v63  }
0x50: {  	v4 =	vld [tilespmem:$0x20];
	_ =	sdelay $0x4  }
0x51: {  	v5 =	vshrl.u32 v4, $0x3  }
0x52: {  	v5 =	vmul.u32 $0x30, v5  }
0x53: {  	v4 =	vand.u32 $0x7, v4  }
0x54: {  	v4 =	vor.u32 v4, v5  }
0x55: {  	v5 =	vperm.xlane v4, v0;
	_ =	sdelay $0x1  }
0x56: {  	v5 =	vadd.s32 v1, v5;
	_ =	sdelay $0x3  }
0x57: {  	s10 =	simm.s32 $0x6280;
	v4 =	vperm.xlane v4, v2  }
0x58: {  	[tilespmem:s10], [sflag:$0x3] =	stream.indirect_vreg.gather [hbm4b:s3+s5], $0x80, v5, vm0, $0xb8;
	[tilespmem:$0x1B280] =	vst v63  }
0x59: {  	s15 =	simm.s32 $0x6A80;
	v4 =	vadd.s32 v1, v4  }
0x5a: {  	[tilespmem:s15], [sflag:$0x3] =	stream.indirect_vreg.gather [hbm4b:s12+s5], $0x80, v5, vm0, $0xb8;
	[tilespmem:$0x1B280] =	vst v63  }
0x5b: {  	s16 =	simm.s32 $0x7280  }
0x5c: {  	[tilespmem:s16], [sflag:$0x3] =	stream.indirect_vreg.gather [hbm4b:s14+s5], $0x80, v5, vm0, $0xb8;
	[tilespmem:$0x1B280] =	vst v63  }
0x5d: {  	s17 =	simm.s32 $0x7A80  }
0x5e: {  	[tilespmem:s17], [sflag:$0x3] =	stream.indirect_vreg.gather [hbm4b:s3+s5], $0x80, v4, vm0, $0xb8;
	[tilespmem:$0x1B280] =	vst v63  }
0x5f: {  	s18 =	simm.s32 $0x8280  }
0x60: {  	[tilespmem:s18], [sflag:$0x3] =	stream.indirect_vreg.gather [hbm4b:s12+s5], $0x80, v4, vm0, $0xb8;
	[tilespmem:$0x1B280] =	vst v63  }
0x61: {  	s20 =	simm.s32 $0x8A80  }
0x62: {  	[tilespmem:s20], [sflag:$0x3] =	stream.indirect_vreg.gather [hbm4b:s14+s5], $0x80, v4, vm0, $0xb8;
	[tilespmem:$0x1B280] =	vst v63  }
0x63: {  	v4 =	vld [tilespmem:$0x30];
	_ =	sdelay $0x4  }
0x64: {  	v5 =	vshrl.u32 v4, $0x3  }
0x65: {  	v5 =	vmul.u32 $0x30, v5  }
0x66: {  	v4 =	vand.u32 $0x7, v4  }
0x67: {  	v4 =	vor.u32 v4, v5  }
0x68: {  	v5 =	vperm.xlane v4, v0;
	_ =	sdelay $0x1  }
0x69: {  	v5 =	vadd.s32 v1, v5;
	_ =	sdelay $0x3  }
0x6a: {  	s21 =	simm.s32 $0x9280;
	v4 =	vperm.xlane v4, v2  }
0x6b: {  	[tilespmem:s21], [sflag:$0x3] =	stream.indirect_vreg.gather [hbm4b:s3+s5], $0x80, v5, vm0, $0xb8;
	[tilespmem:$0x1B280] =	vst v63  }
0x6c: {  	s22 =	simm.s32 $0x9A80;
	v4 =	vadd.s32 v1, v4  }
0x6d: {  	[tilespmem:s22], [sflag:$0x3] =	stream.indirect_vreg.gather [hbm4b:s12+s5], $0x80, v5, vm0, $0xb8;
	[tilespmem:$0x1B280] =	vst v63  }
0x6e: {  	s24 =	simm.s32 $0xA280  }
0x6f: {  	[tilespmem:s24], [sflag:$0x3] =	stream.indirect_vreg.gather [hbm4b:s14+s5], $0x80, v5, vm0, $0xb8;
	[tilespmem:$0x1B280] =	vst v63  }
0x70: {  	s25 =	simm.s32 $0xAA80  }
0x71: {  	[tilespmem:s25], [sflag:$0x3] =	stream.indirect_vreg.gather [hbm4b:s3+s5], $0x80, v4, vm0, $0xb8;
	[tilespmem:$0x1B280] =	vst v63  }
0x72: {  	s26 =	simm.s32 $0xB280  }
0x73: {  	[tilespmem:s26], [sflag:$0x3] =	stream.indirect_vreg.gather [hbm4b:s12+s5], $0x80, v4, vm0, $0xb8;
	[tilespmem:$0x1B280] =	vst v63  }
0x74: {  	s28 =	simm.s32 $0xBA80  }
0x75: {  	[tilespmem:s28], [sflag:$0x3] =	stream.indirect_vreg.gather [hbm4b:s14+s5], $0x80, v4, vm0, $0xb8;
	[tilespmem:$0x1B280] =	vst v63  }
0x76: {  	_ =	swait.ge [sflag:s7], $0x40  }
0x77: {  	[sflag:s7] =	ssyncset.done $0x0  }
0x78: {  	[sflag:s7] =	ssyncadd.s32 $0xFFFFFFC0  }
0x79: {  	v4 =	vld [tilespmem:$0x80];
	_ =	sdelay $0x4  }
0x7a: {  	v5 =	vshrl.u32 v4, $0x3  }
0x7b: {  	v5 =	vmul.u32 $0x30, v5  }
0x7c: {  	v4 =	vand.u32 $0x7, v4  }
0x7d: {  	v4 =	vor.u32 v4, v5  }
0x7e: {  	v5 =	vperm.xlane v4, v0;
	_ =	sdelay $0x1  }
0x7f: {  	v5 =	vadd.s32 v1, v5;
	_ =	sdelay $0x3  }
0x80: {  	s29 =	simm.s32 $0xC280;
	v4 =	vperm.xlane v4, v2  }
0x81: {  	[tilespmem:s29], [sflag:$0x4] =	stream.indirect_vreg.gather [hbm4b:s3+s5], $0x80, v5, vm0, $0xb8;
	[tilespmem:$0x1B280] =	vst v63  }
0x82: {  	s30 =	simm.s32 $0xCA80;
	v4 =	vadd.s32 v1, v4  }
0x83: {  	[tilespmem:s30], [sflag:$0x4] =	stream.indirect_vreg.gather [hbm4b:s12+s5], $0x80, v5, vm0, $0xb8;
	[tilespmem:$0x1B280] =	vst v63  }
0x84: {  	s1 =	simm.s32 $0xD280  }
0x85: {  	[tilespmem:s1], [sflag:$0x4] =	stream.indirect_vreg.gather [hbm4b:s14+s5], $0x80, v5, vm0, $0xb8;
	[tilespmem:$0x1B280] =	vst v63  }
0x86: {  	s8 =	simm.s32 $0xDA80  }
0x87: {  	[tilespmem:s8], [sflag:$0x4] =	stream.indirect_vreg.gather [hbm4b:s3+s5], $0x80, v4, vm0, $0xb8;
	[tilespmem:$0x1B280] =	vst v63  }
0x88: {  	s10 =	simm.s32 $0xE280  }
0x89: {  	[tilespmem:s10], [sflag:$0x4] =	stream.indirect_vreg.gather [hbm4b:s12+s5], $0x80, v4, vm0, $0xb8;
	[tilespmem:$0x1B280] =	vst v63  }
0x8a: {  	s15 =	simm.s32 $0xEA80  }
0x8b: {  	[tilespmem:s15], [sflag:$0x4] =	stream.indirect_vreg.gather [hbm4b:s14+s5], $0x80, v4, vm0, $0xb8;
	[tilespmem:$0x1B280] =	vst v63  }
0x8c: {  	v4 =	vld [tilespmem:$0x90];
	_ =	sdelay $0x4  }
0x8d: {  	v5 =	vshrl.u32 v4, $0x3  }
0x8e: {  	v5 =	vmul.u32 $0x30, v5  }
0x8f: {  	v4 =	vand.u32 $0x7, v4  }
0x90: {  	v4 =	vor.u32 v4, v5  }
0x91: {  	v5 =	vperm.xlane v4, v0;
	_ =	sdelay $0x1  }
0x92: {  	v5 =	vadd.s32 v1, v5;
	_ =	sdelay $0x3  }
0x93: {  	s16 =	simm.s32 $0xF280;
	v4 =	vperm.xlane v4, v2  }
0x94: {  	[tilespmem:s16], [sflag:$0x4] =	stream.indirect_vreg.gather [hbm4b:s3+s5], $0x80, v5, vm0, $0xb8;
	[tilespmem:$0x1B280] =	vst v63  }
0x95: {  	s17 =	simm.s32 $0xFA80;
	v4 =	vadd.s32 v1, v4  }
0x96: {  	[tilespmem:s17], [sflag:$0x4] =	stream.indirect_vreg.gather [hbm4b:s12+s5], $0x80, v5, vm0, $0xb8;
	[tilespmem:$0x1B280] =	vst v63  }
0x97: {  	s18 =	simm.s32 $0x10280  }
0x98: {  	[tilespmem:s18], [sflag:$0x4] =	stream.indirect_vreg.gather [hbm4b:s14+s5], $0x80, v5, vm0, $0xb8;
	[tilespmem:$0x1B280] =	vst v63  }
0x99: {  	s20 =	simm.s32 $0x10A80  }
0x9a: {  	[tilespmem:s20], [sflag:$0x4] =	stream.indirect_vreg.gather [hbm4b:s3+s5], $0x80, v4, vm0, $0xb8;
	[tilespmem:$0x1B280] =	vst v63  }
0x9b: {  	s21 =	simm.s32 $0x11280  }
0x9c: {  	[tilespmem:s21], [sflag:$0x4] =	stream.indirect_vreg.gather [hbm4b:s12+s5], $0x80, v4, vm0, $0xb8;
	[tilespmem:$0x1B280] =	vst v63  }
0x9d: {  	s22 =	simm.s32 $0x11A80  }
0x9e: {  	[tilespmem:s22], [sflag:$0x4] =	stream.indirect_vreg.gather [hbm4b:s14+s5], $0x80, v4, vm0, $0xb8;
	[tilespmem:$0x1B280] =	vst v63  }
0x9f: {  	v4 =	vld [tilespmem:$0xA0];
	_ =	sdelay $0x4  }
0xa0: {  	v5 =	vshrl.u32 v4, $0x3  }
0xa1: {  	v5 =	vmul.u32 $0x30, v5  }
0xa2: {  	v4 =	vand.u32 $0x7, v4  }
0xa3: {  	v4 =	vor.u32 v4, v5  }
0xa4: {  	v5 =	vperm.xlane v4, v0;
	_ =	sdelay $0x1  }
0xa5: {  	v5 =	vadd.s32 v1, v5;
	_ =	sdelay $0x3  }
0xa6: {  	s24 =	simm.s32 $0x12280;
	v4 =	vperm.xlane v4, v2  }
0xa7: {  	[tilespmem:s24], [sflag:$0x4] =	stream.indirect_vreg.gather [hbm4b:s3+s5], $0x80, v5, vm0, $0xb8;
	[tilespmem:$0x1B280] =	vst v63  }
0xa8: {  	s25 =	simm.s32 $0x12A80;
	v4 =	vadd.s32 v1, v4  }
0xa9: {  	[tilespmem:s25], [sflag:$0x4] =	stream.indirect_vreg.gather [hbm4b:s12+s5], $0x80, v5, vm0, $0xb8;
	[tilespmem:$0x1B280] =	vst v63  }
0xaa: {  	s26 =	simm.s32 $0x13280  }
0xab: {  	[tilespmem:s26], [sflag:$0x4] =	stream.indirect_vreg.gather [hbm4b:s14+s5], $0x80, v5, vm0, $0xb8;
	[tilespmem:$0x1B280] =	vst v63  }
0xac: {  	s28 =	simm.s32 $0x13A80  }
0xad: {  	[tilespmem:s28], [sflag:$0x4] =	stream.indirect_vreg.gather [hbm4b:s3+s5], $0x80, v4, vm0, $0xb8;
	[tilespmem:$0x1B280] =	vst v63  }
0xae: {  	s29 =	simm.s32 $0x14280  }
0xaf: {  	[tilespmem:s29], [sflag:$0x4] =	stream.indirect_vreg.gather [hbm4b:s12+s5], $0x80, v4, vm0, $0xb8;
	[tilespmem:$0x1B280] =	vst v63  }
0xb0: {  	s30 =	simm.s32 $0x14A80  }
0xb1: {  	[tilespmem:s30], [sflag:$0x4] =	stream.indirect_vreg.gather [hbm4b:s14+s5], $0x80, v4, vm0, $0xb8;
	[tilespmem:$0x1B280] =	vst v63  }
0xb2: {  	v4 =	vld [tilespmem:$0xB0];
	_ =	sdelay $0x4  }
0xb3: {  	v5 =	vshrl.u32 v4, $0x3  }
0xb4: {  	v5 =	vmul.u32 $0x30, v5  }
0xb5: {  	v4 =	vand.u32 $0x7, v4  }
0xb6: {  	v4 =	vor.u32 v4, v5  }
0xb7: {  	v5 =	vperm.xlane v4, v0;
	_ =	sdelay $0x1  }
0xb8: {  	v5 =	vadd.s32 v1, v5;
	_ =	sdelay $0x3  }
0xb9: {  	s1 =	simm.s32 $0x15280;
	v4 =	vperm.xlane v4, v2  }
0xba: {  	[tilespmem:s1], [sflag:$0x4] =	stream.indirect_vreg.gather [hbm4b:s3+s5], $0x80, v5, vm0, $0xb8;
	[tilespmem:$0x1B280] =	vst v63  }
0xbb: {  	s8 =	simm.s32 $0x15A80;
	v4 =	vadd.s32 v1, v4  }
0xbc: {  	[tilespmem:s8], [sflag:$0x4] =	stream.indirect_vreg.gather [hbm4b:s12+s5], $0x80, v5, vm0, $0xb8;
	[tilespmem:$0x1B280] =	vst v63  }
0xbd: {  	s10 =	simm.s32 $0x16280  }
0xbe: {  	[tilespmem:s10], [sflag:$0x4] =	stream.indirect_vreg.gather [hbm4b:s14+s5], $0x80, v5, vm0, $0xb8;
	[tilespmem:$0x1B280] =	vst v63  }
0xbf: {  	s15 =	simm.s32 $0x16A80  }
0xc0: {  	[tilespmem:s15], [sflag:$0x4] =	stream.indirect_vreg.gather [hbm4b:s3+s5], $0x80, v4, vm0, $0xb8;
	[tilespmem:$0x1B280] =	vst v63  }
0xc1: {  	s16 =	simm.s32 $0x17280  }
0xc2: {  	[tilespmem:s16], [sflag:$0x4] =	stream.indirect_vreg.gather [hbm4b:s12+s5], $0x80, v4, vm0, $0xb8;
	[tilespmem:$0x1B280] =	vst v63  }
0xc3: {  	s17 =	simm.s32 $0x17A80  }
0xc4: {  	[tilespmem:s17], [sflag:$0x4] =	stream.indirect_vreg.gather [hbm4b:s14+s5], $0x80, v4, vm0, $0xb8;
	[tilespmem:$0x1B280] =	vst v63  }
0xc5: {  	s18 =	rddreg [dreg:$0x9];
	s20 =	simm.s32 $0x100  }
0xc6: {  	[tilespmem:s20], [sflag:$0x1] =	stream.linear.gather [hbm4b:s18+s5], $0x40, $0x38;
	[tilespmem:$0x1B280] =	vst v63  }
0xc7: {  	s21 =	rddreg [dreg:$0xa];
	s22 =	simm.s32 $0x180  }
0xc8: {  	[tilespmem:s22], [sflag:$0x1] =	stream.linear.gather [hbm4b:s21+s5], $0x40, $0x38;
	[tilespmem:$0x1B280] =	vst v63  }
0xc9: {  	s24 =	rddreg [dreg:$0x1];
	s25 =	simm.s32 $0x200;
	s26 =	simm.s32 $0x7  }
0xca: {  	[tilespmem:s25], [sflag:$0x7] =	stream.linear.gather [hbm4b:s24+s5], $0x80, $0x38;
	[tilespmem:$0x1B280] =	vst v63  }
0xcb: {  	_ =	swait.ge [sflag:s26], $0x80  }
0xcc: {  	[sflag:s26] =	ssyncset.done $0x0  }
0xcd: {  	[sflag:s26] =	ssyncadd.s32 $0xFFFFFF80  }
0xce: {  	_ =	swait.ge [sflag:s7], $0x40  }
0xcf: {  	s8 =	simm.s32 $0x0;
	[sflag:s7] =	ssyncset.done $0x0  }
0xd0: {  	s8 =	smul.u32 $0x6000, s8;
	[sflag:s7] =	ssyncadd.s32 $0xFFFFFFC0  }
0xd1: {  	_ =	swait.ge [sflag:s7], $0x40  }
0xd2: {  	s10 =	sand.u32 $0x380, s5;
	s8 =	sshra.s32 s8, $0x2;
	[sflag:s7] =	ssyncset.done $0x0  }
0xd3: {  	s8 =	sor.u32 s10, s8;
	[sflag:s7] =	ssyncadd.s32 $0xFFFFFFC0  }
0xd4: {  	s10 =	sadd.s32 $0x18280, s8;
	v4 =	vld [tilespmem:$0x200];
	[tilespmem:s8+$0x18280] =	vst v3  }
0xd5: {  	[tilespmem:s10+$0x470] =	vst v3  }
0xd6: {  	[tilespmem:s10+$0x460] =	vst v3  }
0xd7: {  	[tilespmem:s10+$0x450] =	vst v3  }
0xd8: {  	[tilespmem:s10+$0x440] =	vst v3  }
0xd9: {  	[tilespmem:s10+$0x420] =	vst v3  }
0xda: {  	[tilespmem:s10+$0x430] =	vst v3  }
0xdb: {  	[tilespmem:s10+$0x400] =	vst v3  }
0xdc: {  	[tilespmem:s10+$0x410] =	vst v3  }
0xdd: {  	[tilespmem:s10+$0x60] =	vst v3  }
0xde: {  	[tilespmem:s10+$0x50] =	vst v3  }
0xdf: {  	[tilespmem:s10+$0x40] =	vst v3  }
0xe0: {  	[tilespmem:s10+$0x70] =	vst v3  }
0xe1: {  	[tilespmem:s10+$0x30] =	vst v3  }
0xe2: {  	[tilespmem:s10+$0x20] =	vst v3  }
0xe3: {  	s28 =	sadd.s32 $0x18A80, s8;
	[tilespmem:s10+$0x10] =	vst v3  }
0xe4: {  	[tilespmem:s28+$0x70] =	vst v3  }
0xe5: {  	[tilespmem:s28+$0x60] =	vst v3  }
0xe6: {  	[tilespmem:s8+$0x18A80] =	vst v3  }
0xe7: {  	[tilespmem:s28+$0x50] =	vst v3  }
0xe8: {  	[tilespmem:s28+$0x40] =	vst v3  }
0xe9: {  	[tilespmem:s28+$0x30] =	vst v3  }
0xea: {  	[tilespmem:s28+$0x20] =	vst v3  }
0xeb: {  	s29 =	sadd.s32 $0x18E80, s8;
	[tilespmem:s28+$0x10] =	vst v3  }
0xec: {  	[tilespmem:s29+$0x70] =	vst v3  }
0xed: {  	[tilespmem:s29+$0x60] =	vst v3  }
0xee: {  	[tilespmem:s29+$0x50] =	vst v3  }
0xef: {  	[tilespmem:s8+$0x18E80] =	vst v3  }
0xf0: {  	[tilespmem:s29+$0x40] =	vst v3  }
0xf1: {  	[tilespmem:s29+$0x20] =	vst v3  }
0xf2: {  	[tilespmem:s29+$0x30] =	vst v3  }
0xf3: {  	s30 =	sadd.s32 $0x19280, s8;
	[tilespmem:s29+$0x10] =	vst v3  }
0xf4: {  	[tilespmem:s30+$0x70] =	vst v3  }
0xf5: {  	[tilespmem:s30+$0x60] =	vst v3  }
0xf6: {  	[tilespmem:s30+$0x50] =	vst v3  }
0xf7: {  	[tilespmem:s8+$0x19280] =	vst v3  }
0xf8: {  	[tilespmem:s30+$0x40] =	vst v3  }
0xf9: {  	[tilespmem:s30+$0x30] =	vst v3  }
0xfa: {  	[tilespmem:s30+$0x10] =	vst v3  }
0xfb: {  	s24 =	sadd.s32 $0x19680, s8;
	[tilespmem:s30+$0x20] =	vst v3  }
0xfc: {  	[tilespmem:s24+$0x70] =	vst v3  }
0xfd: {  	[tilespmem:s24+$0x40] =	vst v3  }
0xfe: {  	s16 =	simm.s32 $0x1;
	s10 =	simm.s32 $0x0;
	[tilespmem:s24+$0x60] =	vst v3  }
.LBB2_2:
0xff: {  	s17 =	sshrl.u32 s16, $0x3  }
0x100: {  	[tilespmem:s8+$0x19680] =	vst v3;
	s10 =	sadd.s32 $0x80, s10;
	s8 =	smov.u32 s16;
	s15 =	sadd.s32 $0x1, s16  }
0x101: {  	p0 =	sne.s32 s16, $0xF;
	s8 =	smul.u32 $0x6000, s17;
	[tilespmem:s24+$0x20] =	vst v3  }
0x102: {  	[tilespmem:s24+$0x30] =	vst v3  }
0x103: {  	s16 =	sand.u32 $0x380, s10;
	s8 =	sshra.s32 s8, $0x2;
	[tilespmem:s24+$0x10] =	vst v3  }
0x104: {  	s8 =	sor.u32 s16, s8;
	[tilespmem:s24+$0x50] =	vst v3  }
0x105: {  	s16 =	sadd.s32 $0x18280, s8;
	[tilespmem:s8+$0x18280] =	vst v3  }
0x106: {  	[tilespmem:s16+$0x470] =	vst v3  }
0x107: {  	[tilespmem:s16+$0x460] =	vst v3  }
0x108: {  	[tilespmem:s16+$0x450] =	vst v3  }
0x109: {  	[tilespmem:s16+$0x440] =	vst v3  }
0x10a: {  	[tilespmem:s16+$0x420] =	vst v3  }
0x10b: {  	[tilespmem:s16+$0x430] =	vst v3  }
0x10c: {  	[tilespmem:s16+$0x400] =	vst v3  }
0x10d: {  	[tilespmem:s16+$0x410] =	vst v3  }
0x10e: {  	[tilespmem:s16+$0x60] =	vst v3  }
0x10f: {  	[tilespmem:s16+$0x50] =	vst v3  }
0x110: {  	[tilespmem:s16+$0x40] =	vst v3  }
0x111: {  	[tilespmem:s16+$0x30] =	vst v3  }
0x112: {  	[tilespmem:s16+$0x20] =	vst v3  }
0x113: {  	[tilespmem:s16+$0x70] =	vst v3  }
0x114: {  	[tilespmem:s16+$0x10] =	vst v3;
	s16 =	sadd.s32 $0x18A80, s8  }
0x115: {  	[tilespmem:s16+$0x70] =	vst v3  }
0x116: {  	[tilespmem:s16+$0x60] =	vst v3  }
0x117: {  	[tilespmem:s8+$0x18A80] =	vst v3  }
0x118: {  	[tilespmem:s16+$0x30] =	vst v3  }
0x119: {  	[tilespmem:s16+$0x20] =	vst v3  }
0x11a: {  	[tilespmem:s16+$0x10] =	vst v3  }
0x11b: {  	[tilespmem:s16+$0x50] =	vst v3  }
0x11c: {  	[tilespmem:s16+$0x40] =	vst v3;
	s16 =	sadd.s32 $0x18E80, s8  }
0x11d: {  	[tilespmem:s16+$0x70] =	vst v3  }
0x11e: {  	[tilespmem:s16+$0x60] =	vst v3  }
0x11f: {  	[tilespmem:s16+$0x50] =	vst v3  }
0x120: {  	[tilespmem:s8+$0x18E80] =	vst v3  }
0x121: {  	[tilespmem:s16+$0x20] =	vst v3  }
0x122: {  	[tilespmem:s16+$0x30] =	vst v3  }
0x123: {  	[tilespmem:s16+$0x10] =	vst v3  }
0x124: {  	[tilespmem:s16+$0x40] =	vst v3;
	s16 =	sadd.s32 $0x19280, s8  }
0x125: {  	[tilespmem:s16+$0x70] =	vst v3  }
0x126: {  	[tilespmem:s16+$0x60] =	vst v3  }
0x127: {  	[tilespmem:s16+$0x50] =	vst v3  }
0x128: {  	[tilespmem:s8+$0x19280] =	vst v3  }
0x129: {  	[tilespmem:s16+$0x30] =	vst v3  }
0x12a: {  	[tilespmem:s16+$0x10] =	vst v3  }
.Ltmp2:
0x12b: {  	[tilespmem:s16+$0x40] =	vst v3;
	(pc) =	sbr.rel @p0 .LBB2_2-.Ltmp2, $4  }
0x12c: {  	s24 =	sadd.s32 $0x19680, s8;
	[tilespmem:s16+$0x20] =	vst v3  }
0x12d: {  	[tilespmem:s24+$0x70] =	vst v3  }
0x12e: {  	[tilespmem:s24+$0x40] =	vst v3  }
0x12f: {  	s16 =	smov.u32 s15;
	[tilespmem:s24+$0x60] =	vst v3  }
0x130: {  	v4 =	vxor.u32 $0x80000000, v4  }
0x131: {  	v4 =	vnsel vm1, $0x80000000, v4  }
0x132: {  	(xrf0) =	vmax.scan.msk.u32 $0xffff, v4;
	_ =	sdelay $0x5  }
0x133: {  	v4, _, _ =	vpop (xrf0)  }
0x134: {  	(v2sf) =	vpush v4, $0xF;
	_ =	sdelay $0xe  }
0x135: {  	s10 =	spop (v2sf)  }
0x136: {  	s10 =	sxor.u32 $0x80000000, s10  }
0x137: {  	s28 =	ssub.s32 s10, s6  }
0x138: {  	p0 =	sgt.s32 s28, $0x0;
	s10 =	smov.u32 s28  }
0x139: {  	s10 =	simm.s32 @!p0 $0x0  }
0x13a: {  	s15 =	smin.u32 s10, $0x40  }
0x13b: {  	s10 =	sadd.s32 $0xF, s15  }
0x13c: {  	[tilespmem:s8+$0x19680] =	vst v3;
	s8 =	sand.u32 $0xF0, s10  }
0x13d: {  	s16 =	ssub.s32 $0x40, s8  }
0x13e: {  	s26 =	sshra.s32 s16, $0x4  }
0x13f: {  	p0 =	slt.s32 s26, $0x1  }
.Ltmp3:
0x140: {  	_ = 	snop;
	(pc) =	sbr.rel @p0 .LBB2_4-.Ltmp3, $4  }
0x141: {  	[tilespmem:s24+$0x50] =	vst v3  }
0x142: {  	[tilespmem:s24+$0x20] =	vst v3  }
0x143: {  	[tilespmem:s24+$0x30] =	vst v3  }
0x144: {  	[tilespmem:s24+$0x10] =	vst v3  }
0x145: {  	s16 =	sadd.s32 s8, s6  }
0x146: {  	s16 =	sshrl.u32 s16, $0x3  }
0x147: {  	p0 =	sne.s32 s26, $0x1;
	s16 =	smul.u32 $0x1800, s16  }
.Ltmp4:
0x148: {  	_ = 	snop;
	(pc) =	sbr.rel @!p0 .LBB2_7-.Ltmp4, $4  }
0x149: {  	_ = 	snop  }
0x14a: {  	s17 =	sadd.s32 s16, s13  }
0x14b: {  	s18 =	sshrl.u32 s17, $0x3  }
0x14c: {  	s16 =	sadd.s32 $0xFFFFFFFF, s26;
	s17 =	sadd.s32 $0x3000, s17;
	s18 =	sadd.s32 s4, s18  }
.LBB2_6:
0x14d: {  	[hbm4b:s18+s5] =	stream.linear.scatter [tilespmem:s2], [sflag:$0x2], $0x3000, $0x38;
	[tilespmem:$0x1B280] =	vst v63  }
0x14e: {  	p0 =	sne.s32 s16, $0x1  }
.Ltmp5:
0x14f: {  	s16 =	sadd.s32 $0xFFFFFFFF, s16;
	(pc) =	sbr.rel @p0 .LBB2_6-.Ltmp5, $3  }
0x150: {  	_ =	sdelay $0x1  }
0x151: {  	s18 =	sshrl.u32 s17, $0x3  }
0x152: {  	s17 =	sadd.s32 $0x3000, s17;
	s18 =	sadd.s32 s4, s18  }
.LBB2_7:
.Ltmp6:
0x153: {  	(pc) =	sbr.rel .LBB2_8-.Ltmp6, $2  }
0x154: {  	_ =	sdelay $0x2  }
0x155: {  	[hbm4b:s18+s5] =	stream.linear.scatter [tilespmem:s2], [sflag:$0x2], $0x3000, $0x38;
	[tilespmem:$0x1B280] =	vst v63  }
.LBB2_4:
0x156: {  	s26 =	simm.s32 $0x0  }
.LBB2_8:
0x157: {  	s8 =	ssub.s32 s8, s15  }
0x158: {  	p0 =	slt.s32 s8, $0x1  }
.Ltmp7:
0x159: {  	_ = 	snop;
	(pc) =	sbr.rel @p0 .LBB2_12-.Ltmp7, $4  }
0x15a: {  	s0 =	simm.s32 $0x3  }
0x15b: {  	_ =	swait.ge [sflag:s0], $0xC000  }
0x15c: {  	[sflag:s0] =	ssyncset.done $0x0  }
0x15d: {  	[sflag:s0] =	ssyncadd.s32 $0xFFFF4000  }
0x15e: {  	s16 =	smul.u32 $0x30, s8  }
0x15f: {  	s8 =	simm.s32 $0x0  }
0x160: {  	s17 =	smulhi.u32 $0xAAAAAAAB, s8;
	p0 =	seq.s32 s16, $0x1  }
.Ltmp8:
0x161: {  	_ = 	snop;
	(pc) =	sbr.rel @p0 .LBB2_11-.Ltmp8, $4  }
0x162: {  	s17 =	sshrl.u32 s17, $0x5  }
0x163: {  	s21 =	sadd.s32 s15, s17  }
0x164: {  	s20 =	simm.s32 $0x1;
	s18 =	sshrl.u32 s21, $0x3  }
0x165: {  	s22 =	sshll.u32 s17, $0xB;
	s17 =	simm.s32 $0x0;
	s18 =	smul.u32 $0x6000, s18  }
.LBB2_10:
0x166: {  	s24 =	smulhi.u32 $0xAAAAAAAB, s20  }
0x167: {  	s22 =	sadd.s32 s22, s8;
	s21 =	sshll.u32 s21, $0x7;
	s20 =	sadd.s32 $0x1, s20  }
0x168: {  	s22 =	sand.u32 $0x1C00, s22;
	s18 =	sshra.s32 s18, $0x2;
	p0 =	seq.s32 s16, s20  }
.Ltmp9:
0x169: {  	s21 =	sand.u32 $0x380, s21;
	s18 =	sadd.s32 s22, s18;
	(pc) =	sbr.rel @!p0 .LBB2_10-.Ltmp9, $4  }
0x16a: {  	s22 =	sshrl.u32 s24, $0x5;
	s24 =	sand.u32 $0x70, s17;
	s18 =	sor.u32 s18, s21  }
0x16b: {  	s21 =	sadd.s32 s15, s22;
	s18 =	sor.u32 s24, s18  }
0x16c: {  	s8 =	sadd.s32 $0x80, s8;
	s24 =	sshrl.u32 s21, $0x3;
	[tilespmem:s18+$0x280] =	vst v3  }
0x16d: {  	s17 =	sadd.s32 $0x10, s17;
	s22 =	sshll.u32 s22, $0xB;
	s18 =	smul.u32 $0x6000, s24  }
.LBB2_11:
0x16e: {  	s8 =	sadd.s32 s22, s8  }
0x16f: {  	s15 =	sshll.u32 s21, $0x7;
	s8 =	sand.u32 $0x1C00, s8;
	s16 =	sshra.s32 s18, $0x2  }
0x170: {  	s15 =	sand.u32 $0x380, s15;
	s8 =	sadd.s32 s8, s16  }
0x171: {  	s30 =	sand.u32 $0x70, s17;
	s8 =	sor.u32 s8, s15  }
0x172: {  	s8 =	sor.u32 s30, s8  }
0x173: {  	[tilespmem:s8+$0x280] =	vst v3  }
.LBB2_12:
0x174: {  	s8 =	sshrl.u32 s10, $0x4  }
0x175: {  	p0 =	seq.s32 s8, $0x0  }
.Ltmp10:
0x176: {  	_ = 	snop;
	(pc) =	sbr.rel @p0 .LBB2_18-.Ltmp10, $2  }
0x177: {  	_ =	sdelay $0x2  }
0x178: {  	s10 =	simm.s32 $0x280  }
0x179: {  	p0 =	sne.s32 s8, $0x1  }
.Ltmp11:
0x17a: {  	_ = 	snop;
	(pc) =	sbr.rel @!p0 .LBB2_15-.Ltmp11, $3  }
0x17b: {  	_ =	sdelay $0x1  }
0x17c: {  	s16 =	rddreg [dreg:$0xc];
	s15 =	sadd.s32 $0xFFFFFFFF, s8  }
0x17d: {  	[hbm4b:s16+s5] =	stream.linear.scatter [tilespmem:s10], [sflag:$0x5], $0x3000, $0x38;
	[tilespmem:$0x1B280] =	vst v63  }
.LBB2_14:
0x17e: {  	p0 =	sne.s32 s15, $0x1  }
.Ltmp12:
0x17f: {  	_ = 	snop;
	(pc) =	sbr.rel @p0 .LBB2_14-.Ltmp12, $4  }
0x180: {  	_ = 	snop  }
0x181: {  	s10 =	sadd.s32 $0x3000, s10;
	s16 =	sadd.s32 $0x600, s16  }
0x182: {  	s15 =	sadd.s32 $0xFFFFFFFF, s15  }
0x183: {  	[hbm4b:s16+s5] =	stream.linear.scatter [tilespmem:s10], [sflag:$0x5], $0x3000, $0x38;
	[tilespmem:$0x1B280] =	vst v63  }
.LBB2_15:
0x184: {  	p0 =	sne.s32 s8, $0x1  }
.Ltmp13:
0x185: {  	_ = 	snop;
	(pc) =	sbr.rel @!p0 .LBB2_17-.Ltmp13, $3  }
0x186: {  	_ =	sdelay $0x1  }
0x187: {  	_ =	swait.ge [sflag:s9], $0x3000  }
0x188: {  	s8 =	sadd.s32 $0xFFFFFFFF, s8;
	[sflag:s9] =	ssyncset.done $0x0  }
.LBB2_16:
0x189: {  	p0 =	sne.s32 s8, $0x1;
	s8 =	sadd.s32 $0xFFFFFFFF, s8;
	[sflag:s9] =	ssyncadd.s32 $0xFFFFD000  }
.Ltmp14:
0x18a: {  	(pc) =	sbr.rel @p0 .LBB2_16-.Ltmp14, $3  }
0x18b: {  	_ =	sdelay $0x1  }
0x18c: {  	_ =	swait.ge [sflag:s9], $0x3000  }
0x18d: {  	[sflag:s9] =	ssyncset.done $0x0  }
.LBB2_17:
0x18e: {  	[sflag:s9] =	ssyncadd.s32 $0xFFFFD000  }
.LBB2_18:
0x18f: {  	p0 =	sgt.s32 s28, $0x80;
	s8 =	smov.u32 s28  }
0x190: {  	s8 =	simm.s32 @!p0 $0x80  }
0x191: {  	s29 =	smin.u32 s8, $0xC0  }
0x192: {  	s30 =	sadd.s32 $0xFFFFFF8F, s29  }
0x193: {  	s24 =	sshrl.u32 s30, $0x4  }
0x194: {  	p0 =	seq.s32 s24, $0x0  }
.Ltmp15:
0x195: {  	_ = 	snop;
	(pc) =	sbr.rel @p0 .LBB2_20-.Ltmp15, $1  }
0x196: {  	_ =	sdelay $0x3  }
0x197: {  	v4 =	vld [tilespmem:$0x100];
	_ =	sdelay $0x4  }
0x198: {  	v5 =	vshrl.u32 v4, $0x3  }
0x199: {  	v5 =	vmul.u32 $0x30, v5  }
0x19a: {  	v4 =	vand.u32 $0x7, v4  }
0x19b: {  	v4 =	vor.u32 v4, v5  }
0x19c: {  	v5 =	vperm.xlane v4, v0;
	_ =	sdelay $0x1  }
0x19d: {  	v5 =	vadd.s32 v1, v5;
	_ =	sdelay $0x3  }
0x19e: {  	v4 =	vperm.xlane v4, v2  }
0x19f: {  	[tilespmem:s31], [sflag:$0x3] =	stream.indirect_vreg.gather [hbm4b:s3+s5], $0x80, v5, vm0, $0xb8;
	[tilespmem:$0x1B280] =	vst v63  }
0x1a0: {  	s0 =	simm.s32 $0xA80;
	v4 =	vadd.s32 v1, v4  }
0x1a1: {  	[tilespmem:s0], [sflag:$0x3] =	stream.indirect_vreg.gather [hbm4b:s12+s5], $0x80, v5, vm0, $0xb8;
	[tilespmem:$0x1B280] =	vst v63  }
0x1a2: {  	s1 =	simm.s32 $0x1280  }
0x1a3: {  	[tilespmem:s1], [sflag:$0x3] =	stream.indirect_vreg.gather [hbm4b:s14+s5], $0x80, v5, vm0, $0xb8;
	[tilespmem:$0x1B280] =	vst v63  }
0x1a4: {  	s8 =	simm.s32 $0x1A80  }
0x1a5: {  	[tilespmem:s8], [sflag:$0x3] =	stream.indirect_vreg.gather [hbm4b:s3+s5], $0x80, v4, vm0, $0xb8;
	[tilespmem:$0x1B280] =	vst v63  }
0x1a6: {  	s10 =	simm.s32 $0x2280  }
0x1a7: {  	[tilespmem:s10], [sflag:$0x3] =	stream.indirect_vreg.gather [hbm4b:s12+s5], $0x80, v4, vm0, $0xb8;
	[tilespmem:$0x1B280] =	vst v63  }
0x1a8: {  	s15 =	simm.s32 $0x2A80  }
0x1a9: {  	[tilespmem:s15], [sflag:$0x3] =	stream.indirect_vreg.gather [hbm4b:s14+s5], $0x80, v4, vm0, $0xb8;
	[tilespmem:$0x1B280] =	vst v63  }
0x1aa: {  	v4 =	vld [tilespmem:$0x110];
	_ =	sdelay $0x4  }
0x1ab: {  	v5 =	vshrl.u32 v4, $0x3  }
0x1ac: {  	v5 =	vmul.u32 $0x30, v5  }
0x1ad: {  	v4 =	vand.u32 $0x7, v4  }
0x1ae: {  	v4 =	vor.u32 v4, v5  }
0x1af: {  	v5 =	vperm.xlane v4, v0;
	_ =	sdelay $0x1  }
0x1b0: {  	v5 =	vadd.s32 v1, v5;
	_ =	sdelay $0x3  }
0x1b1: {  	s16 =	simm.s32 $0x3280;
	v4 =	vperm.xlane v4, v2  }
0x1b2: {  	[tilespmem:s16], [sflag:$0x3] =	stream.indirect_vreg.gather [hbm4b:s3+s5], $0x80, v5, vm0, $0xb8;
	[tilespmem:$0x1B280] =	vst v63  }
0x1b3: {  	s17 =	simm.s32 $0x3A80;
	v4 =	vadd.s32 v1, v4  }
0x1b4: {  	[tilespmem:s17], [sflag:$0x3] =	stream.indirect_vreg.gather [hbm4b:s12+s5], $0x80, v5, vm0, $0xb8;
	[tilespmem:$0x1B280] =	vst v63  }
0x1b5: {  	s18 =	simm.s32 $0x4280  }
0x1b6: {  	[tilespmem:s18], [sflag:$0x3] =	stream.indirect_vreg.gather [hbm4b:s14+s5], $0x80, v5, vm0, $0xb8;
	[tilespmem:$0x1B280] =	vst v63  }
0x1b7: {  	s20 =	simm.s32 $0x4A80  }
0x1b8: {  	[tilespmem:s20], [sflag:$0x3] =	stream.indirect_vreg.gather [hbm4b:s3+s5], $0x80, v4, vm0, $0xb8;
	[tilespmem:$0x1B280] =	vst v63  }
0x1b9: {  	s21 =	simm.s32 $0x5280  }
0x1ba: {  	[tilespmem:s21], [sflag:$0x3] =	stream.indirect_vreg.gather [hbm4b:s12+s5], $0x80, v4, vm0, $0xb8;
	[tilespmem:$0x1B280] =	vst v63  }
0x1bb: {  	s22 =	simm.s32 $0x5A80  }
0x1bc: {  	[tilespmem:s22], [sflag:$0x3] =	stream.indirect_vreg.gather [hbm4b:s14+s5], $0x80, v4, vm0, $0xb8;
	[tilespmem:$0x1B280] =	vst v63  }
0x1bd: {  	v4 =	vld [tilespmem:$0x120];
	_ =	sdelay $0x4  }
0x1be: {  	v5 =	vshrl.u32 v4, $0x3  }
0x1bf: {  	v5 =	vmul.u32 $0x30, v5  }
0x1c0: {  	v4 =	vand.u32 $0x7, v4  }
0x1c1: {  	v4 =	vor.u32 v4, v5  }
0x1c2: {  	v5 =	vperm.xlane v4, v0;
	_ =	sdelay $0x1  }
0x1c3: {  	v5 =	vadd.s32 v1, v5;
	_ =	sdelay $0x3  }
0x1c4: {  	s25 =	simm.s32 $0x6280;
	v4 =	vperm.xlane v4, v2  }
0x1c5: {  	[tilespmem:s25], [sflag:$0x3] =	stream.indirect_vreg.gather [hbm4b:s3+s5], $0x80, v5, vm0, $0xb8;
	[tilespmem:$0x1B280] =	vst v63  }
0x1c6: {  	s1 =	simm.s32 $0x6A80;
	v4 =	vadd.s32 v1, v4  }
0x1c7: {  	[tilespmem:s1], [sflag:$0x3] =	stream.indirect_vreg.gather [hbm4b:s12+s5], $0x80, v5, vm0, $0xb8;
	[tilespmem:$0x1B280] =	vst v63  }
0x1c8: {  	s8 =	simm.s32 $0x7280  }
0x1c9: {  	[tilespmem:s8], [sflag:$0x3] =	stream.indirect_vreg.gather [hbm4b:s14+s5], $0x80, v5, vm0, $0xb8;
	[tilespmem:$0x1B280] =	vst v63  }
0x1ca: {  	s10 =	simm.s32 $0x7A80  }
0x1cb: {  	[tilespmem:s10], [sflag:$0x3] =	stream.indirect_vreg.gather [hbm4b:s3+s5], $0x80, v4, vm0, $0xb8;
	[tilespmem:$0x1B280] =	vst v63  }
0x1cc: {  	s15 =	simm.s32 $0x8280  }
0x1cd: {  	[tilespmem:s15], [sflag:$0x3] =	stream.indirect_vreg.gather [hbm4b:s12+s5], $0x80, v4, vm0, $0xb8;
	[tilespmem:$0x1B280] =	vst v63  }
0x1ce: {  	s16 =	simm.s32 $0x8A80  }
0x1cf: {  	[tilespmem:s16], [sflag:$0x3] =	stream.indirect_vreg.gather [hbm4b:s14+s5], $0x80, v4, vm0, $0xb8;
	[tilespmem:$0x1B280] =	vst v63  }
0x1d0: {  	v4 =	vld [tilespmem:$0x130];
	_ =	sdelay $0x4  }
0x1d1: {  	v5 =	vshrl.u32 v4, $0x3  }
0x1d2: {  	v5 =	vmul.u32 $0x30, v5  }
0x1d3: {  	v4 =	vand.u32 $0x7, v4  }
0x1d4: {  	v4 =	vor.u32 v4, v5  }
0x1d5: {  	v5 =	vperm.xlane v4, v0;
	_ =	sdelay $0x1  }
0x1d6: {  	v5 =	vadd.s32 v1, v5;
	_ =	sdelay $0x3  }
0x1d7: {  	s17 =	simm.s32 $0x9280;
	v4 =	vperm.xlane v4, v2  }
0x1d8: {  	[tilespmem:s17], [sflag:$0x3] =	stream.indirect_vreg.gather [hbm4b:s3+s5], $0x80, v5, vm0, $0xb8;
	[tilespmem:$0x1B280] =	vst v63  }
0x1d9: {  	s18 =	simm.s32 $0x9A80;
	v4 =	vadd.s32 v1, v4  }
0x1da: {  	[tilespmem:s18], [sflag:$0x3] =	stream.indirect_vreg.gather [hbm4b:s12+s5], $0x80, v5, vm0, $0xb8;
	[tilespmem:$0x1B280] =	vst v63  }
0x1db: {  	s20 =	simm.s32 $0xA280  }
0x1dc: {  	[tilespmem:s20], [sflag:$0x3] =	stream.indirect_vreg.gather [hbm4b:s14+s5], $0x80, v5, vm0, $0xb8;
	[tilespmem:$0x1B280] =	vst v63  }
0x1dd: {  	s21 =	simm.s32 $0xAA80  }
0x1de: {  	[tilespmem:s21], [sflag:$0x3] =	stream.indirect_vreg.gather [hbm4b:s3+s5], $0x80, v4, vm0, $0xb8;
	[tilespmem:$0x1B280] =	vst v63  }
0x1df: {  	s22 =	simm.s32 $0xB280  }
0x1e0: {  	[tilespmem:s22], [sflag:$0x3] =	stream.indirect_vreg.gather [hbm4b:s12+s5], $0x80, v4, vm0, $0xb8;
	[tilespmem:$0x1B280] =	vst v63  }
0x1e1: {  	s25 =	simm.s32 $0xBA80  }
0x1e2: {  	[tilespmem:s25], [sflag:$0x3] =	stream.indirect_vreg.gather [hbm4b:s14+s5], $0x80, v4, vm0, $0xb8;
	[tilespmem:$0x1B280] =	vst v63  }
.LBB2_20:
0x1e3: {  	p1 =	sgt.s32 s28, $0x40;
	s8 =	smov.u32 s28  }
0x1e4: {  	s8 =	simm.s32 @!p1 $0x40  }
0x1e5: {  	s16 =	smin.u32 s8, $0x80  }
0x1e6: {  	s17 =	sadd.s32 $0xFFFFFFCF, s16  }
0x1e7: {  	s10 =	sand.u32 $0xFFFFFFF0, s17  }
0x1e8: {  	s25 =	ssub.s32 $0x40, s10  }
0x1e9: {  	s8 =	sshra.s32 s25, $0x4  }
0x1ea: {  	p1 =	slt.s32 s8, $0x1  }
.Ltmp16:
0x1eb: {  	_ = 	snop;
	(pc) =	sbr.rel @p1 .LBB2_24-.Ltmp16, $2  }
0x1ec: {  	_ =	sdelay $0x2  }
0x1ed: {  	s25 =	smov.u32 s26  }
0x1ee: {  	s0 =	rddreg [dreg:$0xd]  }
0x1ef: {  	s15 =	sadd.s32 s10, s0  }
0x1f0: {  	s15 =	sshrl.u32 s15, $0x3  }
0x1f1: {  	p1 =	sne.s32 s8, $0x1;
	s15 =	smul.u32 $0x1800, s15  }
.Ltmp17:
0x1f2: {  	_ = 	snop;
	(pc) =	sbr.rel @!p1 .LBB2_23-.Ltmp17, $4  }
0x1f3: {  	_ = 	snop  }
0x1f4: {  	s18 =	sadd.s32 s15, s13  }
0x1f5: {  	s20 =	sshrl.u32 s18, $0x3  }
0x1f6: {  	s15 =	sadd.s32 $0xFFFFFFFF, s8;
	s18 =	sadd.s32 $0x3000, s18;
	s20 =	sadd.s32 s4, s20  }
.LBB2_22:
0x1f7: {  	[hbm4b:s20+s5] =	stream.linear.scatter [tilespmem:s2], [sflag:$0x2], $0x3000, $0x38;
	[tilespmem:$0x1B280] =	vst v63  }
0x1f8: {  	p1 =	sne.s32 s15, $0x1  }
.Ltmp18:
0x1f9: {  	s15 =	sadd.s32 $0xFFFFFFFF, s15;
	(pc) =	sbr.rel @p1 .LBB2_22-.Ltmp18, $3  }
0x1fa: {  	_ =	sdelay $0x1  }
0x1fb: {  	s20 =	sshrl.u32 s18, $0x3  }
0x1fc: {  	s18 =	sadd.s32 $0x3000, s18;
	s20 =	sadd.s32 s4, s20  }
.LBB2_23:
0x1fd: {  	[hbm4b:s20+s5] =	stream.linear.scatter [tilespmem:s2], [sflag:$0x2], $0x3000, $0x38;
	[tilespmem:$0x1B280] =	vst v63  }
0x1fe: {  	s25 =	sadd.s32 s26, s8  }
.LBB2_24:
0x1ff: {  	s15 =	sadd.s32 $0xFFFFFFC0, s16  }
0x200: {  	s10 =	ssub.s32 s10, s15  }
0x201: {  	p1 =	slt.s32 s10, $0x1  }
.Ltmp19:
0x202: {  	_ = 	snop;
	(pc) =	sbr.rel @p1 .LBB2_28-.Ltmp19, $4  }
0x203: {  	s0 =	simm.s32 $0x4  }
0x204: {  	_ =	swait.ge [sflag:s0], $0xC000  }
0x205: {  	[sflag:s0] =	ssyncset.done $0x0  }
0x206: {  	s10 =	sshrl.u32 s17, $0x4;
	[sflag:s0] =	ssyncadd.s32 $0xFFFF4000  }
0x207: {  	s17 =	sshrl.u32 s17, $0x4;
	s16 =	smul.u32 $0x30, s16  }
0x208: {  	s17 =	smul.u32 $0x300, s17;
	_ =	sdelay $0x1  }
0x209: {  	s16 =	ssub.s32 s17, s16  }
0x20a: {  	s17 =	sadd.s32 $0xC00, s16;
	s16 =	simm.s32 $0x0  }
0x20b: {  	s18 =	smulhi.u32 $0xAAAAAAAB, s16;
	p1 =	seq.s32 s17, $0x1  }
.Ltmp20:
0x20c: {  	_ = 	snop;
	(pc) =	sbr.rel @p1 .LBB2_27-.Ltmp20, $4  }
0x20d: {  	s20 =	sshrl.u32 s18, $0x5  }
0x20e: {  	s18 =	sadd.s32 s15, s20  }
0x20f: {  	s21 =	simm.s32 $0x1;
	s22 =	sshrl.u32 s18, $0x3  }
0x210: {  	s31 =	sshll.u32 s20, $0xB;
	s20 =	simm.s32 $0x0;
	s22 =	smul.u32 $0x6000, s22  }
.LBB2_26:
0x211: {  	s0 =	smulhi.u32 $0xAAAAAAAB, s21  }
0x212: {  	s31 =	sadd.s32 s31, s16;
	s18 =	sshll.u32 s18, $0x7;
	s21 =	sadd.s32 $0x1, s21  }
0x213: {  	s31 =	sand.u32 $0x1C00, s31;
	s22 =	sshra.s32 s22, $0x2;
	p1 =	seq.s32 s17, s21  }
.Ltmp21:
0x214: {  	s18 =	sand.u32 $0x380, s18;
	s22 =	sadd.s32 s31, s22;
	(pc) =	sbr.rel @!p1 .LBB2_26-.Ltmp21, $4  }
0x215: {  	s0 =	sshrl.u32 s0, $0x5;
	s31 =	sand.u32 $0x70, s20;
	s22 =	sor.u32 s18, s22  }
0x216: {  	s18 =	sadd.s32 s15, s0;
	s22 =	sor.u32 s31, s22  }
0x217: {  	s16 =	sadd.s32 $0x80, s16;
	s1 =	sshrl.u32 s18, $0x3;
	[tilespmem:s22+$0xC280] =	vst v3  }
0x218: {  	s20 =	sadd.s32 $0x10, s20;
	s31 =	sshll.u32 s0, $0xB;
	s22 =	smul.u32 $0x6000, s1  }
.LBB2_27:
0x219: {  	s0 =	sadd.s32 s31, s16  }
0x21a: {  	s1 =	sshll.u32 s18, $0x7;
	s0 =	sand.u32 $0x1C00, s0;
	s15 =	sshra.s32 s22, $0x2  }
0x21b: {  	s1 =	sand.u32 $0x380, s1;
	s0 =	sadd.s32 s0, s15  }
0x21c: {  	s22 =	sand.u32 $0x70, s20;
	s0 =	sor.u32 s1, s0  }
0x21d: {  	s0 =	sor.u32 s22, s0  }
0x21e: {  	s31 =	simm.s32 $0x280;
	[tilespmem:s0+$0xC280] =	vst v3  }
.LBB2_28:
0x21f: {  	p1 =	seq.s32 s10, $0x0  }
.Ltmp22:
0x220: {  	_ = 	snop;
	(pc) =	sbr.rel @p1 .LBB2_34-.Ltmp22, $2  }
0x221: {  	_ =	sdelay $0x2  }
0x222: {  	s15 =	simm.s32 $0xC280  }
0x223: {  	p1 =	sne.s32 s10, $0x1  }
.Ltmp23:
0x224: {  	_ = 	snop;
	(pc) =	sbr.rel @!p1 .LBB2_31-.Ltmp23, $4  }
0x225: {  	s1 =	rddreg [dreg:$0xe]  }
0x226: {  	s0 =	sshrl.u32 s1, $0x3  }
0x227: {  	s16 =	sadd.s32 $0xFFFFFFFF, s10;
	s17 =	sadd.s32 $0x3000, s1;
	s0 =	sadd.s32 s4, s0  }
0x228: {  	[hbm4b:s0+s5] =	stream.linear.scatter [tilespmem:s15], [sflag:$0x6], $0x3000, $0x38;
	[tilespmem:$0x1B280] =	vst v63  }
.LBB2_30:
0x229: {  	s0 =	sshrl.u32 s17, $0x3;
	p1 =	sne.s32 s16, $0x1;
	s16 =	sadd.s32 $0xFFFFFFFF, s16  }
.Ltmp24:
0x22a: {  	s15 =	sadd.s32 $0x3000, s15;
	s0 =	sadd.s32 s4, s0;
	(pc) =	sbr.rel @p1 .LBB2_30-.Ltmp24, $3  }
0x22b: {  	[hbm4b:s0+s5] =	stream.linear.scatter [tilespmem:s15], [sflag:$0x6], $0x3000, $0x38;
	[tilespmem:$0x1B280] =	vst v63  }
0x22c: {  	_ =	sdelay $0x1  }
0x22d: {  	s17 =	sadd.s32 $0x3000, s17  }
.LBB2_31:
0x22e: {  	p1 =	sne.s32 s10, $0x1  }
.Ltmp25:
0x22f: {  	_ = 	snop;
	(pc) =	sbr.rel @!p1 .LBB2_33-.Ltmp25, $3  }
0x230: {  	_ =	sdelay $0x1  }
0x231: {  	_ =	swait.ge [sflag:s19], $0x3000  }
0x232: {  	s10 =	sadd.s32 $0xFFFFFFFF, s10;
	[sflag:s19] =	ssyncset.done $0x0  }
.LBB2_32:
0x233: {  	p1 =	sne.s32 s10, $0x1;
	s10 =	sadd.s32 $0xFFFFFFFF, s10;
	[sflag:s19] =	ssyncadd.s32 $0xFFFFD000  }
.Ltmp26:
0x234: {  	(pc) =	sbr.rel @p1 .LBB2_32-.Ltmp26, $3  }
0x235: {  	_ =	sdelay $0x1  }
0x236: {  	_ =	swait.ge [sflag:s19], $0x3000  }
0x237: {  	[sflag:s19] =	ssyncset.done $0x0  }
.LBB2_33:
0x238: {  	[sflag:s19] =	ssyncadd.s32 $0xFFFFD000  }
.LBB2_34:
0x239: {  	p1 =	sgt.s32 s28, $0xC0  }
0x23a: {  	s28 =	simm.s32 @!p1 $0xC0  }
0x23b: {  	s10 =	smin.u32 s28, $0x100  }
0x23c: {  	s15 =	sadd.s32 $0xFFFFFF4F, s10  }
0x23d: {  	s28 =	sshrl.u32 s15, $0x4  }
0x23e: {  	p1 =	seq.s32 s28, $0x0  }
.Ltmp27:
0x23f: {  	_ = 	snop;
	(pc) =	sbr.rel @p1 .LBB2_36-.Ltmp27, $1  }
0x240: {  	_ =	sdelay $0x3  }
0x241: {  	v4 =	vld [tilespmem:$0x180];
	_ =	sdelay $0x4  }
0x242: {  	v5 =	vshrl.u32 v4, $0x3  }
0x243: {  	v5 =	vmul.u32 $0x30, v5  }
0x244: {  	v4 =	vand.u32 $0x7, v4  }
0x245: {  	v4 =	vor.u32 v4, v5  }
0x246: {  	v5 =	vperm.xlane v4, v0;
	_ =	sdelay $0x1  }
0x247: {  	v5 =	vadd.s32 v1, v5;
	_ =	sdelay $0x3  }
0x248: {  	s0 =	simm.s32 $0xC280;
	v4 =	vperm.xlane v4, v2  }
0x249: {  	[tilespmem:s0], [sflag:$0x4] =	stream.indirect_vreg.gather [hbm4b:s3+s5], $0x80, v5, vm0, $0xb8;
	[tilespmem:$0x1B280] =	vst v63  }
0x24a: {  	s21 =	simm.s32 $0xCA80;
	v4 =	vadd.s32 v1, v4  }
0x24b: {  	[tilespmem:s21], [sflag:$0x4] =	stream.indirect_vreg.gather [hbm4b:s12+s5], $0x80, v5, vm0, $0xb8;
	[tilespmem:$0x1B280] =	vst v63  }
0x24c: {  	s22 =	simm.s32 $0xD280  }
0x24d: {  	[tilespmem:s22], [sflag:$0x4] =	stream.indirect_vreg.gather [hbm4b:s14+s5], $0x80, v5, vm0, $0xb8;
	[tilespmem:$0x1B280] =	vst v63  }
0x24e: {  	s1 =	simm.s32 $0xDA80  }
0x24f: {  	[tilespmem:s1], [sflag:$0x4] =	stream.indirect_vreg.gather [hbm4b:s3+s5], $0x80, v4, vm0, $0xb8;
	[tilespmem:$0x1B280] =	vst v63  }
0x250: {  	s16 =	simm.s32 $0xE280  }
0x251: {  	[tilespmem:s16], [sflag:$0x4] =	stream.indirect_vreg.gather [hbm4b:s12+s5], $0x80, v4, vm0, $0xb8;
	[tilespmem:$0x1B280] =	vst v63  }
0x252: {  	s17 =	simm.s32 $0xEA80  }
0x253: {  	[tilespmem:s17], [sflag:$0x4] =	stream.indirect_vreg.gather [hbm4b:s14+s5], $0x80, v4, vm0, $0xb8;
	[tilespmem:$0x1B280] =	vst v63  }
0x254: {  	v4 =	vld [tilespmem:$0x190];
	_ =	sdelay $0x4  }
0x255: {  	v5 =	vshrl.u32 v4, $0x3  }
0x256: {  	v5 =	vmul.u32 $0x30, v5  }
0x257: {  	v4 =	vand.u32 $0x7, v4  }
0x258: {  	v4 =	vor.u32 v4, v5  }
0x259: {  	v5 =	vperm.xlane v4, v0;
	_ =	sdelay $0x1  }
0x25a: {  	v5 =	vadd.s32 v1, v5;
	_ =	sdelay $0x3  }
0x25b: {  	s18 =	simm.s32 $0xF280;
	v4 =	vperm.xlane v4, v2  }
0x25c: {  	[tilespmem:s18], [sflag:$0x4] =	stream.indirect_vreg.gather [hbm4b:s3+s5], $0x80, v5, vm0, $0xb8;
	[tilespmem:$0x1B280] =	vst v63  }
0x25d: {  	s20 =	simm.s32 $0xFA80;
	v4 =	vadd.s32 v1, v4  }
0x25e: {  	[tilespmem:s20], [sflag:$0x4] =	stream.indirect_vreg.gather [hbm4b:s12+s5], $0x80, v5, vm0, $0xb8;
	[tilespmem:$0x1B280] =	vst v63  }
0x25f: {  	s21 =	simm.s32 $0x10280  }
0x260: {  	[tilespmem:s21], [sflag:$0x4] =	stream.indirect_vreg.gather [hbm4b:s14+s5], $0x80, v5, vm0, $0xb8;
	[tilespmem:$0x1B280] =	vst v63  }
0x261: {  	s22 =	simm.s32 $0x10A80  }
0x262: {  	[tilespmem:s22], [sflag:$0x4] =	stream.indirect_vreg.gather [hbm4b:s3+s5], $0x80, v4, vm0, $0xb8;
	[tilespmem:$0x1B280] =	vst v63  }
0x263: {  	s1 =	simm.s32 $0x11280  }
0x264: {  	[tilespmem:s1], [sflag:$0x4] =	stream.indirect_vreg.gather [hbm4b:s12+s5], $0x80, v4, vm0, $0xb8;
	[tilespmem:$0x1B280] =	vst v63  }
0x265: {  	s16 =	simm.s32 $0x11A80  }
0x266: {  	[tilespmem:s16], [sflag:$0x4] =	stream.indirect_vreg.gather [hbm4b:s14+s5], $0x80, v4, vm0, $0xb8;
	[tilespmem:$0x1B280] =	vst v63  }
0x267: {  	v4 =	vld [tilespmem:$0x1A0];
	_ =	sdelay $0x4  }
0x268: {  	v5 =	vshrl.u32 v4, $0x3  }
0x269: {  	v5 =	vmul.u32 $0x30, v5  }
0x26a: {  	v4 =	vand.u32 $0x7, v4  }
0x26b: {  	v4 =	vor.u32 v4, v5  }
0x26c: {  	v5 =	vperm.xlane v4, v0;
	_ =	sdelay $0x1  }
0x26d: {  	v5 =	vadd.s32 v1, v5;
	_ =	sdelay $0x3  }
0x26e: {  	s17 =	simm.s32 $0x12280;
	v4 =	vperm.xlane v4, v2  }
0x26f: {  	[tilespmem:s17], [sflag:$0x4] =	stream.indirect_vreg.gather [hbm4b:s3+s5], $0x80, v5, vm0, $0xb8;
	[tilespmem:$0x1B280] =	vst v63  }
0x270: {  	s18 =	simm.s32 $0x12A80;
	v4 =	vadd.s32 v1, v4  }
0x271: {  	[tilespmem:s18], [sflag:$0x4] =	stream.indirect_vreg.gather [hbm4b:s12+s5], $0x80, v5, vm0, $0xb8;
	[tilespmem:$0x1B280] =	vst v63  }
0x272: {  	s20 =	simm.s32 $0x13280  }
0x273: {  	[tilespmem:s20], [sflag:$0x4] =	stream.indirect_vreg.gather [hbm4b:s14+s5], $0x80, v5, vm0, $0xb8;
	[tilespmem:$0x1B280] =	vst v63  }
0x274: {  	s21 =	simm.s32 $0x13A80  }
0x275: {  	[tilespmem:s21], [sflag:$0x4] =	stream.indirect_vreg.gather [hbm4b:s3+s5], $0x80, v4, vm0, $0xb8;
	[tilespmem:$0x1B280] =	vst v63  }
0x276: {  	s22 =	simm.s32 $0x14280  }
0x277: {  	[tilespmem:s22], [sflag:$0x4] =	stream.indirect_vreg.gather [hbm4b:s12+s5], $0x80, v4, vm0, $0xb8;
	[tilespmem:$0x1B280] =	vst v63  }
0x278: {  	s1 =	simm.s32 $0x14A80  }
0x279: {  	[tilespmem:s1], [sflag:$0x4] =	stream.indirect_vreg.gather [hbm4b:s14+s5], $0x80, v4, vm0, $0xb8;
	[tilespmem:$0x1B280] =	vst v63  }
0x27a: {  	v4 =	vld [tilespmem:$0x1B0];
	_ =	sdelay $0x4  }
0x27b: {  	v5 =	vshrl.u32 v4, $0x3  }
0x27c: {  	v5 =	vmul.u32 $0x30, v5  }
0x27d: {  	v4 =	vand.u32 $0x7, v4  }
0x27e: {  	v4 =	vor.u32 v4, v5  }
0x27f: {  	v5 =	vperm.xlane v4, v0;
	_ =	sdelay $0x1  }
0x280: {  	v5 =	vadd.s32 v1, v5;
	_ =	sdelay $0x3  }
0x281: {  	s16 =	simm.s32 $0x15280;
	v4 =	vperm.xlane v4, v2  }
0x282: {  	[tilespmem:s16], [sflag:$0x4] =	stream.indirect_vreg.gather [hbm4b:s3+s5], $0x80, v5, vm0, $0xb8;
	[tilespmem:$0x1B280] =	vst v63  }
0x283: {  	s17 =	simm.s32 $0x15A80;
	v4 =	vadd.s32 v1, v4  }
0x284: {  	[tilespmem:s17], [sflag:$0x4] =	stream.indirect_vreg.gather [hbm4b:s12+s5], $0x80, v5, vm0, $0xb8;
	[tilespmem:$0x1B280] =	vst v63  }
0x285: {  	s18 =	simm.s32 $0x16280  }
0x286: {  	[tilespmem:s18], [sflag:$0x4] =	stream.indirect_vreg.gather [hbm4b:s14+s5], $0x80, v5, vm0, $0xb8;
	[tilespmem:$0x1B280] =	vst v63  }
0x287: {  	s20 =	simm.s32 $0x16A80  }
0x288: {  	[tilespmem:s20], [sflag:$0x4] =	stream.indirect_vreg.gather [hbm4b:s3+s5], $0x80, v4, vm0, $0xb8;
	[tilespmem:$0x1B280] =	vst v63  }
0x289: {  	s21 =	simm.s32 $0x17280  }
0x28a: {  	[tilespmem:s21], [sflag:$0x4] =	stream.indirect_vreg.gather [hbm4b:s12+s5], $0x80, v4, vm0, $0xb8;
	[tilespmem:$0x1B280] =	vst v63  }
0x28b: {  	s22 =	simm.s32 $0x17A80  }
0x28c: {  	[tilespmem:s22], [sflag:$0x4] =	stream.indirect_vreg.gather [hbm4b:s14+s5], $0x80, v4, vm0, $0xb8;
	[tilespmem:$0x1B280] =	vst v63  }
.LBB2_36:
0x28d: {  	s16 =	sand.u32 $0xF0, s30  }
0x28e: {  	s0 =	ssub.s32 $0x40, s16  }
0x28f: {  	s17 =	sshra.s32 s0, $0x4  }
0x290: {  	p2 =	slt.s32 s17, $0x1  }
.Ltmp28:
0x291: {  	_ = 	snop;
	(pc) =	sbr.rel @p2 .LBB2_40-.Ltmp28, $1  }
0x292: {  	_ =	sdelay $0x3  }
0x293: {  	s0 =	rddreg [dreg:$0x8]  }
0x294: {  	s0 =	sadd.s32 s16, s0  }
0x295: {  	s0 =	sshrl.u32 s0, $0x3  }
0x296: {  	p2 =	seq.s32 s17, $0x1;
	s0 =	smul.u32 $0x1800, s0  }
.Ltmp29:
0x297: {  	_ = 	snop;
	(pc) =	sbr.rel @p2 .LBB2_39-.Ltmp29, $4  }
0x298: {  	_ = 	snop  }
0x299: {  	s20 =	sadd.s32 s0, s13  }
0x29a: {  	s0 =	sshrl.u32 s20, $0x3  }
0x29b: {  	s18 =	sadd.s32 $0xFFFFFFFF, s17;
	s20 =	sadd.s32 $0x3000, s20;
	s21 =	sadd.s32 s4, s0  }
.LBB2_38:
0x29c: {  	[hbm4b:s21+s5] =	stream.linear.scatter [tilespmem:s2], [sflag:$0x2], $0x3000, $0x38;
	[tilespmem:$0x1B280] =	vst v63  }
0x29d: {  	p2 =	seq.s32 s18, $0x1  }
.Ltmp30:
0x29e: {  	s18 =	sadd.s32 $0xFFFFFFFF, s18;
	(pc) =	sbr.rel @!p2 .LBB2_38-.Ltmp30, $3  }
0x29f: {  	_ =	sdelay $0x1  }
0x2a0: {  	s0 =	sshrl.u32 s20, $0x3  }
0x2a1: {  	s20 =	sadd.s32 $0x3000, s20;
	s21 =	sadd.s32 s4, s0  }
.LBB2_39:
0x2a2: {  	[hbm4b:s21+s5] =	stream.linear.scatter [tilespmem:s2], [sflag:$0x2], $0x3000, $0x38;
	[tilespmem:$0x1B280] =	vst v63  }
0x2a3: {  	p2 =	sgt.s32 s8, $0x0  }
0x2a4: {  	s0 =	sadd.s32 s26, s17;
	s8 =	simm.s32 @!p2 $0x0  }
0x2a5: {  	s25 =	sadd.s32 s8, s0  }
.LBB2_40:
0x2a6: {  	s26 =	sadd.s32 $0xFFFFFF80, s29  }
0x2a7: {  	s22 =	ssub.s32 s16, s26  }
0x2a8: {  	p2 =	slt.s32 s22, $0x1  }
.Ltmp31:
0x2a9: {  	_ = 	snop;
	(pc) =	sbr.rel @p2 .LBB2_44-.Ltmp31, $4  }
0x2aa: {  	s0 =	simm.s32 @!p0 $0x3  }
0x2ab: {  	_ =	swait.ge @!p0 [sflag:s0], $0xC000  }
0x2ac: {  	[sflag:s0] =	ssyncset.done @!p0 $0x0  }
0x2ad: {  	s8 =	sadd.s32 $0xFFFFFF40, s10;
	[sflag:s0] =	ssyncadd.s32 @!p0 $0xFFFF4000  }
0x2ae: {  	s0 =	sshrl.u32 s30, $0x4;
	s1 =	smul.u32 $0x30, s29  }
0x2af: {  	s0 =	smul.u32 $0x300, s0;
	_ =	sdelay $0x1  }
0x2b0: {  	s0 =	ssub.s32 s0, s1  }
0x2b1: {  	s16 =	simm.s32 $0x0;
	s17 =	sadd.s32 $0x1800, s0  }
0x2b2: {  	s22 =	smulhi.u32 $0xAAAAAAAB, s16;
	p2 =	seq.s32 s17, $0x1  }
.Ltmp32:
0x2b3: {  	_ = 	snop;
	(pc) =	sbr.rel @p2 .LBB2_43-.Ltmp32, $4  }
0x2b4: {  	s0 =	sshrl.u32 s22, $0x5  }
0x2b5: {  	s18 =	sadd.s32 s26, s0  }
0x2b6: {  	s21 =	simm.s32 $0x1;
	s30 =	sshrl.u32 s18, $0x3  }
0x2b7: {  	s20 =	simm.s32 $0x0;
	s29 =	sshll.u32 s0, $0xB;
	s22 =	smul.u32 $0x6000, s30  }
.LBB2_42:
0x2b8: {  	s0 =	smulhi.u32 $0xAAAAAAAB, s21  }
0x2b9: {  	s1 =	sadd.s32 s29, s16;
	s18 =	sshll.u32 s18, $0x7;
	s21 =	sadd.s32 $0x1, s21  }
0x2ba: {  	s1 =	sand.u32 $0x1C00, s1;
	s22 =	sshra.s32 s22, $0x2;
	p2 =	seq.s32 s17, s21  }
.Ltmp33:
0x2bb: {  	s18 =	sand.u32 $0x380, s18;
	s1 =	sadd.s32 s1, s22;
	(pc) =	sbr.rel @!p2 .LBB2_42-.Ltmp33, $4  }
0x2bc: {  	s0 =	sshrl.u32 s0, $0x5;
	s22 =	sand.u32 $0x70, s20;
	s1 =	sor.u32 s1, s18  }
0x2bd: {  	s18 =	sadd.s32 s26, s0;
	s1 =	sor.u32 s22, s1  }
0x2be: {  	s16 =	sadd.s32 $0x80, s16;
	s22 =	sshrl.u32 s18, $0x3;
	[tilespmem:s1+$0x280] =	vst v3  }
0x2bf: {  	s20 =	sadd.s32 $0x10, s20;
	s29 =	sshll.u32 s0, $0xB;
	s22 =	smul.u32 $0x6000, s22  }
.LBB2_43:
0x2c0: {  	s0 =	sadd.s32 s29, s16  }
0x2c1: {  	s1 =	sshll.u32 s18, $0x7;
	s0 =	sand.u32 $0x1C00, s0;
	s29 =	sshra.s32 s22, $0x2  }
0x2c2: {  	s1 =	sand.u32 $0x380, s1;
	s0 =	sadd.s32 s0, s29  }
0x2c3: {  	s30 =	sand.u32 $0x70, s20;
	s0 =	sor.u32 s0, s1  }
0x2c4: {  	s0 =	sor.u32 s30, s0  }
0x2c5: {  	[tilespmem:s0+$0x280] =	vst v3  }
.LBB2_44:
.Ltmp34:
0x2c6: {  	(pc) =	sbr.rel @p0 .LBB2_47-.Ltmp34, $2  }
0x2c7: {  	_ =	sdelay $0x2  }
0x2c8: {  	s16 =	simm.s32 $0x280  }
0x2c9: {  	p2 =	sne.s32 s24, $0x1  }
.Ltmp35:
0x2ca: {  	_ = 	snop;
	(pc) =	sbr.rel @!p2 .LBB2_47-.Ltmp35, $4  }
0x2cb: {  	s1 =	rddreg [dreg:$0xf]  }
0x2cc: {  	s0 =	sshrl.u32 s1, $0x3  }
0x2cd: {  	s17 =	sadd.s32 $0xFFFFFFFF, s24;
	s18 =	sadd.s32 $0x3000, s1;
	s0 =	sadd.s32 s4, s0  }
0x2ce: {  	[hbm4b:s0+s5] =	stream.linear.scatter [tilespmem:s16], [sflag:$0x5], $0x3000, $0x38;
	[tilespmem:$0x1B280] =	vst v63  }
.LBB2_46:
0x2cf: {  	s0 =	sshrl.u32 s18, $0x3;
	p2 =	sne.s32 s17, $0x1;
	s17 =	sadd.s32 $0xFFFFFFFF, s17  }
.Ltmp36:
0x2d0: {  	s16 =	sadd.s32 $0x3000, s16;
	s0 =	sadd.s32 s4, s0;
	(pc) =	sbr.rel @p2 .LBB2_46-.Ltmp36, $3  }
0x2d1: {  	[hbm4b:s0+s5] =	stream.linear.scatter [tilespmem:s16], [sflag:$0x5], $0x3000, $0x38;
	[tilespmem:$0x1B280] =	vst v63  }
0x2d2: {  	_ =	sdelay $0x1  }
0x2d3: {  	s18 =	sadd.s32 $0x3000, s18  }
.LBB2_47:
0x2d4: {  	s16 =	sand.u32 $0xFFFFFFF0, s15  }
0x2d5: {  	s0 =	ssub.s32 $0x40, s16  }
0x2d6: {  	s17 =	sshra.s32 s0, $0x4  }
0x2d7: {  	p2 =	slt.s32 s17, $0x1  }
.Ltmp37:
0x2d8: {  	_ = 	snop;
	(pc) =	sbr.rel @p2 .LBB2_51-.Ltmp37, $1  }
0x2d9: {  	_ =	sdelay $0x3  }
0x2da: {  	s0 =	rddreg [dreg:$0x6]  }
0x2db: {  	s0 =	sadd.s32 s16, s0  }
0x2dc: {  	s0 =	sshrl.u32 s0, $0x3  }
0x2dd: {  	p2 =	seq.s32 s17, $0x1;
	s0 =	smul.u32 $0x1800, s0  }
.Ltmp38:
0x2de: {  	_ = 	snop;
	(pc) =	sbr.rel @p2 .LBB2_50-.Ltmp38, $4  }
0x2df: {  	_ = 	snop  }
0x2e0: {  	s18 =	sadd.s32 s0, s13  }
0x2e1: {  	s17 =	sadd.s32 $0xFFFFFFFF, s17;
	s0 =	sshrl.u32 s18, $0x3  }
0x2e2: {  	s25 =	sadd.s32 $0x1, s25;
	s18 =	sadd.s32 $0x3000, s18;
	s20 =	sadd.s32 s4, s0  }
.LBB2_49:
0x2e3: {  	[hbm4b:s20+s5] =	stream.linear.scatter [tilespmem:s2], [sflag:$0x2], $0x3000, $0x38;
	[tilespmem:$0x1B280] =	vst v63  }
0x2e4: {  	p2 =	seq.s32 s17, $0x1  }
.Ltmp39:
0x2e5: {  	s17 =	sadd.s32 $0xFFFFFFFF, s17;
	(pc) =	sbr.rel @!p2 .LBB2_49-.Ltmp39, $3  }
0x2e6: {  	_ =	sdelay $0x1  }
0x2e7: {  	s0 =	sshrl.u32 s18, $0x3  }
0x2e8: {  	s25 =	sadd.s32 $0x1, s25;
	s18 =	sadd.s32 $0x3000, s18;
	s20 =	sadd.s32 s4, s0  }
.LBB2_50:
0x2e9: {  	[hbm4b:s20+s5] =	stream.linear.scatter [tilespmem:s2], [sflag:$0x2], $0x3000, $0x38;
	[tilespmem:$0x1B280] =	vst v63  }
.LBB2_51:
0x2ea: {  	s30 =	ssub.s32 s16, s8  }
0x2eb: {  	p2 =	slt.s32 s30, $0x1  }
.Ltmp40:
0x2ec: {  	_ = 	snop;
	(pc) =	sbr.rel @p2 .LBB2_55-.Ltmp40, $4  }
0x2ed: {  	s0 =	simm.s32 @!p1 $0x4  }
0x2ee: {  	_ =	swait.ge @!p1 [sflag:s0], $0xC000  }
0x2ef: {  	[sflag:s0] =	ssyncset.done @!p1 $0x0  }
0x2f0: {  	[sflag:s0] =	ssyncadd.s32 @!p1 $0xFFFF4000  }
0x2f1: {  	s0 =	sshrl.u32 s15, $0x4;
	s1 =	smul.u32 $0x30, s10  }
0x2f2: {  	s0 =	smul.u32 $0x300, s0;
	_ =	sdelay $0x1  }
0x2f3: {  	s0 =	ssub.s32 s0, s1  }
0x2f4: {  	s10 =	simm.s32 $0x0;
	s15 =	sadd.s32 $0x2400, s0  }
0x2f5: {  	s29 =	smulhi.u32 $0xAAAAAAAB, s10;
	p2 =	seq.s32 s15, $0x1  }
.Ltmp41:
0x2f6: {  	_ = 	snop;
	(pc) =	sbr.rel @p2 .LBB2_54-.Ltmp41, $4  }
0x2f7: {  	s0 =	sshrl.u32 s29, $0x5  }
0x2f8: {  	s18 =	sadd.s32 s8, s0  }
0x2f9: {  	s17 =	simm.s32 $0x1;
	s30 =	sshrl.u32 s18, $0x3  }
0x2fa: {  	s16 =	simm.s32 $0x0;
	s21 =	sshll.u32 s0, $0xB;
	s20 =	smul.u32 $0x6000, s30  }
.LBB2_53:
0x2fb: {  	s0 =	smulhi.u32 $0xAAAAAAAB, s17  }
0x2fc: {  	s1 =	sadd.s32 s21, s10;
	s18 =	sshll.u32 s18, $0x7;
	s17 =	sadd.s32 $0x1, s17  }
0x2fd: {  	s1 =	sand.u32 $0x1C00, s1;
	s20 =	sshra.s32 s20, $0x2;
	p2 =	seq.s32 s15, s17  }
.Ltmp42:
0x2fe: {  	s18 =	sand.u32 $0x380, s18;
	s1 =	sadd.s32 s1, s20;
	(pc) =	sbr.rel @!p2 .LBB2_53-.Ltmp42, $4  }
0x2ff: {  	s0 =	sshrl.u32 s0, $0x5;
	s20 =	sand.u32 $0x70, s16;
	s1 =	sor.u32 s18, s1  }
0x300: {  	s18 =	sadd.s32 s8, s0;
	s1 =	sor.u32 s20, s1  }
0x301: {  	s10 =	sadd.s32 $0x80, s10;
	s20 =	sshrl.u32 s18, $0x3;
	[tilespmem:s1+$0xC280] =	vst v3  }
0x302: {  	s16 =	sadd.s32 $0x10, s16;
	s21 =	sshll.u32 s0, $0xB;
	s20 =	smul.u32 $0x6000, s20  }
.LBB2_54:
0x303: {  	s0 =	sadd.s32 s21, s10  }
0x304: {  	s1 =	sshll.u32 s18, $0x7;
	s0 =	sand.u32 $0x1C00, s0;
	s8 =	sshra.s32 s20, $0x2  }
0x305: {  	s1 =	sand.u32 $0x380, s1;
	s0 =	sadd.s32 s0, s8  }
0x306: {  	s30 =	sand.u32 $0x70, s16;
	s0 =	sor.u32 s1, s0  }
0x307: {  	s0 =	sor.u32 s30, s0  }
0x308: {  	[tilespmem:s0+$0xC280] =	vst v3  }
.LBB2_55:
.Ltmp43:
0x309: {  	(pc) =	sbr.rel @p1 .LBB2_56-.Ltmp43, $2  }
0x30a: {  	_ =	sdelay $0x2  }
0x30b: {  	s8 =	simm.s32 $0xC280  }
0x30c: {  	p2 =	seq.s32 s28, $0x1  }
.Ltmp44:
0x30d: {  	_ = 	snop;
	(pc) =	sbr.rel @p2 .LBB2_56-.Ltmp44, $3  }
0x30e: {  	_ =	sdelay $0x1  }
0x30f: {  	s15 =	rddreg [dreg:$0x10];
	s10 =	sadd.s32 $0xFFFFFFFF, s28  }
0x310: {  	[hbm4b:s15+s5] =	stream.linear.scatter [tilespmem:s8], [sflag:$0x6], $0x3000, $0x38;
	[tilespmem:$0x1B280] =	vst v63  }
.LBB2_65:
0x311: {  	p2 =	seq.s32 s10, $0x1  }
.Ltmp45:
0x312: {  	_ = 	snop;
	(pc) =	sbr.rel @!p2 .LBB2_65-.Ltmp45, $4  }
0x313: {  	_ = 	snop  }
0x314: {  	s8 =	sadd.s32 $0x3000, s8;
	s15 =	sadd.s32 $0x600, s15  }
0x315: {  	s10 =	sadd.s32 $0xFFFFFFFF, s10  }
0x316: {  	[hbm4b:s15+s5] =	stream.linear.scatter [tilespmem:s8], [sflag:$0x6], $0x3000, $0x38;
	[tilespmem:$0x1B280] =	vst v63  }
.LBB2_56:
.Ltmp46:
0x317: {  	(pc) =	sbr.rel @p0 .LBB2_57-.Ltmp46, $1  }
0x318: {  	_ =	sdelay $0x3  }
0x319: {  	p0 =	seq.s32 s24, $0x1  }
.Ltmp47:
0x31a: {  	_ = 	snop;
	(pc) =	sbr.rel @p0 .LBB2_68-.Ltmp47, $3  }
0x31b: {  	_ =	sdelay $0x1  }
0x31c: {  	_ =	swait.ge [sflag:s9], $0x3000  }
0x31d: {  	s8 =	sadd.s32 $0xFFFFFFFF, s24;
	[sflag:s9] =	ssyncset.done $0x0  }
.LBB2_67:
0x31e: {  	p0 =	seq.s32 s8, $0x1;
	s8 =	sadd.s32 $0xFFFFFFFF, s8;
	[sflag:s9] =	ssyncadd.s32 $0xFFFFD000  }
.Ltmp48:
0x31f: {  	(pc) =	sbr.rel @!p0 .LBB2_67-.Ltmp48, $3  }
0x320: {  	_ =	sdelay $0x1  }
0x321: {  	_ =	swait.ge [sflag:s9], $0x3000  }
0x322: {  	[sflag:s9] =	ssyncset.done $0x0  }
.LBB2_68:
0x323: {  	[sflag:s9] =	ssyncadd.s32 $0xFFFFD000  }
.LBB2_57:
.Ltmp49:
0x324: {  	(pc) =	sbr.rel @p1 .LBB2_58-.Ltmp49, $1  }
0x325: {  	_ =	sdelay $0x3  }
0x326: {  	p0 =	seq.s32 s28, $0x1  }
.Ltmp50:
0x327: {  	_ = 	snop;
	(pc) =	sbr.rel @p0 .LBB2_71-.Ltmp50, $3  }
0x328: {  	_ =	sdelay $0x1  }
0x329: {  	_ =	swait.ge [sflag:s19], $0x3000  }
0x32a: {  	s8 =	sadd.s32 $0xFFFFFFFF, s28;
	[sflag:s19] =	ssyncset.done $0x0  }
.LBB2_70:
0x32b: {  	p0 =	seq.s32 s8, $0x1;
	s8 =	sadd.s32 $0xFFFFFFFF, s8;
	[sflag:s19] =	ssyncadd.s32 $0xFFFFD000  }
.Ltmp51:
0x32c: {  	(pc) =	sbr.rel @!p0 .LBB2_70-.Ltmp51, $3  }
0x32d: {  	_ =	sdelay $0x1  }
0x32e: {  	_ =	swait.ge [sflag:s19], $0x3000  }
0x32f: {  	[sflag:s19] =	ssyncset.done $0x0  }
.LBB2_71:
0x330: {  	[sflag:s19] =	ssyncadd.s32 $0xFFFFD000  }
.LBB2_58:
0x331: {  	p0 =	sgt.s32 s25, $0x0  }
.Ltmp52:
0x332: {  	_ = 	snop;
	(pc) =	sbr.rel @!p0 .LBB2_62-.Ltmp52, $1  }
0x333: {  	_ =	sdelay $0x3  }
0x334: {  	p0 =	sne.s32 s25, $0x1  }
.Ltmp53:
0x335: {  	_ = 	snop;
	(pc) =	sbr.rel @!p0 .LBB2_61-.Ltmp53, $3  }
0x336: {  	_ =	sdelay $0x1  }
0x337: {  	_ =	swait.ge [sflag:s23], $0x3000  }
0x338: {  	s8 =	sadd.s32 $0xFFFFFFFF, s25;
	[sflag:s23] =	ssyncset.done $0x0  }
.LBB2_60:
0x339: {  	p0 =	sne.s32 s8, $0x1;
	s8 =	sadd.s32 $0xFFFFFFFF, s8;
	[sflag:s23] =	ssyncadd.s32 $0xFFFFD000  }
.Ltmp54:
0x33a: {  	(pc) =	sbr.rel @p0 .LBB2_60-.Ltmp54, $3  }
0x33b: {  	_ =	sdelay $0x1  }
0x33c: {  	_ =	swait.ge [sflag:s23], $0x3000  }
0x33d: {  	[sflag:s23] =	ssyncset.done $0x0  }
.Ltmp55:
0x33e: {  	_ = 	snop;
	(pc) =	sbr.rel .LBB2_61-.Ltmp55, $1  }
0x33f: {  	_ =	sdelay $0x3  }
.LBB2_63:
0x340: {  	_ =	sfence.sel $0x180000  }
0x341: {  	[bflag:$0x0] =	sbarrier.arrive $0xFFFF  }
0x342: {  	_ =	strace $0x90000047  }
0x343: {  	s0 =	stileid.u32;
	[bflag:$0x2] =	sbarrier.arrive $0xFFFF  }
0x344: {  	p0 =	sne.s32 s0, $0x0;
	s0 =	rddreg [dreg:$0x4]  }
0x345: {  	s0 =	sadd.s32 @!p0 $0x100000, s0  }
0x346: {  	[sflag:s0] =	ssyncadd.tile.s32 @!p0 $0x1;
	_ =	shalt  }
.Lfunc_end2:
_tile_overlayer_lowered:
.L_overlay_start_2:
0x347: {  	(tag) =	ssettag $0x2  }
0x348: {  	s0 =	rddreg [dreg:$0x0];
	s2 =	stileid.u32  }
0x349: {  	s1 =	rddreg [dreg:$0x1];
	p0 =	sne.s32 s2, $0x0  }
0x34a: {  	s3 =	rddreg [dreg:$0x2];
	[bflag:$0x3] =	sbarrier.arrive $0xFFFF;
	s2 =	simm.s32 @!p0 $0x1C07  }
0x34b: {  	[timem:s3], [sflag:s2] =	dma.local @!p0 [hbm:s0], s1  }
0x34c: {  	s0 =	simm.s32 @!p0 $0x7  }
0x34d: {  	_ =	swait.ge @!p0 [sflag:s0], s1  }
0x34e: {  	s1 =	ssub.s32 @!p0 $0x0, s1;
	[sflag:s0] =	ssyncset.done @!p0 $0x0  }
0x34f: {  	[sflag:s0] =	ssyncadd.s32 @!p0 s1  }
0x350: {  	[bflag:$0x3] =	sbarrier.arrive $0xFFFF  }
0x351: {  	_ =	shalt  }

</sc_bundles>
